<compile_context>
chip_gen: v7x
topology: tpu7x:2x2x1
jax: 0.10.2.dev20260603
libtpu: 0.0.44.dev20260713+nightly
codegen_flags: <defaults>
</compile_context>

<pallas_src>
import functools

import jax
import jax.numpy as jnp
from jax import lax
from jax.experimental import pallas as pl
from jax.experimental.pallas import tpu as pltpu
from jax.experimental.pallas import tpu_sc as plsc

_N = 10000
_DEG = 32
_E = _N * _DEG
_DN = 128
_DE = 16
_DG = 16
_H = 64

_NC = 2
_NS = 16
_NW = _NC * _NS
_EPW = _E // _NW
_GCH = 100
_GIT = _EPW // _GCH
_GRP = 8
_SGRP = 2
_HP = 128
_NPAD = 10240
_RPS = _NPAD // _NS

_BE = 2560
_BN = _BE // _DEG
_EG = _E // _BE
_BNN = 2000
_NG = _N // _BNN


def _sp(x):
    return jnp.maximum(x, 0.0) + jnp.log1p(jnp.exp(-jnp.abs(x)))


def _mm(a, b):
    return lax.dot_general(a, b, (((1,), (0,)), ((), ())),
                           preferred_element_type=jnp.float32)


def _mmT(a, b):
    return lax.dot_general(a, b, (((0,), (0,)), ((), ())),
                           preferred_element_type=jnp.float32)


def _rep_mat(m, n):
    r = lax.broadcasted_iota(jnp.int32, (m, n), 0) // _DEG
    c = lax.broadcasted_iota(jnp.int32, (m, n), 1)
    return (r == c).astype(jnp.float32)


def _prep(params):
    p = params
    ef0w, ef0b = p['edge_fn'][0][0]['w'], p['edge_fn'][0][0]['b']
    ef1w, ef1b = p['edge_fn'][1][0]['w'], p['edge_fn'][1][0]['b']
    nf0w, nf0b = p['node_fn'][0][0]['w'], p['node_fn'][0][0]['b']
    nf1w, nf1b = p['node_fn'][1][0]['w'], p['node_fn'][1][0]['b']
    gf0w, gf0b = p['glob_fn'][0][0]['w'], p['glob_fn'][0][0]['b']
    gf1w, gf1b = p['glob_fn'][1][0]['w'], p['glob_fn'][1][0]['b']
    H = _H
    r1 = lambda b: b.reshape(1, -1)
    w = {
        'we1': p['edge_enc'][0]['w'], 'be1': r1(p['edge_enc'][0]['b']),
        'we2': p['edge_enc'][1]['w'], 'be2': r1(p['edge_enc'][1]['b']),
        'wn1': p['node_enc'][0]['w'], 'bn1': r1(p['node_enc'][0]['b']),
        'wn2': p['node_enc'][1]['w'], 'bn2': r1(p['node_enc'][1]['b']),
        'wg1': p['glob_enc'][0]['w'], 'bg1': r1(p['glob_enc'][0]['b']),
        'wg2': p['glob_enc'][1]['w'], 'bg2': r1(p['glob_enc'][1]['b']),
        'wc0': ef0w[0:H] + ef0w[H:2*H],
        'ws0': ef0w[2*H:3*H] + ef0w[3*H:4*H],
        'wr0': ef0w[4*H:5*H] + ef0w[5*H:6*H],
        'wg0e': ef0w[6*H:7*H] + ef0w[7*H:8*H],
        'b1_0': r1(ef0b),
        'w2_0': p['edge_fn'][0][1]['w'], 'b2_0': r1(p['edge_fn'][0][1]['b']),
        'w1a1': ef1w[0:H], 'w1b1': ef1w[H:2*H],
        'ws1a': ef1w[2*H:3*H], 'ws1b': ef1w[3*H:4*H],
        'wr1a': ef1w[4*H:5*H], 'wr1b': ef1w[5*H:6*H],
        'wg1a': ef1w[6*H:7*H], 'wg1b': ef1w[7*H:8*H],
        'b1_1': r1(ef1b),
        'w2_1': p['edge_fn'][1][1]['w'], 'b2_1': r1(p['edge_fn'][1][1]['b']),
        'wn0ab': nf0w[0:H] + nf0w[H:2*H],
        'wn0inc': nf0w[2*H:3*H], 'wn0og': nf0w[3*H:4*H],
        'wn0g': nf0w[4*H:5*H] + nf0w[5*H:6*H],
        'bnf1_0': r1(nf0b),
        'wnf2_0': p['node_fn'][0][1]['w'], 'bnf2_0': r1(p['node_fn'][0][1]['b']),
        'wn1a': nf1w[0:H], 'wn1b': nf1w[H:2*H],
        'wn1inc': nf1w[2*H:3*H], 'wn1og': nf1w[3*H:4*H],
        'wn1ga': nf1w[4*H:5*H], 'wn1gb': nf1w[5*H:6*H],
        'bnf1_1': r1(nf1b),
        'wnf2_1': p['node_fn'][1][1]['w'], 'bnf2_1': r1(p['node_fn'][1][1]['b']),
        'wg0n': gf0w[0:H], 'wg0e_': gf0w[H:2*H],
        'wg0g': gf0w[2*H:3*H] + gf0w[3*H:4*H],
        'bgf1_0': r1(gf0b),
        'wgf2_0': p['glob_fn'][0][1]['w'], 'bgf2_0': r1(p['glob_fn'][0][1]['b']),
        'wg1n': gf1w[0:H], 'wg1e_': gf1w[H:2*H],
        'wg1ga': gf1w[2*H:3*H], 'wg1gb': gf1w[3*H:4*H],
        'bgf1_1': r1(gf1b),
        'wgf2_1': p['glob_fn'][1][1]['w'], 'bgf2_1': r1(p['glob_fn'][1][1]['b']),
        'wd0': p['decoder'][0]['w'], 'bd0': r1(p['decoder'][0]['b']),
        'wd1': p['decoder'][1]['w'], 'bd1': r1(p['decoder'][1]['b']),
        'wd2': p['decoder'][2]['w'], 'bd2': r1(p['decoder'][2]['b']),
    }
    return w


def _whole(x):
    return pl.BlockSpec(x.shape, lambda *_: (0,) * x.ndim)



def _sc_gather(table, idx3):
    mesh = plsc.VectorSubcoreMesh(core_axis_name="c", subcore_axis_name="s")

    @functools.partial(
        pl.kernel,
        out_type=jax.ShapeDtypeStruct((_E, _HP), jnp.float32),
        mesh=mesh,
        scratch_types=[
            pltpu.VMEM((_GIT, _GCH), jnp.int32),
            pltpu.VMEM((_GRP * _GCH, _HP), jnp.float32),
            pltpu.SemaphoreType.DMA,
        ],
    )
    def k(table_hbm, idx_hbm, out_hbm, idx_v, rows_v, gsem):
        c = lax.axis_index("c")
        s = lax.axis_index("s")
        wid = s * _NC + c
        base = wid * _EPW
        pltpu.sync_copy(idx_hbm.at[wid], idx_v)

        def sup(g, carry):
            ds = [
                pltpu.async_copy(table_hbm.at[idx_v.at[g * _GRP + b]],
                                 rows_v.at[pl.ds(b * _GCH, _GCH)], gsem)
                for b in range(_GRP)
            ]
            for d in ds:
                d.wait()
            pltpu.sync_copy(
                rows_v,
                out_hbm.at[pl.ds(base + g * (_GRP * _GCH), _GRP * _GCH)])
            return carry

        lax.fori_loop(0, _GIT // _GRP, sup, 0)

    return k(table, idx3)


def _sc_scatter(ne, idx3, zer):
    mesh = plsc.VectorSubcoreMesh(core_axis_name="c", subcore_axis_name="s")

    @functools.partial(
        pl.kernel,
        out_type=[jax.ShapeDtypeStruct((_NPAD, _HP), jnp.float32),
                  jax.ShapeDtypeStruct((_NPAD, _HP), jnp.float32)],
        mesh=mesh,
        scratch_types=[
            pltpu.VMEM_SHARED((_NPAD, _HP), jnp.float32),
            pltpu.VMEM((_GIT, _GCH), jnp.int32),
            pltpu.VMEM((_SGRP * _GCH, _HP), jnp.float32),
        ],
    )
    def k(ne_hbm, idx_hbm, zer_hbm, out0_hbm, out1_hbm, acc_sh, idx_v,
          rows_v):
        c = lax.axis_index("c")
        s = lax.axis_index("s")
        wid = s * _NC + c
        base = wid * _EPW
        pltpu.sync_copy(zer_hbm, acc_sh.at[pl.ds(s * _RPS, _RPS)])
        pltpu.sync_copy(idx_hbm.at[wid], idx_v)
        plsc.subcore_barrier()

        def sup(g, carry):
            pltpu.sync_copy(
                ne_hbm.at[pl.ds(base + g * (_SGRP * _GCH), _SGRP * _GCH)],
                rows_v)
            for b in range(_SGRP):
                pltpu.sync_copy(rows_v.at[pl.ds(b * _GCH, _GCH)],
                                acc_sh.at[idx_v.at[g * _SGRP + b]], add=True)
            return carry

        lax.fori_loop(0, _GIT // _SGRP, sup, 0)
        plsc.subcore_barrier()

        @pl.when(c == 0)
        def _():
            pltpu.sync_copy(acc_sh.at[pl.ds(s * _RPS, _RPS)],
                            out0_hbm.at[pl.ds(s * _RPS, _RPS)])

        @pl.when(c == 1)
        def _():
            pltpu.sync_copy(acc_sh.at[pl.ds(s * _RPS, _RPS)],
                            out1_hbm.at[pl.ds(s * _RPS, _RPS)])

    return k(ne, idx3, zer)



def _k_glob_enc(globs2, w):
    def body(g_ref, wg1, bg1, wg2, bg2, wg0e, b1_0, wn0g,
             bnf1_0, encg_ref, ge0_ref, bng0_ref):
        encg = _sp(_mm(_sp(_mm(g_ref[...], wg1[...]) + bg1[...]),
                       wg2[...]) + bg2[...])
        encg_ref[...] = encg
        ge0_ref[...] = _mm(encg, wg0e[...]) + b1_0[...]
        bng0_ref[...] = _mm(encg, wn0g[...]) + bnf1_0[...]

    shp = jax.ShapeDtypeStruct((1, _H), jnp.float32)
    return pl.pallas_call(
        body,
        out_shape=[shp, shp, shp],
    )(globs2, w['wg1'], w['bg1'], w['wg2'], w['bg2'], w['wg0e'],
      w['b1_0'], w['wn0g'], w['bnf1_0'])


def _k_node_enc(nodes, w):
    def body(x_ref, wn1, bn1, wn2, bn2, ws0, wr0, enc_ref, s0_ref, r0_ref):
        h = _sp(_mm(x_ref[...], wn1[...]) + bn1[...])
        enc = _sp(_mm(h, wn2[...]) + bn2[...])
        enc_ref[...] = enc
        s0_ref[...] = _mm(enc, ws0[...])
        r0_ref[...] = jnp.concatenate(
            [_mm(enc, wr0[...]), jnp.zeros((_BNN, _HP - _H), jnp.float32)],
            axis=1)

    outs = [jax.ShapeDtypeStruct((_N, _H), jnp.float32),
            jax.ShapeDtypeStruct((_N, _H), jnp.float32),
            jax.ShapeDtypeStruct((_N, _HP), jnp.float32)]
    ws = [w['wn1'], w['bn1'], w['wn2'], w['bn2'], w['ws0'], w['wr0']]
    return pl.pallas_call(
        body,
        grid=(_NG,),
        in_specs=[pl.BlockSpec((_BNN, _DN), lambda i: (i, 0))] +
                 [_whole(x) for x in ws],
        out_specs=[pl.BlockSpec((_BNN, _H), lambda i: (i, 0)),
                   pl.BlockSpec((_BNN, _H), lambda i: (i, 0)),
                   pl.BlockSpec((_BNN, _HP), lambda i: (i, 0))],
        out_shape=outs,
    )(nodes, *ws)


def _k_edge0(edges_f, rg0, s0, ge0, w):
    def body(xe_ref, rg_ref, s_ref, g_ref, we1, be1, we2, be2, wc0,
             w2_0, b2_0, w1a1, w1b1, ne_ref, t1_ref, og_ref):
        h = _sp(_mm(xe_ref[...], we1[...]) + be1[...])
        enc = _sp(_mm(h, we2[...]) + be2[...])
        emat = _rep_mat(_BE, _BN)
        pre = (_mm(enc, wc0[...]) + rg_ref[:, :_H] + _mm(emat, s_ref[...])
               + g_ref[...])
        ne = _sp(_mm(_sp(pre), w2_0[...]) + b2_0[...])
        ne_ref[...] = jnp.concatenate(
            [ne, jnp.zeros((_BE, _HP - _H), jnp.float32)], axis=1)
        t1_ref[...] = _mm(ne, w1a1[...]) + _mm(enc, w1b1[...])
        og_ref[...] = _mmT(emat, ne)

    ws = [w['we1'], w['be1'], w['we2'], w['be2'], w['wc0'],
          w['w2_0'], w['b2_0'], w['w1a1'], w['w1b1']]
    return pl.pallas_call(
        body,
        grid=(_EG,),
        in_specs=[pl.BlockSpec((_BE, _DE), lambda i: (i, 0)),
                  pl.BlockSpec((_BE, _HP), lambda i: (i, 0)),
                  pl.BlockSpec((_BN, _H), lambda i: (i, 0)),
                  pl.BlockSpec((1, _H), lambda i: (0, 0))] +
                 [_whole(x) for x in ws],
        out_specs=[pl.BlockSpec((_BE, _HP), lambda i: (i, 0)),
                   pl.BlockSpec((_BE, _H), lambda i: (i, 0)),
                   pl.BlockSpec((_BN, _H), lambda i: (i, 0))],
        out_shape=[jax.ShapeDtypeStruct((_E, _HP), jnp.float32),
                   jax.ShapeDtypeStruct((_E, _H), jnp.float32),
                   jax.ShapeDtypeStruct((_N, _H), jnp.float32)],
    )(edges_f, rg0, s0, ge0, *ws)


def _k_node0(encn, inc0a, inc0b, og0, bng0, w):
    def body(enc_ref, inca_ref, incb_ref, og_ref, bng_ref, wn0ab, wn0inc,
             wn0og, wnf2_0, bnf2_0, ws1a, ws1b, wr1a, wr1b,
             nn_ref, s1_ref, r1_ref, nsum_ref, esum_ref):
        enc = enc_ref[...]
        inc = (inca_ref[...] + incb_ref[...])[:, :_H]
        og = og_ref[...]
        pre = (_mm(enc, wn0ab[...]) + _mm(inc, wn0inc[...])
               + _mm(og, wn0og[...]) + bng_ref[...])
        nn = _sp(_mm(_sp(pre), wnf2_0[...]) + bnf2_0[...])
        nn_ref[...] = nn
        s1_ref[...] = _mm(nn, ws1a[...]) + _mm(enc, ws1b[...])
        r1_ref[...] = jnp.concatenate(
            [_mm(nn, wr1a[...]) + _mm(enc, wr1b[...]),
             jnp.zeros((_BNN, _HP - _H), jnp.float32)], axis=1)

        @pl.when(pl.program_id(0) == 0)
        def _():
            nsum_ref[...] = jnp.zeros_like(nsum_ref)
            esum_ref[...] = jnp.zeros_like(esum_ref)

        nsum_ref[...] += jnp.sum(nn, axis=0, keepdims=True)
        esum_ref[...] += jnp.sum(og, axis=0, keepdims=True)

    ws = [w['wn0ab'], w['wn0inc'], w['wn0og'], w['wnf2_0'], w['bnf2_0'],
          w['ws1a'], w['ws1b'], w['wr1a'], w['wr1b']]
    big = jax.ShapeDtypeStruct((_N, _H), jnp.float32)
    vec = jax.ShapeDtypeStruct((1, _H), jnp.float32)
    return pl.pallas_call(
        body,
        grid=(_NG,),
        in_specs=[pl.BlockSpec((_BNN, _H), lambda i: (i, 0)),
                  pl.BlockSpec((_BNN, _HP), lambda i: (i, 0)),
                  pl.BlockSpec((_BNN, _HP), lambda i: (i, 0)),
                  pl.BlockSpec((_BNN, _H), lambda i: (i, 0)),
                  pl.BlockSpec((1, _H), lambda i: (0, 0))] +
                 [_whole(x) for x in ws],
        out_specs=[pl.BlockSpec((_BNN, _H), lambda i: (i, 0)),
                   pl.BlockSpec((_BNN, _H), lambda i: (i, 0)),
                   pl.BlockSpec((_BNN, _HP), lambda i: (i, 0)),
                   pl.BlockSpec((1, _H), lambda i: (0, 0)),
                   pl.BlockSpec((1, _H), lambda i: (0, 0))],
        out_shape=[big, big,
                   jax.ShapeDtypeStruct((_N, _HP), jnp.float32),
                   vec, vec],
    )(encn, inc0a, inc0b, og0, bng0, *ws)


def _k_glob0(nsum1, esum0, encg, w):
    def body(ns_ref, es_ref, encg_ref, wg0n, wg0e_, wg0g, bgf1_0,
             wgf2_0, bgf2_0, wg1a, wg1b, b1_1, wn1ga, wn1gb, bnf1_1,
             ng0_ref, ge1_ref, bng1_ref):
        encg = encg_ref[...]
        pre = (_mm(ns_ref[...], wg0n[...]) + _mm(es_ref[...], wg0e_[...])
               + _mm(encg, wg0g[...]) + bgf1_0[...])
        ng0 = _sp(_mm(_sp(pre), wgf2_0[...]) + bgf2_0[...])
        ng0_ref[...] = ng0
        ge1_ref[...] = _mm(ng0, wg1a[...]) + _mm(encg, wg1b[...]) + b1_1[...]
        bng1_ref[...] = (_mm(ng0, wn1ga[...]) + _mm(encg, wn1gb[...])
                         + bnf1_1[...])

    shp = jax.ShapeDtypeStruct((1, _H), jnp.float32)
    return pl.pallas_call(
        body,
        out_shape=[shp, shp, shp],
    )(nsum1, esum0, encg, w['wg0n'], w['wg0e_'], w['wg0g'], w['bgf1_0'],
      w['wgf2_0'], w['bgf2_0'], w['wg1a'], w['wg1b'], w['b1_1'],
      w['wn1ga'], w['wn1gb'], w['bnf1_1'])


def _k_edge1(t1, rg1, s1, ge1, w):
    def body(t1_ref, rg_ref, s_ref, g_ref, w2_1, b2_1, ne_ref, og_ref):
        emat = _rep_mat(_BE, _BN)
        pre = (t1_ref[...] + rg_ref[:, :_H] + _mm(emat, s_ref[...])
               + g_ref[...])
        ne = _sp(_mm(_sp(pre), w2_1[...]) + b2_1[...])
        ne_ref[...] = jnp.concatenate(
            [ne, jnp.zeros((_BE, _HP - _H), jnp.float32)], axis=1)
        og_ref[...] = _mmT(emat, ne)

    ws = [w['w2_1'], w['b2_1']]
    return pl.pallas_call(
        body,
        grid=(_EG,),
        in_specs=[pl.BlockSpec((_BE, _H), lambda i: (i, 0)),
                  pl.BlockSpec((_BE, _HP), lambda i: (i, 0)),
                  pl.BlockSpec((_BN, _H), lambda i: (i, 0)),
                  pl.BlockSpec((1, _H), lambda i: (0, 0))] +
                 [_whole(x) for x in ws],
        out_specs=[pl.BlockSpec((_BE, _HP), lambda i: (i, 0)),
                   pl.BlockSpec((_BN, _H), lambda i: (i, 0))],
        out_shape=[jax.ShapeDtypeStruct((_E, _HP), jnp.float32),
                   jax.ShapeDtypeStruct((_N, _H), jnp.float32)],
    )(t1, rg1, s1, ge1, *ws)


def _k_node1(nn1, encn, inc1a, inc1b, og1, bng1, w):
    def body(nn_ref, enc_ref, inca_ref, incb_ref, og_ref, bng_ref, wn1a,
             wn1b, wn1inc, wn1og, wnf2_1, bnf2_1, nsum_ref, esum_ref):
        inc = (inca_ref[...] + incb_ref[...])[:, :_H]
        og = og_ref[...]
        pre = (_mm(nn_ref[...], wn1a[...]) + _mm(enc_ref[...], wn1b[...])
               + _mm(inc, wn1inc[...]) + _mm(og, wn1og[...]) + bng_ref[...])
        nn2 = _sp(_mm(_sp(pre), wnf2_1[...]) + bnf2_1[...])

        @pl.when(pl.program_id(0) == 0)
        def _():
            nsum_ref[...] = jnp.zeros_like(nsum_ref)
            esum_ref[...] = jnp.zeros_like(esum_ref)

        nsum_ref[...] += jnp.sum(nn2, axis=0, keepdims=True)
        esum_ref[...] += jnp.sum(og, axis=0, keepdims=True)

    ws = [w['wn1a'], w['wn1b'], w['wn1inc'], w['wn1og'], w['wnf2_1'],
          w['bnf2_1']]
    vec = jax.ShapeDtypeStruct((1, _H), jnp.float32)
    return pl.pallas_call(
        body,
        grid=(_NG,),
        in_specs=[pl.BlockSpec((_BNN, _H), lambda i: (i, 0)),
                  pl.BlockSpec((_BNN, _H), lambda i: (i, 0)),
                  pl.BlockSpec((_BNN, _HP), lambda i: (i, 0)),
                  pl.BlockSpec((_BNN, _HP), lambda i: (i, 0)),
                  pl.BlockSpec((_BNN, _H), lambda i: (i, 0)),
                  pl.BlockSpec((1, _H), lambda i: (0, 0))] +
                 [_whole(x) for x in ws],
        out_specs=[pl.BlockSpec((1, _H), lambda i: (0, 0)),
                   pl.BlockSpec((1, _H), lambda i: (0, 0))],
        out_shape=[vec, vec],
    )(nn1, encn, inc1a, inc1b, og1, bng1, *ws)


def _k_glob1_dec(nsum2, esum1, ng0, encg, w):
    def body(ns_ref, es_ref, ng0_ref, encg_ref, wg1n, wg1e_, wg1ga,
             wg1gb, bgf1_1, wgf2_1, bgf2_1, wd0, bd0, wd1, bd1, wd2, bd2,
             out_ref):
        pre = (_mm(ns_ref[...], wg1n[...]) + _mm(es_ref[...], wg1e_[...])
               + _mm(ng0_ref[...], wg1ga[...])
               + _mm(encg_ref[...], wg1gb[...]) + bgf1_1[...])
        ng1 = _sp(_mm(_sp(pre), wgf2_1[...]) + bgf2_1[...])
        d = _sp(_mm(ng1, wd0[...]) + bd0[...])
        d = _sp(_mm(d, wd1[...]) + bd1[...])
        out_ref[...] = _mm(d, wd2[...]) + bd2[...]

    return pl.pallas_call(
        body,
        out_shape=jax.ShapeDtypeStruct((1, 1), jnp.float32),
    )(nsum2, esum1, ng0, encg, w['wg1n'], w['wg1e_'], w['wg1ga'],
      w['wg1gb'], w['bgf1_1'], w['wgf2_1'], w['bgf2_1'],
      w['wd0'], w['bd0'], w['wd1'], w['bd1'], w['wd2'], w['bd2'])


_DIAG_GATHER_XLA = False
_DIAG_SCATTER_XLA = False


def kernel(nodes, edges, globs, edge_idx, params):
    w = _prep(params)
    edges_f = edges.reshape(_E, _DE)
    idxf = edge_idx.reshape(_E).astype(jnp.int32)
    idx3 = edge_idx.reshape(_E).astype(jnp.int32).reshape(_NW, _GIT, _GCH)

    global _sc_gather, _sc_scatter
    if _DIAG_GATHER_XLA:
        _sc_gather = lambda table, _i: jnp.take(table, idxf, axis=0)
    if _DIAG_SCATTER_XLA:
        def _sc_scatter(ne, _i, _z):
            full = jax.ops.segment_sum(ne, idxf, num_segments=_NPAD)
            return full, jnp.zeros_like(full)
    globs2 = globs.reshape(1, _DG)
    zer = jnp.zeros((_RPS, _HP), jnp.float32)

    encg, ge0, bng0 = _k_glob_enc(globs2, w)
    encn, s0, r0 = _k_node_enc(nodes, w)
    rg0 = _sc_gather(r0, idx3)
    ne0, t1, og0 = _k_edge0(edges_f, rg0, s0, ge0, w)
    inc0a, inc0b = _sc_scatter(ne0, idx3, zer)
    nn1, s1, r1, nsum1, esum0 = _k_node0(encn, inc0a, inc0b, og0, bng0, w)
    ng0, ge1, bng1 = _k_glob0(nsum1, esum0, encg, w)
    rg1 = _sc_gather(r1, idx3)
    ne1, og1 = _k_edge1(t1, rg1, s1, ge1, w)
    inc1a, inc1b = _sc_scatter(ne1, idx3, zer)
    nsum2, esum1 = _k_node1(nn1, encn, inc1a, inc1b, og1, bng1, w)
    out = _k_glob1_dec(nsum2, esum1, ng0, encg, w)
    return jnp.reshape(out, ())

# --- scband reference (transcript-rebuilt; emitter-appended) ---
"""Pipeline reference for scband-energy-graph-net-88210038325376 (READ-ONLY COPY).

The authoritative reference and input builder live on the scoring server;
editing this copy changes nothing except your own understanding.
"""

import jax, jax.numpy as jnp
import numpy as np

N_NODES = 10000
MAX_DEG = 32
D_NODE = 128
D_EDGE = 16
D_GLOB = 16
HID = 64
N_REC = 2


def mlp_params(key, sizes):
    params = []
    for i in range(len(sizes) - 1):
        key, k1, k2 = jax.random.split(key, 3)
        w = jax.random.normal(k1, (sizes[i], sizes[i + 1]), jnp.float32) / np.sqrt(sizes[i])
        b = jax.random.normal(k2, (sizes[i + 1],), jnp.float32) * np.sqrt(0.1 / sizes[i])
        params.append({'w': w, 'b': b})
    return params


def mlp_apply(params, x, activate_final):
    for i, p in enumerate(params):
        x = x @ p['w'] + p['b']
        if i < len(params) - 1 or activate_final:
            x = jax.nn.softplus(x)
    return x


def setup_inputs(seed: int = 0):
    key = jax.random.key(seed)
    ks = jax.random.split(key, 5)
    nodes = jax.random.normal(ks[0], (N_NODES, D_NODE), jnp.float32)
    edges = jax.random.normal(ks[1], (N_NODES, MAX_DEG, D_EDGE), jnp.float32)
    globs = jax.random.normal(ks[2], (D_GLOB,), jnp.float32)
    edge_idx = jax.random.randint(ks[3], (N_NODES, MAX_DEG), 0, N_NODES)
    kp = jax.random.split(ks[4], 10)
    params = {
        'node_enc': mlp_params(kp[0], [D_NODE, HID, HID]),
        'edge_enc': mlp_params(kp[1], [D_EDGE, HID, HID]),
        'glob_enc': mlp_params(kp[2], [D_GLOB, HID, HID]),
        'edge_fn': [mlp_params(kp[3 + r], [8 * HID, HID, HID]) for r in range(N_REC)],
        'node_fn': [mlp_params(kp[5 + r], [6 * HID, HID, HID]) for r in range(N_REC)],
        'glob_fn': [mlp_params(kp[7 + r], [4 * HID, HID, HID]) for r in range(N_REC)],
        'decoder': mlp_params(kp[9], [HID, HID, HID, 1]),
    }
    return {'nodes': nodes, 'edges': edges, 'globs': globs, 'edge_idx': edge_idx, 'params': params}


def graphnet_forward(nodes, edges, globs, edge_idx, params):
    N = nodes.shape[0]
    deg = edge_idx.shape[1]
    enc_nodes = mlp_apply(params['node_enc'], nodes, True)
    enc_edges = mlp_apply(params['edge_enc'], edges, True)
    enc_glob = mlp_apply(params['glob_enc'], globs, True)
    out_nodes, out_edges, out_glob = enc_nodes, enc_edges, enc_glob
    mask = (edge_idx < N)[..., None]
    for r in range(N_REC):
        in_nodes = jnp.concatenate([out_nodes, enc_nodes], axis=-1)
        in_edges = jnp.concatenate([out_edges, enc_edges], axis=-1)
        in_glob = jnp.concatenate([out_glob, enc_glob], axis=-1)
        senders = jnp.broadcast_to(in_nodes[:, None, :], (N, deg, in_nodes.shape[-1]))
        receivers = in_nodes[edge_idx]
        glob_e = jnp.broadcast_to(in_glob, (N, deg, in_glob.shape[-1]))
        edge_in = jnp.concatenate([in_edges, senders, receivers, glob_e], axis=-1)
        new_edges = jnp.where(mask, mlp_apply(params['edge_fn'][r], edge_in, True), 0.0)
        incoming = jax.ops.segment_sum(new_edges.reshape(-1, new_edges.shape[-1]), edge_idx.reshape(-1), num_segments=N)
        outgoing = jnp.sum(new_edges, axis=1)
        glob_n = jnp.broadcast_to(in_glob, (N, in_glob.shape[-1]))
        node_in = jnp.concatenate([in_nodes, incoming, outgoing, glob_n], axis=-1)
        new_nodes = mlp_apply(params['node_fn'][r], node_in, True)
        glob_in = jnp.concatenate([jnp.sum(new_nodes, axis=0), jnp.sum(new_edges, axis=(0, 1)), in_glob], axis=-1)
        new_glob = mlp_apply(params['glob_fn'][r], glob_in, True)
        out_nodes, out_edges, out_glob = new_nodes, new_edges, new_glob
    dec = mlp_apply(params['decoder'], out_glob, False)
    return jnp.squeeze(dec, axis=-1)


def reference(nodes, edges, globs, edge_idx, params):
    return graphnet_forward(nodes, edges, globs, edge_idx, params)

if __name__ == "__main__":
    import jax
    _d = setup_inputs()
    print(jax.jit(kernel)(*tuple(_d.values())))

</pallas_src>

<mosaic_0001>
#map = affine_map<(d0, d1) -> (0, 0)>
#map1 = affine_map<(d0, d1) -> (0, 0, 0)>
module attributes {stable_mosaic.version = 14 : i64} {
  func.func @k(%arg0: i32, %arg1: i32, %arg2: memref<320000x128xf32, #tpu.memory_space<hbm>>, %arg3: memref<32x100x100xi32, #tpu.memory_space<hbm>>, %arg4: memref<640x128xf32, #tpu.memory_space<hbm>>, %arg5: memref<10240x128xf32, #tpu.memory_space<hbm>>, %arg6: memref<10240x128xf32, #tpu.memory_space<hbm>>, %arg7: memref<10240x128xf32, #tpu.memory_space<vmem_shared>>, %arg8: memref<100x100xi32, #tpu.memory_space<vmem>>, %arg9: memref<200x128xf32, #tpu.memory_space<vmem>>) attributes {dimension_semantics = [#tpu.dimension_semantics<core_parallel>, #tpu.dimension_semantics<subcore_parallel>], iteration_bounds = array<i64: 2, 16>, scalar_prefetch = 0 : i64, scratch_operands = 3 : i64, tpu.core_type = #tpu.core_type<sc_vector_subcore>, window_params = [{transform_indices = #map}, {transform_indices = #map1}, {transform_indices = #map}, {transform_indices = #map}, {transform_indices = #map}]} {
    %mul3A = arith.constant 2 : i32
    %mul3A_0 = arith.muli %arg1, %mul3A : i32
    %add3A = arith.addi %mul3A_0, %arg0 : i32
    %mul3A_1 = arith.constant 10000 : i32
    %mul3A_2 = arith.muli %add3A, %mul3A_1 : i32
    %mul3A_3 = arith.constant 640 : i32
    %mul3A_4 = arith.muli %arg1, %mul3A_3 : i32
    "tpu.region"() ({
      %run_scoped3A = tpu.sem_alloc : memref<!tpu.dma_semaphore, #tpu.memory_space<semaphore_mem>>
      %dma_start3A = arith.constant 0 : i32
      %dma_start3A_18 = tpu.memref_slice %arg7[%mul3A_4, %dma_start3A] : memref<10240x128xf32, #tpu.memory_space<vmem_shared>> -> memref<640x128xf32, #tpu.memory_space<vmem_shared>>
      tpu.enqueue_dma source(%arg4 : memref<640x128xf32, #tpu.memory_space<hbm>>) target(%dma_start3A_18 : memref<640x128xf32, #tpu.memory_space<vmem_shared>>) target_semaphore(%run_scoped3A : memref<!tpu.dma_semaphore, #tpu.memory_space<semaphore_mem>>)
      %dma_wait3A = arith.constant 0 : i32
      %dma_wait3A_19 = tpu.memref_slice %arg7[%mul3A_4, %dma_wait3A] : memref<10240x128xf32, #tpu.memory_space<vmem_shared>> -> memref<640x128xf32, #tpu.memory_space<vmem_shared>>
      tpu.wait_dma2 semaphore(%run_scoped3A : memref<!tpu.dma_semaphore, #tpu.memory_space<semaphore_mem>>) src(%arg4 : memref<640x128xf32, #tpu.memory_space<hbm>>) dst(%dma_wait3A_19 : memref<640x128xf32, #tpu.memory_space<vmem_shared>>)
      tpu.yield
    }) : () -> ()
    "tpu.region"() ({
      %run_scoped3A = tpu.sem_alloc : memref<!tpu.dma_semaphore, #tpu.memory_space<semaphore_mem>>
      %dma_start3A = arith.constant 0 : i32
      %dma_start3A_18 = arith.constant 0 : i32
      %dma_start3A_19 = tpu.memref_slice %arg3[%add3A, %dma_start3A, %dma_start3A_18] : memref<32x100x100xi32, #tpu.memory_space<hbm>> -> memref<1x100x100xi32, #tpu.memory_space<hbm>>
      %dma_start3A_20 = tpu.memref_squeeze %dma_start3A_19 : memref<1x100x100xi32, #tpu.memory_space<hbm>> -> memref<100x100xi32, #tpu.memory_space<hbm>>
      %dma_start3A_21 = arith.constant 0 : i32
      %dma_start3A_22 = arith.constant 0 : i32
      %dma_start3A_23 = tpu.memref_slice %arg3[%add3A, %dma_start3A_21, %dma_start3A_22] : memref<32x100x100xi32, #tpu.memory_space<hbm>> -> memref<1x100x100xi32, #tpu.memory_space<hbm>>
      %dma_start3A_24 = tpu.memref_squeeze %dma_start3A_23 : memref<1x100x100xi32, #tpu.memory_space<hbm>> -> memref<100x100xi32, #tpu.memory_space<hbm>>
      tpu.enqueue_dma source(%dma_start3A_24 : memref<100x100xi32, #tpu.memory_space<hbm>>) target(%arg8 : memref<100x100xi32, #tpu.memory_space<vmem>>) target_semaphore(%run_scoped3A : memref<!tpu.dma_semaphore, #tpu.memory_space<semaphore_mem>>)
      %dma_wait3A = arith.constant 0 : i32
      %dma_wait3A_25 = arith.constant 0 : i32
      %dma_wait3A_26 = tpu.memref_slice %arg3[%add3A, %dma_wait3A, %dma_wait3A_25] : memref<32x100x100xi32, #tpu.memory_space<hbm>> -> memref<1x100x100xi32, #tpu.memory_space<hbm>>
      %dma_wait3A_27 = tpu.memref_squeeze %dma_wait3A_26 : memref<1x100x100xi32, #tpu.memory_space<hbm>> -> memref<100x100xi32, #tpu.memory_space<hbm>>
      %dma_wait3A_28 = arith.constant 0 : i32
      %dma_wait3A_29 = arith.constant 0 : i32
      %dma_wait3A_30 = tpu.memref_slice %arg3[%add3A, %dma_wait3A_28, %dma_wait3A_29] : memref<32x100x100xi32, #tpu.memory_space<hbm>> -> memref<1x100x100xi32, #tpu.memory_space<hbm>>
      %dma_wait3A_31 = tpu.memref_squeeze %dma_wait3A_30 : memref<1x100x100xi32, #tpu.memory_space<hbm>> -> memref<100x100xi32, #tpu.memory_space<hbm>>
      tpu.wait_dma2 semaphore(%run_scoped3A : memref<!tpu.dma_semaphore, #tpu.memory_space<semaphore_mem>>) src(%dma_wait3A_31 : memref<100x100xi32, #tpu.memory_space<hbm>>) dst(%arg8 : memref<100x100xi32, #tpu.memory_space<vmem>>)
      tpu.yield
    }) : () -> ()
    %barrier3A = arith.constant 0 : index
    tpu.barrier barrier_id(%barrier3A)
    %scan3A = arith.constant 0 : i32
    %scan3A_5 = arith.constant 0 : i32
    %scan3A_6 = arith.constant 50 : i32
    %scan3A_7 = arith.addi %scan3A_5, %scan3A_6 : i32
    %scan3A_8 = arith.constant 1 : i32
    scf.for %scan3A_18 = %scan3A_5 to %scan3A_7 step %scan3A_8  : i32 {
      %mul3A_19 = arith.constant 200 : i32
      %mul3A_20 = arith.muli %scan3A_18, %mul3A_19 : i32
      %add3A_21 = arith.addi %mul3A_2, %mul3A_20 : i32
      "tpu.region"() ({
        %run_scoped3A = tpu.sem_alloc : memref<!tpu.dma_semaphore, #tpu.memory_space<semaphore_mem>>
        %dma_start3A = arith.constant 0 : i32
        %dma_start3A_30 = tpu.memref_slice %arg2[%add3A_21, %dma_start3A] : memref<320000x128xf32, #tpu.memory_space<hbm>> -> memref<200x128xf32, #tpu.memory_space<hbm>>
        %dma_start3A_31 = arith.constant 0 : i32
        %dma_start3A_32 = tpu.memref_slice %arg2[%add3A_21, %dma_start3A_31] : memref<320000x128xf32, #tpu.memory_space<hbm>> -> memref<200x128xf32, #tpu.memory_space<hbm>>
        tpu.enqueue_dma source(%dma_start3A_32 : memref<200x128xf32, #tpu.memory_space<hbm>>) target(%arg9 : memref<200x128xf32, #tpu.memory_space<vmem>>) target_semaphore(%run_scoped3A : memref<!tpu.dma_semaphore, #tpu.memory_space<semaphore_mem>>)
        %dma_wait3A = arith.constant 0 : i32
        %dma_wait3A_33 = tpu.memref_slice %arg2[%add3A_21, %dma_wait3A] : memref<320000x128xf32, #tpu.memory_space<hbm>> -> memref<200x128xf32, #tpu.memory_space<hbm>>
        %dma_wait3A_34 = arith.constant 0 : i32
        %dma_wait3A_35 = tpu.memref_slice %arg2[%add3A_21, %dma_wait3A_34] : memref<320000x128xf32, #tpu.memory_space<hbm>> -> memref<200x128xf32, #tpu.memory_space<hbm>>
        tpu.wait_dma2 semaphore(%run_scoped3A : memref<!tpu.dma_semaphore, #tpu.memory_space<semaphore_mem>>) src(%dma_wait3A_35 : memref<200x128xf32, #tpu.memory_space<hbm>>) dst(%arg9 : memref<200x128xf32, #tpu.memory_space<vmem>>)
        tpu.yield
      }) : () -> ()
      %mul3A_22 = arith.constant 2 : i32
      %mul3A_23 = arith.muli %scan3A_18, %mul3A_22 : i32
      %add3A_24 = arith.constant 0 : i32
      %add3A_25 = arith.addi %mul3A_23, %add3A_24 : i32
      "tpu.region"() ({
        %run_scoped3A = tpu.sem_alloc : memref<!tpu.dma_semaphore, #tpu.memory_space<semaphore_mem>>
        %dma_start3A = arith.constant 0 : i32
        %dma_start3A_30 = arith.constant 0 : i32
        %dma_start3A_31 = tpu.memref_slice %arg9[%dma_start3A, %dma_start3A_30] : memref<200x128xf32, #tpu.memory_space<vmem>> -> memref<100x128xf32, #tpu.memory_space<vmem>>
        %dma_start3A_32 = arith.constant 0 : i32
        %dma_start3A_33 = tpu.memref_slice %arg8[%add3A_25, %dma_start3A_32] : memref<100x100xi32, #tpu.memory_space<vmem>> -> memref<1x100xi32, #tpu.memory_space<vmem>>
        %dma_start3A_34 = tpu.memref_squeeze %dma_start3A_33 : memref<1x100xi32, #tpu.memory_space<vmem>> -> memref<100xi32, #tpu.memory_space<vmem>>
        %dma_start3A_35 = arith.constant 0 : i32
        %dma_start3A_36 = arith.constant 0 : i32
        %dma_start3A_37 = tpu.memref_slice %arg7[%dma_start3A_35, %dma_start3A_36] : memref<10240x128xf32, #tpu.memory_space<vmem_shared>> -> memref<10240x128xf32, #tpu.memory_space<vmem_shared>>
        tpu.enqueue_indirect_dma source(%dma_start3A_31 : memref<100x128xf32, #tpu.memory_space<vmem>>) target(%dma_start3A_37 : memref<10240x128xf32, #tpu.memory_space<vmem_shared>>) offsets(%dma_start3A_34 : memref<100xi32, #tpu.memory_space<vmem>>) semaphore(%run_scoped3A : memref<!tpu.dma_semaphore, #tpu.memory_space<semaphore_mem>>) {add = true}
        %dma_wait3A = arith.constant 0 : i32
        %dma_wait3A_38 = arith.constant 0 : i32
        %dma_wait3A_39 = tpu.memref_slice %arg9[%dma_wait3A, %dma_wait3A_38] : memref<200x128xf32, #tpu.memory_space<vmem>> -> memref<100x128xf32, #tpu.memory_space<vmem>>
        %dma_wait3A_40 = arith.constant 0 : i32
        %dma_wait3A_41 = tpu.memref_slice %arg8[%add3A_25, %dma_wait3A_40] : memref<100x100xi32, #tpu.memory_space<vmem>> -> memref<1x100xi32, #tpu.memory_space<vmem>>
        %dma_wait3A_42 = tpu.memref_squeeze %dma_wait3A_41 : memref<1x100xi32, #tpu.memory_space<vmem>> -> memref<100xi32, #tpu.memory_space<vmem>>
        %dma_wait3A_43 = arith.constant 0 : i32
        %dma_wait3A_44 = arith.constant 0 : i32
        %dma_wait3A_45 = tpu.memref_slice %arg7[%dma_wait3A_43, %dma_wait3A_44] : memref<10240x128xf32, #tpu.memory_space<vmem_shared>> -> memref<10240x128xf32, #tpu.memory_space<vmem_shared>>
        tpu.wait_indirect_dma semaphore(%run_scoped3A : memref<!tpu.dma_semaphore, #tpu.memory_space<semaphore_mem>>) src(%dma_wait3A_39 : memref<100x128xf32, #tpu.memory_space<vmem>>) dst(%dma_wait3A_45 : memref<10240x128xf32, #tpu.memory_space<vmem_shared>>)
        tpu.yield
      }) : () -> ()
      %mul3A_26 = arith.constant 2 : i32
      %mul3A_27 = arith.muli %scan3A_18, %mul3A_26 : i32
      %add3A_28 = arith.constant 1 : i32
      %add3A_29 = arith.addi %mul3A_27, %add3A_28 : i32
      "tpu.region"() ({
        %run_scoped3A = tpu.sem_alloc : memref<!tpu.dma_semaphore, #tpu.memory_space<semaphore_mem>>
        %dma_start3A = arith.constant 100 : i32
        %dma_start3A_30 = arith.constant 0 : i32
        %dma_start3A_31 = tpu.memref_slice %arg9[%dma_start3A, %dma_start3A_30] : memref<200x128xf32, #tpu.memory_space<vmem>> -> memref<100x128xf32, #tpu.memory_space<vmem>>
        %dma_start3A_32 = arith.constant 0 : i32
        %dma_start3A_33 = tpu.memref_slice %arg8[%add3A_29, %dma_start3A_32] : memref<100x100xi32, #tpu.memory_space<vmem>> -> memref<1x100xi32, #tpu.memory_space<vmem>>
        %dma_start3A_34 = tpu.memref_squeeze %dma_start3A_33 : memref<1x100xi32, #tpu.memory_space<vmem>> -> memref<100xi32, #tpu.memory_space<vmem>>
        %dma_start3A_35 = arith.constant 0 : i32
        %dma_start3A_36 = arith.constant 0 : i32
        %dma_start3A_37 = tpu.memref_slice %arg7[%dma_start3A_35, %dma_start3A_36] : memref<10240x128xf32, #tpu.memory_space<vmem_shared>> -> memref<10240x128xf32, #tpu.memory_space<vmem_shared>>
        tpu.enqueue_indirect_dma source(%dma_start3A_31 : memref<100x128xf32, #tpu.memory_space<vmem>>) target(%dma_start3A_37 : memref<10240x128xf32, #tpu.memory_space<vmem_shared>>) offsets(%dma_start3A_34 : memref<100xi32, #tpu.memory_space<vmem>>) semaphore(%run_scoped3A : memref<!tpu.dma_semaphore, #tpu.memory_space<semaphore_mem>>) {add = true}
        %dma_wait3A = arith.constant 100 : i32
        %dma_wait3A_38 = arith.constant 0 : i32
        %dma_wait3A_39 = tpu.memref_slice %arg9[%dma_wait3A, %dma_wait3A_38] : memref<200x128xf32, #tpu.memory_space<vmem>> -> memref<100x128xf32, #tpu.memory_space<vmem>>
        %dma_wait3A_40 = arith.constant 0 : i32
        %dma_wait3A_41 = tpu.memref_slice %arg8[%add3A_29, %dma_wait3A_40] : memref<100x100xi32, #tpu.memory_space<vmem>> -> memref<1x100xi32, #tpu.memory_space<vmem>>
        %dma_wait3A_42 = tpu.memref_squeeze %dma_wait3A_41 : memref<1x100xi32, #tpu.memory_space<vmem>> -> memref<100xi32, #tpu.memory_space<vmem>>
        %dma_wait3A_43 = arith.constant 0 : i32
        %dma_wait3A_44 = arith.constant 0 : i32
        %dma_wait3A_45 = tpu.memref_slice %arg7[%dma_wait3A_43, %dma_wait3A_44] : memref<10240x128xf32, #tpu.memory_space<vmem_shared>> -> memref<10240x128xf32, #tpu.memory_space<vmem_shared>>
        tpu.wait_indirect_dma semaphore(%run_scoped3A : memref<!tpu.dma_semaphore, #tpu.memory_space<semaphore_mem>>) src(%dma_wait3A_39 : memref<100x128xf32, #tpu.memory_space<vmem>>) dst(%dma_wait3A_45 : memref<10240x128xf32, #tpu.memory_space<vmem_shared>>)
        tpu.yield
      }) : () -> ()
    }
    %scan3A_9 = arith.constant 50 : i32
    %barrier3A_10 = arith.constant 0 : index
    tpu.barrier barrier_id(%barrier3A_10)
    %eq3A = arith.constant 0 : i32
    %eq3A_11 = arith.cmpi eq, %arg0, %eq3A : i32
    %convert_element_type3A = arith.extui %eq3A_11 : i1 to i32
    %cond3A = arith.constant 0 : i32
    %cond3A_12 = arith.cmpi ne, %convert_element_type3A, %cond3A : i32
    scf.if %cond3A_12 {
      %mul3A_18 = arith.constant 640 : i32
      %mul3A_19 = arith.muli %arg1, %mul3A_18 : i32
      %mul3A_20 = arith.constant 640 : i32
      %mul3A_21 = arith.muli %arg1, %mul3A_20 : i32
      "tpu.region"() ({
        %run_scoped3A = tpu.sem_alloc : memref<!tpu.dma_semaphore, #tpu.memory_space<semaphore_mem>>
        %dma_start3A = arith.constant 0 : i32
        %dma_start3A_22 = tpu.memref_slice %arg5[%mul3A_21, %dma_start3A] : memref<10240x128xf32, #tpu.memory_space<hbm>> -> memref<640x128xf32, #tpu.memory_space<hbm>>
        %dma_start3A_23 = arith.constant 0 : i32
        %dma_start3A_24 = tpu.memref_slice %arg7[%mul3A_19, %dma_start3A_23] : memref<10240x128xf32, #tpu.memory_space<vmem_shared>> -> memref<640x128xf32, #tpu.memory_space<vmem_shared>>
        tpu.enqueue_dma source(%dma_start3A_24 : memref<640x128xf32, #tpu.memory_space<vmem_shared>>) target(%dma_start3A_22 : memref<640x128xf32, #tpu.memory_space<hbm>>) target_semaphore(%run_scoped3A : memref<!tpu.dma_semaphore, #tpu.memory_space<semaphore_mem>>)
        %dma_wait3A = arith.constant 0 : i32
        %dma_wait3A_25 = tpu.memref_slice %arg5[%mul3A_21, %dma_wait3A] : memref<10240x128xf32, #tpu.memory_space<hbm>> -> memref<640x128xf32, #tpu.memory_space<hbm>>
        %dma_wait3A_26 = arith.constant 0 : i32
        %dma_wait3A_27 = tpu.memref_slice %arg7[%mul3A_19, %dma_wait3A_26] : memref<10240x128xf32, #tpu.memory_space<vmem_shared>> -> memref<640x128xf32, #tpu.memory_space<vmem_shared>>
        tpu.wait_dma2 semaphore(%run_scoped3A : memref<!tpu.dma_semaphore, #tpu.memory_space<semaphore_mem>>) src(%dma_wait3A_27 : memref<640x128xf32, #tpu.memory_space<vmem_shared>>) dst(%dma_wait3A_25 : memref<640x128xf32, #tpu.memory_space<hbm>>)
        tpu.yield
      }) : () -> ()
    } else {
    }
    %eq3A_13 = arith.constant 1 : i32
    %eq3A_14 = arith.cmpi eq, %arg0, %eq3A_13 : i32
    %convert_element_type3A_15 = arith.extui %eq3A_14 : i1 to i32
    %cond3A_16 = arith.constant 0 : i32
    %cond3A_17 = arith.cmpi ne, %convert_element_type3A_15, %cond3A_16 : i32
    scf.if %cond3A_17 {
      %mul3A_18 = arith.constant 640 : i32
      %mul3A_19 = arith.muli %arg1, %mul3A_18 : i32
      %mul3A_20 = arith.constant 640 : i32
      %mul3A_21 = arith.muli %arg1, %mul3A_20 : i32
      "tpu.region"() ({
        %run_scoped3A = tpu.sem_alloc : memref<!tpu.dma_semaphore, #tpu.memory_space<semaphore_mem>>
        %dma_start3A = arith.constant 0 : i32
        %dma_start3A_22 = tpu.memref_slice %arg6[%mul3A_21, %dma_start3A] : memref<10240x128xf32, #tpu.memory_space<hbm>> -> memref<640x128xf32, #tpu.memory_space<hbm>>
        %dma_start3A_23 = arith.constant 0 : i32
        %dma_start3A_24 = tpu.memref_slice %arg7[%mul3A_19, %dma_start3A_23] : memref<10240x128xf32, #tpu.memory_space<vmem_shared>> -> memref<640x128xf32, #tpu.memory_space<vmem_shared>>
        tpu.enqueue_dma source(%dma_start3A_24 : memref<640x128xf32, #tpu.memory_space<vmem_shared>>) target(%dma_start3A_22 : memref<640x128xf32, #tpu.memory_space<hbm>>) target_semaphore(%run_scoped3A : memref<!tpu.dma_semaphore, #tpu.memory_space<semaphore_mem>>)
        %dma_wait3A = arith.constant 0 : i32
        %dma_wait3A_25 = tpu.memref_slice %arg6[%mul3A_21, %dma_wait3A] : memref<10240x128xf32, #tpu.memory_space<hbm>> -> memref<640x128xf32, #tpu.memory_space<hbm>>
        %dma_wait3A_26 = arith.constant 0 : i32
        %dma_wait3A_27 = tpu.memref_slice %arg7[%mul3A_19, %dma_wait3A_26] : memref<10240x128xf32, #tpu.memory_space<vmem_shared>> -> memref<640x128xf32, #tpu.memory_space<vmem_shared>>
        tpu.wait_dma2 semaphore(%run_scoped3A : memref<!tpu.dma_semaphore, #tpu.memory_space<semaphore_mem>>) src(%dma_wait3A_27 : memref<640x128xf32, #tpu.memory_space<vmem_shared>>) dst(%dma_wait3A_25 : memref<640x128xf32, #tpu.memory_space<hbm>>)
        tpu.yield
      }) : () -> ()
    } else {
    }
    return
  }
}

#map = affine_map<(d0, d1) -> (0, 0)>
#map1 = affine_map<(d0, d1) -> (0, 0, 0)>
module attributes {stable_mosaic.version = 14 : i64} {
  func.func @k(%arg0: i32, %arg1: i32, %arg2: memref<10000x128xf32, #tpu.memory_space<hbm>>, %arg3: memref<32x100x100xi32, #tpu.memory_space<hbm>>, %arg4: memref<320000x128xf32, #tpu.memory_space<hbm>>, %arg5: memref<100x100xi32, #tpu.memory_space<vmem>>, %arg6: memref<800x128xf32, #tpu.memory_space<vmem>>, %arg7: memref<!tpu.dma_semaphore, #tpu.memory_space<semaphore_mem>>) attributes {dimension_semantics = [#tpu.dimension_semantics<core_parallel>, #tpu.dimension_semantics<subcore_parallel>], iteration_bounds = array<i64: 2, 16>, scalar_prefetch = 0 : i64, scratch_operands = 3 : i64, tpu.core_type = #tpu.core_type<sc_vector_subcore>, window_params = [{transform_indices = #map}, {transform_indices = #map1}, {transform_indices = #map}]} {
    %mul3A = arith.constant 2 : i32
    %mul3A_0 = arith.muli %arg1, %mul3A : i32
    %add3A = arith.addi %mul3A_0, %arg0 : i32
    %mul3A_1 = arith.constant 10000 : i32
    %mul3A_2 = arith.muli %add3A, %mul3A_1 : i32
    "tpu.region"() ({
      %run_scoped3A = tpu.sem_alloc : memref<!tpu.dma_semaphore, #tpu.memory_space<semaphore_mem>>
      %dma_start3A = arith.constant 0 : i32
      %dma_start3A_8 = arith.constant 0 : i32
      %dma_start3A_9 = tpu.memref_slice %arg3[%add3A, %dma_start3A, %dma_start3A_8] : memref<32x100x100xi32, #tpu.memory_space<hbm>> -> memref<1x100x100xi32, #tpu.memory_space<hbm>>
      %dma_start3A_10 = tpu.memref_squeeze %dma_start3A_9 : memref<1x100x100xi32, #tpu.memory_space<hbm>> -> memref<100x100xi32, #tpu.memory_space<hbm>>
      %dma_start3A_11 = arith.constant 0 : i32
      %dma_start3A_12 = arith.constant 0 : i32
      %dma_start3A_13 = tpu.memref_slice %arg3[%add3A, %dma_start3A_11, %dma_start3A_12] : memref<32x100x100xi32, #tpu.memory_space<hbm>> -> memref<1x100x100xi32, #tpu.memory_space<hbm>>
      %dma_start3A_14 = tpu.memref_squeeze %dma_start3A_13 : memref<1x100x100xi32, #tpu.memory_space<hbm>> -> memref<100x100xi32, #tpu.memory_space<hbm>>
      tpu.enqueue_dma source(%dma_start3A_14 : memref<100x100xi32, #tpu.memory_space<hbm>>) target(%arg5 : memref<100x100xi32, #tpu.memory_space<vmem>>) target_semaphore(%run_scoped3A : memref<!tpu.dma_semaphore, #tpu.memory_space<semaphore_mem>>)
      %dma_wait3A = arith.constant 0 : i32
      %dma_wait3A_15 = arith.constant 0 : i32
      %dma_wait3A_16 = tpu.memref_slice %arg3[%add3A, %dma_wait3A, %dma_wait3A_15] : memref<32x100x100xi32, #tpu.memory_space<hbm>> -> memref<1x100x100xi32, #tpu.memory_space<hbm>>
      %dma_wait3A_17 = tpu.memref_squeeze %dma_wait3A_16 : memref<1x100x100xi32, #tpu.memory_space<hbm>> -> memref<100x100xi32, #tpu.memory_space<hbm>>
      %dma_wait3A_18 = arith.constant 0 : i32
      %dma_wait3A_19 = arith.constant 0 : i32
      %dma_wait3A_20 = tpu.memref_slice %arg3[%add3A, %dma_wait3A_18, %dma_wait3A_19] : memref<32x100x100xi32, #tpu.memory_space<hbm>> -> memref<1x100x100xi32, #tpu.memory_space<hbm>>
      %dma_wait3A_21 = tpu.memref_squeeze %dma_wait3A_20 : memref<1x100x100xi32, #tpu.memory_space<hbm>> -> memref<100x100xi32, #tpu.memory_space<hbm>>
      tpu.wait_dma2 semaphore(%run_scoped3A : memref<!tpu.dma_semaphore, #tpu.memory_space<semaphore_mem>>) src(%dma_wait3A_21 : memref<100x100xi32, #tpu.memory_space<hbm>>) dst(%arg5 : memref<100x100xi32, #tpu.memory_space<vmem>>)
      tpu.yield
    }) : () -> ()
    %scan3A = arith.constant 0 : i32
    %scan3A_3 = arith.constant 0 : i32
    %scan3A_4 = arith.constant 12 : i32
    %scan3A_5 = arith.addi %scan3A_3, %scan3A_4 : i32
    %scan3A_6 = arith.constant 1 : i32
    scf.for %scan3A_8 = %scan3A_3 to %scan3A_5 step %scan3A_6  : i32 {
      %mul3A_9 = arith.constant 8 : i32
      %mul3A_10 = arith.muli %scan3A_8, %mul3A_9 : i32
      %add3A_11 = arith.constant 0 : i32
      %add3A_12 = arith.addi %mul3A_10, %add3A_11 : i32
      %dma_start3A = arith.constant 0 : i32
      %dma_start3A_13 = arith.constant 0 : i32
      %dma_start3A_14 = tpu.memref_slice %arg6[%dma_start3A, %dma_start3A_13] : memref<800x128xf32, #tpu.memory_space<vmem>> -> memref<100x128xf32, #tpu.memory_space<vmem>>
      %dma_start3A_15 = arith.constant 0 : i32
      %dma_start3A_16 = tpu.memref_slice %arg5[%add3A_12, %dma_start3A_15] : memref<100x100xi32, #tpu.memory_space<vmem>> -> memref<1x100xi32, #tpu.memory_space<vmem>>
      %dma_start3A_17 = tpu.memref_squeeze %dma_start3A_16 : memref<1x100xi32, #tpu.memory_space<vmem>> -> memref<100xi32, #tpu.memory_space<vmem>>
      %dma_start3A_18 = arith.constant 0 : i32
      %dma_start3A_19 = arith.constant 0 : i32
      %dma_start3A_20 = tpu.memref_slice %arg2[%dma_start3A_18, %dma_start3A_19] : memref<10000x128xf32, #tpu.memory_space<hbm>> -> memref<10000x128xf32, #tpu.memory_space<hbm>>
      tpu.enqueue_indirect_dma source(%dma_start3A_20 : memref<10000x128xf32, #tpu.memory_space<hbm>>) target(%dma_start3A_14 : memref<100x128xf32, #tpu.memory_space<vmem>>) offsets(%dma_start3A_17 : memref<100xi32, #tpu.memory_space<vmem>>) semaphore(%arg7 : memref<!tpu.dma_semaphore, #tpu.memory_space<semaphore_mem>>)
      %mul3A_21 = arith.constant 8 : i32
      %mul3A_22 = arith.muli %scan3A_8, %mul3A_21 : i32
      %add3A_23 = arith.constant 1 : i32
      %add3A_24 = arith.addi %mul3A_22, %add3A_23 : i32
      %dma_start3A_25 = arith.constant 100 : i32
      %dma_start3A_26 = arith.constant 0 : i32
      %dma_start3A_27 = tpu.memref_slice %arg6[%dma_start3A_25, %dma_start3A_26] : memref<800x128xf32, #tpu.memory_space<vmem>> -> memref<100x128xf32, #tpu.memory_space<vmem>>
      %dma_start3A_28 = arith.constant 0 : i32
      %dma_start3A_29 = tpu.memref_slice %arg5[%add3A_24, %dma_start3A_28] : memref<100x100xi32, #tpu.memory_space<vmem>> -> memref<1x100xi32, #tpu.memory_space<vmem>>
      %dma_start3A_30 = tpu.memref_squeeze %dma_start3A_29 : memref<1x100xi32, #tpu.memory_space<vmem>> -> memref<100xi32, #tpu.memory_space<vmem>>
      %dma_start3A_31 = arith.constant 0 : i32
      %dma_start3A_32 = arith.constant 0 : i32
      %dma_start3A_33 = tpu.memref_slice %arg2[%dma_start3A_31, %dma_start3A_32] : memref<10000x128xf32, #tpu.memory_space<hbm>> -> memref<10000x128xf32, #tpu.memory_space<hbm>>
      tpu.enqueue_indirect_dma source(%dma_start3A_33 : memref<10000x128xf32, #tpu.memory_space<hbm>>) target(%dma_start3A_27 : memref<100x128xf32, #tpu.memory_space<vmem>>) offsets(%dma_start3A_30 : memref<100xi32, #tpu.memory_space<vmem>>) semaphore(%arg7 : memref<!tpu.dma_semaphore, #tpu.memory_space<semaphore_mem>>)
      %mul3A_34 = arith.constant 8 : i32
      %mul3A_35 = arith.muli %scan3A_8, %mul3A_34 : i32
      %add3A_36 = arith.constant 2 : i32
      %add3A_37 = arith.addi %mul3A_35, %add3A_36 : i32
      %dma_start3A_38 = arith.constant 200 : i32
      %dma_start3A_39 = arith.constant 0 : i32
      %dma_start3A_40 = tpu.memref_slice %arg6[%dma_start3A_38, %dma_start3A_39] : memref<800x128xf32, #tpu.memory_space<vmem>> -> memref<100x128xf32, #tpu.memory_space<vmem>>
      %dma_start3A_41 = arith.constant 0 : i32
      %dma_start3A_42 = tpu.memref_slice %arg5[%add3A_37, %dma_start3A_41] : memref<100x100xi32, #tpu.memory_space<vmem>> -> memref<1x100xi32, #tpu.memory_space<vmem>>
      %dma_start3A_43 = tpu.memref_squeeze %dma_start3A_42 : memref<1x100xi32, #tpu.memory_space<vmem>> -> memref<100xi32, #tpu.memory_space<vmem>>
      %dma_start3A_44 = arith.constant 0 : i32
      %dma_start3A_45 = arith.constant 0 : i32
      %dma_start3A_46 = tpu.memref_slice %arg2[%dma_start3A_44, %dma_start3A_45] : memref<10000x128xf32, #tpu.memory_space<hbm>> -> memref<10000x128xf32, #tpu.memory_space<hbm>>
      tpu.enqueue_indirect_dma source(%dma_start3A_46 : memref<10000x128xf32, #tpu.memory_space<hbm>>) target(%dma_start3A_40 : memref<100x128xf32, #tpu.memory_space<vmem>>) offsets(%dma_start3A_43 : memref<100xi32, #tpu.memory_space<vmem>>) semaphore(%arg7 : memref<!tpu.dma_semaphore, #tpu.memory_space<semaphore_mem>>)
      %mul3A_47 = arith.constant 8 : i32
      %mul3A_48 = arith.muli %scan3A_8, %mul3A_47 : i32
      %add3A_49 = arith.constant 3 : i32
      %add3A_50 = arith.addi %mul3A_48, %add3A_49 : i32
      %dma_start3A_51 = arith.constant 300 : i32
      %dma_start3A_52 = arith.constant 0 : i32
      %dma_start3A_53 = tpu.memref_slice %arg6[%dma_start3A_51, %dma_start3A_52] : memref<800x128xf32, #tpu.memory_space<vmem>> -> memref<100x128xf32, #tpu.memory_space<vmem>>
      %dma_start3A_54 = arith.constant 0 : i32
      %dma_start3A_55 = tpu.memref_slice %arg5[%add3A_50, %dma_start3A_54] : memref<100x100xi32, #tpu.memory_space<vmem>> -> memref<1x100xi32, #tpu.memory_space<vmem>>
      %dma_start3A_56 = tpu.memref_squeeze %dma_start3A_55 : memref<1x100xi32, #tpu.memory_space<vmem>> -> memref<100xi32, #tpu.memory_space<vmem>>
      %dma_start3A_57 = arith.constant 0 : i32
      %dma_start3A_58 = arith.constant 0 : i32
      %dma_start3A_59 = tpu.memref_slice %arg2[%dma_start3A_57, %dma_start3A_58] : memref<10000x128xf32, #tpu.memory_space<hbm>> -> memref<10000x128xf32, #tpu.memory_space<hbm>>
      tpu.enqueue_indirect_dma source(%dma_start3A_59 : memref<10000x128xf32, #tpu.memory_space<hbm>>) target(%dma_start3A_53 : memref<100x128xf32, #tpu.memory_space<vmem>>) offsets(%dma_start3A_56 : memref<100xi32, #tpu.memory_space<vmem>>) semaphore(%arg7 : memref<!tpu.dma_semaphore, #tpu.memory_space<semaphore_mem>>)
      %mul3A_60 = arith.constant 8 : i32
      %mul3A_61 = arith.muli %scan3A_8, %mul3A_60 : i32
      %add3A_62 = arith.constant 4 : i32
      %add3A_63 = arith.addi %mul3A_61, %add3A_62 : i32
      %dma_start3A_64 = arith.constant 400 : i32
      %dma_start3A_65 = arith.constant 0 : i32
      %dma_start3A_66 = tpu.memref_slice %arg6[%dma_start3A_64, %dma_start3A_65] : memref<800x128xf32, #tpu.memory_space<vmem>> -> memref<100x128xf32, #tpu.memory_space<vmem>>
      %dma_start3A_67 = arith.constant 0 : i32
      %dma_start3A_68 = tpu.memref_slice %arg5[%add3A_63, %dma_start3A_67] : memref<100x100xi32, #tpu.memory_space<vmem>> -> memref<1x100xi32, #tpu.memory_space<vmem>>
      %dma_start3A_69 = tpu.memref_squeeze %dma_start3A_68 : memref<1x100xi32, #tpu.memory_space<vmem>> -> memref<100xi32, #tpu.memory_space<vmem>>
      %dma_start3A_70 = arith.constant 0 : i32
      %dma_start3A_71 = arith.constant 0 : i32
      %dma_start3A_72 = tpu.memref_slice %arg2[%dma_start3A_70, %dma_start3A_71] : memref<10000x128xf32, #tpu.memory_space<hbm>> -> memref<10000x128xf32, #tpu.memory_space<hbm>>
      tpu.enqueue_indirect_dma source(%dma_start3A_72 : memref<10000x128xf32, #tpu.memory_space<hbm>>) target(%dma_start3A_66 : memref<100x128xf32, #tpu.memory_space<vmem>>) offsets(%dma_start3A_69 : memref<100xi32, #tpu.memory_space<vmem>>) semaphore(%arg7 : memref<!tpu.dma_semaphore, #tpu.memory_space<semaphore_mem>>)
      %mul3A_73 = arith.constant 8 : i32
      %mul3A_74 = arith.muli %scan3A_8, %mul3A_73 : i32
      %add3A_75 = arith.constant 5 : i32
      %add3A_76 = arith.addi %mul3A_74, %add3A_75 : i32
      %dma_start3A_77 = arith.constant 500 : i32
      %dma_start3A_78 = arith.constant 0 : i32
      %dma_start3A_79 = tpu.memref_slice %arg6[%dma_start3A_77, %dma_start3A_78] : memref<800x128xf32, #tpu.memory_space<vmem>> -> memref<100x128xf32, #tpu.memory_space<vmem>>
      %dma_start3A_80 = arith.constant 0 : i32
      %dma_start3A_81 = tpu.memref_slice %arg5[%add3A_76, %dma_start3A_80] : memref<100x100xi32, #tpu.memory_space<vmem>> -> memref<1x100xi32, #tpu.memory_space<vmem>>
      %dma_start3A_82 = tpu.memref_squeeze %dma_start3A_81 : memref<1x100xi32, #tpu.memory_space<vmem>> -> memref<100xi32, #tpu.memory_space<vmem>>
      %dma_start3A_83 = arith.constant 0 : i32
      %dma_start3A_84 = arith.constant 0 : i32
      %dma_start3A_85 = tpu.memref_slice %arg2[%dma_start3A_83, %dma_start3A_84] : memref<10000x128xf32, #tpu.memory_space<hbm>> -> memref<10000x128xf32, #tpu.memory_space<hbm>>
      tpu.enqueue_indirect_dma source(%dma_start3A_85 : memref<10000x128xf32, #tpu.memory_space<hbm>>) target(%dma_start3A_79 : memref<100x128xf32, #tpu.memory_space<vmem>>) offsets(%dma_start3A_82 : memref<100xi32, #tpu.memory_space<vmem>>) semaphore(%arg7 : memref<!tpu.dma_semaphore, #tpu.memory_space<semaphore_mem>>)
      %mul3A_86 = arith.constant 8 : i32
      %mul3A_87 = arith.muli %scan3A_8, %mul3A_86 : i32
      %add3A_88 = arith.constant 6 : i32
      %add3A_89 = arith.addi %mul3A_87, %add3A_88 : i32
      %dma_start3A_90 = arith.constant 600 : i32
      %dma_start3A_91 = arith.constant 0 : i32
      %dma_start3A_92 = tpu.memref_slice %arg6[%dma_start3A_90, %dma_start3A_91] : memref<800x128xf32, #tpu.memory_space<vmem>> -> memref<100x128xf32, #tpu.memory_space<vmem>>
      %dma_start3A_93 = arith.constant 0 : i32
      %dma_start3A_94 = tpu.memref_slice %arg5[%add3A_89, %dma_start3A_93] : memref<100x100xi32, #tpu.memory_space<vmem>> -> memref<1x100xi32, #tpu.memory_space<vmem>>
      %dma_start3A_95 = tpu.memref_squeeze %dma_start3A_94 : memref<1x100xi32, #tpu.memory_space<vmem>> -> memref<100xi32, #tpu.memory_space<vmem>>
      %dma_start3A_96 = arith.constant 0 : i32
      %dma_start3A_97 = arith.constant 0 : i32
      %dma_start3A_98 = tpu.memref_slice %arg2[%dma_start3A_96, %dma_start3A_97] : memref<10000x128xf32, #tpu.memory_space<hbm>> -> memref<10000x128xf32, #tpu.memory_space<hbm>>
      tpu.enqueue_indirect_dma source(%dma_start3A_98 : memref<10000x128xf32, #tpu.memory_space<hbm>>) target(%dma_start3A_92 : memref<100x128xf32, #tpu.memory_space<vmem>>) offsets(%dma_start3A_95 : memref<100xi32, #tpu.memory_space<vmem>>) semaphore(%arg7 : memref<!tpu.dma_semaphore, #tpu.memory_space<semaphore_mem>>)
      %mul3A_99 = arith.constant 8 : i32
      %mul3A_100 = arith.muli %scan3A_8, %mul3A_99 : i32
      %add3A_101 = arith.constant 7 : i32
      %add3A_102 = arith.addi %mul3A_100, %add3A_101 : i32
      %dma_start3A_103 = arith.constant 700 : i32
      %dma_start3A_104 = arith.constant 0 : i32
      %dma_start3A_105 = tpu.memref_slice %arg6[%dma_start3A_103, %dma_start3A_104] : memref<800x128xf32, #tpu.memory_space<vmem>> -> memref<100x128xf32, #tpu.memory_space<vmem>>
      %dma_start3A_106 = arith.constant 0 : i32
      %dma_start3A_107 = tpu.memref_slice %arg5[%add3A_102, %dma_start3A_106] : memref<100x100xi32, #tpu.memory_space<vmem>> -> memref<1x100xi32, #tpu.memory_space<vmem>>
      %dma_start3A_108 = tpu.memref_squeeze %dma_start3A_107 : memref<1x100xi32, #tpu.memory_space<vmem>> -> memref<100xi32, #tpu.memory_space<vmem>>
      %dma_start3A_109 = arith.constant 0 : i32
      %dma_start3A_110 = arith.constant 0 : i32
      %dma_start3A_111 = tpu.memref_slice %arg2[%dma_start3A_109, %dma_start3A_110] : memref<10000x128xf32, #tpu.memory_space<hbm>> -> memref<10000x128xf32, #tpu.memory_space<hbm>>
      tpu.enqueue_indirect_dma source(%dma_start3A_111 : memref<10000x128xf32, #tpu.memory_space<hbm>>) target(%dma_start3A_105 : memref<100x128xf32, #tpu.memory_space<vmem>>) offsets(%dma_start3A_108 : memref<100xi32, #tpu.memory_space<vmem>>) semaphore(%arg7 : memref<!tpu.dma_semaphore, #tpu.memory_space<semaphore_mem>>)
      %dma_wait3A = arith.constant 0 : i32
      %dma_wait3A_112 = arith.constant 0 : i32
      %dma_wait3A_113 = tpu.memref_slice %arg6[%dma_wait3A, %dma_wait3A_112] : memref<800x128xf32, #tpu.memory_space<vmem>> -> memref<100x128xf32, #tpu.memory_space<vmem>>
      %dma_wait3A_114 = arith.constant 0 : i32
      %dma_wait3A_115 = tpu.memref_slice %arg5[%add3A_12, %dma_wait3A_114] : memref<100x100xi32, #tpu.memory_space<vmem>> -> memref<1x100xi32, #tpu.memory_space<vmem>>
      %dma_wait3A_116 = tpu.memref_squeeze %dma_wait3A_115 : memref<1x100xi32, #tpu.memory_space<vmem>> -> memref<100xi32, #tpu.memory_space<vmem>>
      %dma_wait3A_117 = arith.constant 0 : i32
      %dma_wait3A_118 = arith.constant 0 : i32
      %dma_wait3A_119 = tpu.memref_slice %arg2[%dma_wait3A_117, %dma_wait3A_118] : memref<10000x128xf32, #tpu.memory_space<hbm>> -> memref<10000x128xf32, #tpu.memory_space<hbm>>
      tpu.wait_indirect_dma semaphore(%arg7 : memref<!tpu.dma_semaphore, #tpu.memory_space<semaphore_mem>>) src(%dma_wait3A_119 : memref<10000x128xf32, #tpu.memory_space<hbm>>) dst(%dma_wait3A_113 : memref<100x128xf32, #tpu.memory_space<vmem>>)
      %dma_wait3A_120 = arith.constant 100 : i32
      %dma_wait3A_121 = arith.constant 0 : i32
      %dma_wait3A_122 = tpu.memref_slice %arg6[%dma_wait3A_120, %dma_wait3A_121] : memref<800x128xf32, #tpu.memory_space<vmem>> -> memref<100x128xf32, #tpu.memory_space<vmem>>
      %dma_wait3A_123 = arith.constant 0 : i32
      %dma_wait3A_124 = tpu.memref_slice %arg5[%add3A_24, %dma_wait3A_123] : memref<100x100xi32, #tpu.memory_space<vmem>> -> memref<1x100xi32, #tpu.memory_space<vmem>>
      %dma_wait3A_125 = tpu.memref_squeeze %dma_wait3A_124 : memref<1x100xi32, #tpu.memory_space<vmem>> -> memref<100xi32, #tpu.memory_space<vmem>>
      %dma_wait3A_126 = arith.constant 0 : i32
      %dma_wait3A_127 = arith.constant 0 : i32
      %dma_wait3A_128 = tpu.memref_slice %arg2[%dma_wait3A_126, %dma_wait3A_127] : memref<10000x128xf32, #tpu.memory_space<hbm>> -> memref<10000x128xf32, #tpu.memory_space<hbm>>
      tpu.wait_indirect_dma semaphore(%arg7 : memref<!tpu.dma_semaphore, #tpu.memory_space<semaphore_mem>>) src(%dma_wait3A_128 : memref<10000x128xf32, #tpu.memory_space<hbm>>) dst(%dma_wait3A_122 : memref<100x128xf32, #tpu.memory_space<vmem>>)
      %dma_wait3A_129 = arith.constant 200 : i32
      %dma_wait3A_130 = arith.constant 0 : i32
      %dma_wait3A_131 = tpu.memref_slice %arg6[%dma_wait3A_129, %dma_wait3A_130] : memref<800x128xf32, #tpu.memory_space<vmem>> -> memref<100x128xf32, #tpu.memory_space<vmem>>
      %dma_wait3A_132 = arith.constant 0 : i32
      %dma_wait3A_133 = tpu.memref_slice %arg5[%add3A_37, %dma_wait3A_132] : memref<100x100xi32, #tpu.memory_space<vmem>> -> memref<1x100xi32, #tpu.memory_space<vmem>>
      %dma_wait3A_134 = tpu.memref_squeeze %dma_wait3A_133 : memref<1x100xi32, #tpu.memory_space<vmem>> -> memref<100xi32, #tpu.memory_space<vmem>>
      %dma_wait3A_135 = arith.constant 0 : i32
      %dma_wait3A_136 = arith.constant 0 : i32
      %dma_wait3A_137 = tpu.memref_slice %arg2[%dma_wait3A_135, %dma_wait3A_136] : memref<10000x128xf32, #tpu.memory_space<hbm>> -> memref<10000x128xf32, #tpu.memory_space<hbm>>
      tpu.wait_indirect_dma semaphore(%arg7 : memref<!tpu.dma_semaphore, #tpu.memory_space<semaphore_mem>>) src(%dma_wait3A_137 : memref<10000x128xf32, #tpu.memory_space<hbm>>) dst(%dma_wait3A_131 : memref<100x128xf32, #tpu.memory_space<vmem>>)
      %dma_wait3A_138 = arith.constant 300 : i32
      %dma_wait3A_139 = arith.constant 0 : i32
      %dma_wait3A_140 = tpu.memref_slice %arg6[%dma_wait3A_138, %dma_wait3A_139] : memref<800x128xf32, #tpu.memory_space<vmem>> -> memref<100x128xf32, #tpu.memory_space<vmem>>
      %dma_wait3A_141 = arith.constant 0 : i32
      %dma_wait3A_142 = tpu.memref_slice %arg5[%add3A_50, %dma_wait3A_141] : memref<100x100xi32, #tpu.memory_space<vmem>> -> memref<1x100xi32, #tpu.memory_space<vmem>>
      %dma_wait3A_143 = tpu.memref_squeeze %dma_wait3A_142 : memref<1x100xi32, #tpu.memory_space<vmem>> -> memref<100xi32, #tpu.memory_space<vmem>>
      %dma_wait3A_144 = arith.constant 0 : i32
      %dma_wait3A_145 = arith.constant 0 : i32
      %dma_wait3A_146 = tpu.memref_slice %arg2[%dma_wait3A_144, %dma_wait3A_145] : memref<10000x128xf32, #tpu.memory_space<hbm>> -> memref<10000x128xf32, #tpu.memory_space<hbm>>
      tpu.wait_indirect_dma semaphore(%arg7 : memref<!tpu.dma_semaphore, #tpu.memory_space<semaphore_mem>>) src(%dma_wait3A_146 : memref<10000x128xf32, #tpu.memory_space<hbm>>) dst(%dma_wait3A_140 : memref<100x128xf32, #tpu.memory_space<vmem>>)
      %dma_wait3A_147 = arith.constant 400 : i32
      %dma_wait3A_148 = arith.constant 0 : i32
      %dma_wait3A_149 = tpu.memref_slice %arg6[%dma_wait3A_147, %dma_wait3A_148] : memref<800x128xf32, #tpu.memory_space<vmem>> -> memref<100x128xf32, #tpu.memory_space<vmem>>
      %dma_wait3A_150 = arith.constant 0 : i32
      %dma_wait3A_151 = tpu.memref_slice %arg5[%add3A_63, %dma_wait3A_150] : memref<100x100xi32, #tpu.memory_space<vmem>> -> memref<1x100xi32, #tpu.memory_space<vmem>>
      %dma_wait3A_152 = tpu.memref_squeeze %dma_wait3A_151 : memref<1x100xi32, #tpu.memory_space<vmem>> -> memref<100xi32, #tpu.memory_space<vmem>>
      %dma_wait3A_153 = arith.constant 0 : i32
      %dma_wait3A_154 = arith.constant 0 : i32
      %dma_wait3A_155 = tpu.memref_slice %arg2[%dma_wait3A_153, %dma_wait3A_154] : memref<10000x128xf32, #tpu.memory_space<hbm>> -> memref<10000x128xf32, #tpu.memory_space<hbm>>
      tpu.wait_indirect_dma semaphore(%arg7 : memref<!tpu.dma_semaphore, #tpu.memory_space<semaphore_mem>>) src(%dma_wait3A_155 : memref<10000x128xf32, #tpu.memory_space<hbm>>) dst(%dma_wait3A_149 : memref<100x128xf32, #tpu.memory_space<vmem>>)
      %dma_wait3A_156 = arith.constant 500 : i32
      %dma_wait3A_157 = arith.constant 0 : i32
      %dma_wait3A_158 = tpu.memref_slice %arg6[%dma_wait3A_156, %dma_wait3A_157] : memref<800x128xf32, #tpu.memory_space<vmem>> -> memref<100x128xf32, #tpu.memory_space<vmem>>
      %dma_wait3A_159 = arith.constant 0 : i32
      %dma_wait3A_160 = tpu.memref_slice %arg5[%add3A_76, %dma_wait3A_159] : memref<100x100xi32, #tpu.memory_space<vmem>> -> memref<1x100xi32, #tpu.memory_space<vmem>>
      %dma_wait3A_161 = tpu.memref_squeeze %dma_wait3A_160 : memref<1x100xi32, #tpu.memory_space<vmem>> -> memref<100xi32, #tpu.memory_space<vmem>>
      %dma_wait3A_162 = arith.constant 0 : i32
      %dma_wait3A_163 = arith.constant 0 : i32
      %dma_wait3A_164 = tpu.memref_slice %arg2[%dma_wait3A_162, %dma_wait3A_163] : memref<10000x128xf32, #tpu.memory_space<hbm>> -> memref<10000x128xf32, #tpu.memory_space<hbm>>
      tpu.wait_indirect_dma semaphore(%arg7 : memref<!tpu.dma_semaphore, #tpu.memory_space<semaphore_mem>>) src(%dma_wait3A_164 : memref<10000x128xf32, #tpu.memory_space<hbm>>) dst(%dma_wait3A_158 : memref<100x128xf32, #tpu.memory_space<vmem>>)
      %dma_wait3A_165 = arith.constant 600 : i32
      %dma_wait3A_166 = arith.constant 0 : i32
      %dma_wait3A_167 = tpu.memref_slice %arg6[%dma_wait3A_165, %dma_wait3A_166] : memref<800x128xf32, #tpu.memory_space<vmem>> -> memref<100x128xf32, #tpu.memory_space<vmem>>
      %dma_wait3A_168 = arith.constant 0 : i32
      %dma_wait3A_169 = tpu.memref_slice %arg5[%add3A_89, %dma_wait3A_168] : memref<100x100xi32, #tpu.memory_space<vmem>> -> memref<1x100xi32, #tpu.memory_space<vmem>>
      %dma_wait3A_170 = tpu.memref_squeeze %dma_wait3A_169 : memref<1x100xi32, #tpu.memory_space<vmem>> -> memref<100xi32, #tpu.memory_space<vmem>>
      %dma_wait3A_171 = arith.constant 0 : i32
      %dma_wait3A_172 = arith.constant 0 : i32
      %dma_wait3A_173 = tpu.memref_slice %arg2[%dma_wait3A_171, %dma_wait3A_172] : memref<10000x128xf32, #tpu.memory_space<hbm>> -> memref<10000x128xf32, #tpu.memory_space<hbm>>
      tpu.wait_indirect_dma semaphore(%arg7 : memref<!tpu.dma_semaphore, #tpu.memory_space<semaphore_mem>>) src(%dma_wait3A_173 : memref<10000x128xf32, #tpu.memory_space<hbm>>) dst(%dma_wait3A_167 : memref<100x128xf32, #tpu.memory_space<vmem>>)
      %dma_wait3A_174 = arith.constant 700 : i32
      %dma_wait3A_175 = arith.constant 0 : i32
      %dma_wait3A_176 = tpu.memref_slice %arg6[%dma_wait3A_174, %dma_wait3A_175] : memref<800x128xf32, #tpu.memory_space<vmem>> -> memref<100x128xf32, #tpu.memory_space<vmem>>
      %dma_wait3A_177 = arith.constant 0 : i32
      %dma_wait3A_178 = tpu.memref_slice %arg5[%add3A_102, %dma_wait3A_177] : memref<100x100xi32, #tpu.memory_space<vmem>> -> memref<1x100xi32, #tpu.memory_space<vmem>>
      %dma_wait3A_179 = tpu.memref_squeeze %dma_wait3A_178 : memref<1x100xi32, #tpu.memory_space<vmem>> -> memref<100xi32, #tpu.memory_space<vmem>>
      %dma_wait3A_180 = arith.constant 0 : i32
      %dma_wait3A_181 = arith.constant 0 : i32
      %dma_wait3A_182 = tpu.memref_slice %arg2[%dma_wait3A_180, %dma_wait3A_181] : memref<10000x128xf32, #tpu.memory_space<hbm>> -> memref<10000x128xf32, #tpu.memory_space<hbm>>
      tpu.wait_indirect_dma semaphore(%arg7 : memref<!tpu.dma_semaphore, #tpu.memory_space<semaphore_mem>>) src(%dma_wait3A_182 : memref<10000x128xf32, #tpu.memory_space<hbm>>) dst(%dma_wait3A_176 : memref<100x128xf32, #tpu.memory_space<vmem>>)
      %mul3A_183 = arith.constant 800 : i32
      %mul3A_184 = arith.muli %scan3A_8, %mul3A_183 : i32
      %add3A_185 = arith.addi %mul3A_2, %mul3A_184 : i32
      "tpu.region"() ({
        %run_scoped3A = tpu.sem_alloc : memref<!tpu.dma_semaphore, #tpu.memory_space<semaphore_mem>>
        %dma_start3A_186 = arith.constant 0 : i32
        %dma_start3A_187 = tpu.memref_slice %arg4[%add3A_185, %dma_start3A_186] : memref<320000x128xf32, #tpu.memory_space<hbm>> -> memref<800x128xf32, #tpu.memory_space<hbm>>
        %dma_start3A_188 = arith.constant 0 : i32
        %dma_start3A_189 = tpu.memref_slice %arg4[%add3A_185, %dma_start3A_188] : memref<320000x128xf32, #tpu.memory_space<hbm>> -> memref<800x128xf32, #tpu.memory_space<hbm>>
        tpu.enqueue_dma source(%arg6 : memref<800x128xf32, #tpu.memory_space<vmem>>) target(%dma_start3A_189 : memref<800x128xf32, #tpu.memory_space<hbm>>) target_semaphore(%run_scoped3A : memref<!tpu.dma_semaphore, #tpu.memory_space<semaphore_mem>>)
        %dma_wait3A_190 = arith.constant 0 : i32
        %dma_wait3A_191 = tpu.memref_slice %arg4[%add3A_185, %dma_wait3A_190] : memref<320000x128xf32, #tpu.memory_space<hbm>> -> memref<800x128xf32, #tpu.memory_space<hbm>>
        %dma_wait3A_192 = arith.constant 0 : i32
        %dma_wait3A_193 = tpu.memref_slice %arg4[%add3A_185, %dma_wait3A_192] : memref<320000x128xf32, #tpu.memory_space<hbm>> -> memref<800x128xf32, #tpu.memory_space<hbm>>
        tpu.wait_dma2 semaphore(%run_scoped3A : memref<!tpu.dma_semaphore, #tpu.memory_space<semaphore_mem>>) src(%arg6 : memref<800x128xf32, #tpu.memory_space<vmem>>) dst(%dma_wait3A_193 : memref<800x128xf32, #tpu.memory_space<hbm>>)
        tpu.yield
      }) : () -> ()
    }
    %scan3A_7 = arith.constant 12 : i32
    return
  }
}

#map = affine_map<(d0, d1) -> (0, 0)>
#map1 = affine_map<(d0, d1) -> (0, 0, 0)>
module attributes {stable_mosaic.version = 14 : i64} {
  func.func @k(%arg0: i32, %arg1: i32, %arg2: memref<10000x128xf32, #tpu.memory_space<hbm>>, %arg3: memref<32x100x100xi32, #tpu.memory_space<hbm>>, %arg4: memref<320000x128xf32, #tpu.memory_space<hbm>>, %arg5: memref<100x100xi32, #tpu.memory_space<vmem>>, %arg6: memref<800x128xf32, #tpu.memory_space<vmem>>, %arg7: memref<!tpu.dma_semaphore, #tpu.memory_space<semaphore_mem>>) attributes {dimension_semantics = [#tpu.dimension_semantics<core_parallel>, #tpu.dimension_semantics<subcore_parallel>], iteration_bounds = array<i64: 2, 16>, scalar_prefetch = 0 : i64, scratch_operands = 3 : i64, tpu.core_type = #tpu.core_type<sc_vector_subcore>, window_params = [{transform_indices = #map}, {transform_indices = #map1}, {transform_indices = #map}]} {
    %mul3A = arith.constant 2 : i32
    %mul3A_0 = arith.muli %arg1, %mul3A : i32
    %add3A = arith.addi %mul3A_0, %arg0 : i32
    %mul3A_1 = arith.constant 10000 : i32
    %mul3A_2 = arith.muli %add3A, %mul3A_1 : i32
    "tpu.region"() ({
      %run_scoped3A = tpu.sem_alloc : memref<!tpu.dma_semaphore, #tpu.memory_space<semaphore_mem>>
      %dma_start3A = arith.constant 0 : i32
      %dma_start3A_8 = arith.constant 0 : i32
      %dma_start3A_9 = tpu.memref_slice %arg3[%add3A, %dma_start3A, %dma_start3A_8] : memref<32x100x100xi32, #tpu.memory_space<hbm>> -> memref<1x100x100xi32, #tpu.memory_space<hbm>>
      %dma_start3A_10 = tpu.memref_squeeze %dma_start3A_9 : memref<1x100x100xi32, #tpu.memory_space<hbm>> -> memref<100x100xi32, #tpu.memory_space<hbm>>
      %dma_start3A_11 = arith.constant 0 : i32
      %dma_start3A_12 = arith.constant 0 : i32
      %dma_start3A_13 = tpu.memref_slice %arg3[%add3A, %dma_start3A_11, %dma_start3A_12] : memref<32x100x100xi32, #tpu.memory_space<hbm>> -> memref<1x100x100xi32, #tpu.memory_space<hbm>>
      %dma_start3A_14 = tpu.memref_squeeze %dma_start3A_13 : memref<1x100x100xi32, #tpu.memory_space<hbm>> -> memref<100x100xi32, #tpu.memory_space<hbm>>
      tpu.enqueue_dma source(%dma_start3A_14 : memref<100x100xi32, #tpu.memory_space<hbm>>) target(%arg5 : memref<100x100xi32, #tpu.memory_space<vmem>>) target_semaphore(%run_scoped3A : memref<!tpu.dma_semaphore, #tpu.memory_space<semaphore_mem>>)
      %dma_wait3A = arith.constant 0 : i32
      %dma_wait3A_15 = arith.constant 0 : i32
      %dma_wait3A_16 = tpu.memref_slice %arg3[%add3A, %dma_wait3A, %dma_wait3A_15] : memref<32x100x100xi32, #tpu.memory_space<hbm>> -> memref<1x100x100xi32, #tpu.memory_space<hbm>>
      %dma_wait3A_17 = tpu.memref_squeeze %dma_wait3A_16 : memref<1x100x100xi32, #tpu.memory_space<hbm>> -> memref<100x100xi32, #tpu.memory_space<hbm>>
      %dma_wait3A_18 = arith.constant 0 : i32
      %dma_wait3A_19 = arith.constant 0 : i32
      %dma_wait3A_20 = tpu.memref_slice %arg3[%add3A, %dma_wait3A_18, %dma_wait3A_19] : memref<32x100x100xi32, #tpu.memory_space<hbm>> -> memref<1x100x100xi32, #tpu.memory_space<hbm>>
      %dma_wait3A_21 = tpu.memref_squeeze %dma_wait3A_20 : memref<1x100x100xi32, #tpu.memory_space<hbm>> -> memref<100x100xi32, #tpu.memory_space<hbm>>
      tpu.wait_dma2 semaphore(%run_scoped3A : memref<!tpu.dma_semaphore, #tpu.memory_space<semaphore_mem>>) src(%dma_wait3A_21 : memref<100x100xi32, #tpu.memory_space<hbm>>) dst(%arg5 : memref<100x100xi32, #tpu.memory_space<vmem>>)
      tpu.yield
    }) : () -> ()
    %scan3A = arith.constant 0 : i32
    %scan3A_3 = arith.constant 0 : i32
    %scan3A_4 = arith.constant 12 : i32
    %scan3A_5 = arith.addi %scan3A_3, %scan3A_4 : i32
    %scan3A_6 = arith.constant 1 : i32
    scf.for %scan3A_8 = %scan3A_3 to %scan3A_5 step %scan3A_6  : i32 {
      %mul3A_9 = arith.constant 8 : i32
      %mul3A_10 = arith.muli %scan3A_8, %mul3A_9 : i32
      %add3A_11 = arith.constant 0 : i32
      %add3A_12 = arith.addi %mul3A_10, %add3A_11 : i32
      %dma_start3A = arith.constant 0 : i32
      %dma_start3A_13 = arith.constant 0 : i32
      %dma_start3A_14 = tpu.memref_slice %arg6[%dma_start3A, %dma_start3A_13] : memref<800x128xf32, #tpu.memory_space<vmem>> -> memref<100x128xf32, #tpu.memory_space<vmem>>
      %dma_start3A_15 = arith.constant 0 : i32
      %dma_start3A_16 = tpu.memref_slice %arg5[%add3A_12, %dma_start3A_15] : memref<100x100xi32, #tpu.memory_space<vmem>> -> memref<1x100xi32, #tpu.memory_space<vmem>>
      %dma_start3A_17 = tpu.memref_squeeze %dma_start3A_16 : memref<1x100xi32, #tpu.memory_space<vmem>> -> memref<100xi32, #tpu.memory_space<vmem>>
      %dma_start3A_18 = arith.constant 0 : i32
      %dma_start3A_19 = arith.constant 0 : i32
      %dma_start3A_20 = tpu.memref_slice %arg2[%dma_start3A_18, %dma_start3A_19] : memref<10000x128xf32, #tpu.memory_space<hbm>> -> memref<10000x128xf32, #tpu.memory_space<hbm>>
      tpu.enqueue_indirect_dma source(%dma_start3A_20 : memref<10000x128xf32, #tpu.memory_space<hbm>>) target(%dma_start3A_14 : memref<100x128xf32, #tpu.memory_space<vmem>>) offsets(%dma_start3A_17 : memref<100xi32, #tpu.memory_space<vmem>>) semaphore(%arg7 : memref<!tpu.dma_semaphore, #tpu.memory_space<semaphore_mem>>)
      %mul3A_21 = arith.constant 8 : i32
      %mul3A_22 = arith.muli %scan3A_8, %mul3A_21 : i32
      %add3A_23 = arith.constant 1 : i32
      %add3A_24 = arith.addi %mul3A_22, %add3A_23 : i32
      %dma_start3A_25 = arith.constant 100 : i32
      %dma_start3A_26 = arith.constant 0 : i32
      %dma_start3A_27 = tpu.memref_slice %arg6[%dma_start3A_25, %dma_start3A_26] : memref<800x128xf32, #tpu.memory_space<vmem>> -> memref<100x128xf32, #tpu.memory_space<vmem>>
      %dma_start3A_28 = arith.constant 0 : i32
      %dma_start3A_29 = tpu.memref_slice %arg5[%add3A_24, %dma_start3A_28] : memref<100x100xi32, #tpu.memory_space<vmem>> -> memref<1x100xi32, #tpu.memory_space<vmem>>
      %dma_start3A_30 = tpu.memref_squeeze %dma_start3A_29 : memref<1x100xi32, #tpu.memory_space<vmem>> -> memref<100xi32, #tpu.memory_space<vmem>>
      %dma_start3A_31 = arith.constant 0 : i32
      %dma_start3A_32 = arith.constant 0 : i32
      %dma_start3A_33 = tpu.memref_slice %arg2[%dma_start3A_31, %dma_start3A_32] : memref<10000x128xf32, #tpu.memory_space<hbm>> -> memref<10000x128xf32, #tpu.memory_space<hbm>>
      tpu.enqueue_indirect_dma source(%dma_start3A_33 : memref<10000x128xf32, #tpu.memory_space<hbm>>) target(%dma_start3A_27 : memref<100x128xf32, #tpu.memory_space<vmem>>) offsets(%dma_start3A_30 : memref<100xi32, #tpu.memory_space<vmem>>) semaphore(%arg7 : memref<!tpu.dma_semaphore, #tpu.memory_space<semaphore_mem>>)
      %mul3A_34 = arith.constant 8 : i32
      %mul3A_35 = arith.muli %scan3A_8, %mul3A_34 : i32
      %add3A_36 = arith.constant 2 : i32
      %add3A_37 = arith.addi %mul3A_35, %add3A_36 : i32
      %dma_start3A_38 = arith.constant 200 : i32
      %dma_start3A_39 = arith.constant 0 : i32
      %dma_start3A_40 = tpu.memref_slice %arg6[%dma_start3A_38, %dma_start3A_39] : memref<800x128xf32, #tpu.memory_space<vmem>> -> memref<100x128xf32, #tpu.memory_space<vmem>>
      %dma_start3A_41 = arith.constant 0 : i32
      %dma_start3A_42 = tpu.memref_slice %arg5[%add3A_37, %dma_start3A_41] : memref<100x100xi32, #tpu.memory_space<vmem>> -> memref<1x100xi32, #tpu.memory_space<vmem>>
      %dma_start3A_43 = tpu.memref_squeeze %dma_start3A_42 : memref<1x100xi32, #tpu.memory_space<vmem>> -> memref<100xi32, #tpu.memory_space<vmem>>
      %dma_start3A_44 = arith.constant 0 : i32
      %dma_start3A_45 = arith.constant 0 : i32
      %dma_start3A_46 = tpu.memref_slice %arg2[%dma_start3A_44, %dma_start3A_45] : memref<10000x128xf32, #tpu.memory_space<hbm>> -> memref<10000x128xf32, #tpu.memory_space<hbm>>
      tpu.enqueue_indirect_dma source(%dma_start3A_46 : memref<10000x128xf32, #tpu.memory_space<hbm>>) target(%dma_start3A_40 : memref<100x128xf32, #tpu.memory_space<vmem>>) offsets(%dma_start3A_43 : memref<100xi32, #tpu.memory_space<vmem>>) semaphore(%arg7 : memref<!tpu.dma_semaphore, #tpu.memory_space<semaphore_mem>>)
      %mul3A_47 = arith.constant 8 : i32
      %mul3A_48 = arith.muli %scan3A_8, %mul3A_47 : i32
      %add3A_49 = arith.constant 3 : i32
      %add3A_50 = arith.addi %mul3A_48, %add3A_49 : i32
      %dma_start3A_51 = arith.constant 300 : i32
      %dma_start3A_52 = arith.constant 0 : i32
      %dma_start3A_53 = tpu.memref_slice %arg6[%dma_start3A_51, %dma_start3A_52] : memref<800x128xf32, #tpu.memory_space<vmem>> -> memref<100x128xf32, #tpu.memory_space<vmem>>
      %dma_start3A_54 = arith.constant 0 : i32
      %dma_start3A_55 = tpu.memref_slice %arg5[%add3A_50, %dma_start3A_54] : memref<100x100xi32, #tpu.memory_space<vmem>> -> memref<1x100xi32, #tpu.memory_space<vmem>>
      %dma_start3A_56 = tpu.memref_squeeze %dma_start3A_55 : memref<1x100xi32, #tpu.memory_space<vmem>> -> memref<100xi32, #tpu.memory_space<vmem>>
      %dma_start3A_57 = arith.constant 0 : i32
      %dma_start3A_58 = arith.constant 0 : i32
      %dma_start3A_59 = tpu.memref_slice %arg2[%dma_start3A_57, %dma_start3A_58] : memref<10000x128xf32, #tpu.memory_space<hbm>> -> memref<10000x128xf32, #tpu.memory_space<hbm>>
      tpu.enqueue_indirect_dma source(%dma_start3A_59 : memref<10000x128xf32, #tpu.memory_space<hbm>>) target(%dma_start3A_53 : memref<100x128xf32, #tpu.memory_space<vmem>>) offsets(%dma_start3A_56 : memref<100xi32, #tpu.memory_space<vmem>>) semaphore(%arg7 : memref<!tpu.dma_semaphore, #tpu.memory_space<semaphore_mem>>)
      %mul3A_60 = arith.constant 8 : i32
      %mul3A_61 = arith.muli %scan3A_8, %mul3A_60 : i32
      %add3A_62 = arith.constant 4 : i32
      %add3A_63 = arith.addi %mul3A_61, %add3A_62 : i32
      %dma_start3A_64 = arith.constant 400 : i32
      %dma_start3A_65 = arith.constant 0 : i32
      %dma_start3A_66 = tpu.memref_slice %arg6[%dma_start3A_64, %dma_start3A_65] : memref<800x128xf32, #tpu.memory_space<vmem>> -> memref<100x128xf32, #tpu.memory_space<vmem>>
      %dma_start3A_67 = arith.constant 0 : i32
      %dma_start3A_68 = tpu.memref_slice %arg5[%add3A_63, %dma_start3A_67] : memref<100x100xi32, #tpu.memory_space<vmem>> -> memref<1x100xi32, #tpu.memory_space<vmem>>
      %dma_start3A_69 = tpu.memref_squeeze %dma_start3A_68 : memref<1x100xi32, #tpu.memory_space<vmem>> -> memref<100xi32, #tpu.memory_space<vmem>>
      %dma_start3A_70 = arith.constant 0 : i32
      %dma_start3A_71 = arith.constant 0 : i32
      %dma_start3A_72 = tpu.memref_slice %arg2[%dma_start3A_70, %dma_start3A_71] : memref<10000x128xf32, #tpu.memory_space<hbm>> -> memref<10000x128xf32, #tpu.memory_space<hbm>>
      tpu.enqueue_indirect_dma source(%dma_start3A_72 : memref<10000x128xf32, #tpu.memory_space<hbm>>) target(%dma_start3A_66 : memref<100x128xf32, #tpu.memory_space<vmem>>) offsets(%dma_start3A_69 : memref<100xi32, #tpu.memory_space<vmem>>) semaphore(%arg7 : memref<!tpu.dma_semaphore, #tpu.memory_space<semaphore_mem>>)
      %mul3A_73 = arith.constant 8 : i32
      %mul3A_74 = arith.muli %scan3A_8, %mul3A_73 : i32
      %add3A_75 = arith.constant 5 : i32
      %add3A_76 = arith.addi %mul3A_74, %add3A_75 : i32
      %dma_start3A_77 = arith.constant 500 : i32
      %dma_start3A_78 = arith.constant 0 : i32
      %dma_start3A_79 = tpu.memref_slice %arg6[%dma_start3A_77, %dma_start3A_78] : memref<800x128xf32, #tpu.memory_space<vmem>> -> memref<100x128xf32, #tpu.memory_space<vmem>>
      %dma_start3A_80 = arith.constant 0 : i32
      %dma_start3A_81 = tpu.memref_slice %arg5[%add3A_76, %dma_start3A_80] : memref<100x100xi32, #tpu.memory_space<vmem>> -> memref<1x100xi32, #tpu.memory_space<vmem>>
      %dma_start3A_82 = tpu.memref_squeeze %dma_start3A_81 : memref<1x100xi32, #tpu.memory_space<vmem>> -> memref<100xi32, #tpu.memory_space<vmem>>
      %dma_start3A_83 = arith.constant 0 : i32
      %dma_start3A_84 = arith.constant 0 : i32
      %dma_start3A_85 = tpu.memref_slice %arg2[%dma_start3A_83, %dma_start3A_84] : memref<10000x128xf32, #tpu.memory_space<hbm>> -> memref<10000x128xf32, #tpu.memory_space<hbm>>
      tpu.enqueue_indirect_dma source(%dma_start3A_85 : memref<10000x128xf32, #tpu.memory_space<hbm>>) target(%dma_start3A_79 : memref<100x128xf32, #tpu.memory_space<vmem>>) offsets(%dma_start3A_82 : memref<100xi32, #tpu.memory_space<vmem>>) semaphore(%arg7 : memref<!tpu.dma_semaphore, #tpu.memory_space<semaphore_mem>>)
      %mul3A_86 = arith.constant 8 : i32
      %mul3A_87 = arith.muli %scan3A_8, %mul3A_86 : i32
      %add3A_88 = arith.constant 6 : i32
      %add3A_89 = arith.addi %mul3A_87, %add3A_88 : i32
      %dma_start3A_90 = arith.constant 600 : i32
      %dma_start3A_91 = arith.constant 0 : i32
      %dma_start3A_92 = tpu.memref_slice %arg6[%dma_start3A_90, %dma_start3A_91] : memref<800x128xf32, #tpu.memory_space<vmem>> -> memref<100x128xf32, #tpu.memory_space<vmem>>
      %dma_start3A_93 = arith.constant 0 : i32
      %dma_start3A_94 = tpu.memref_slice %arg5[%add3A_89, %dma_start3A_93] : memref<100x100xi32, #tpu.memory_space<vmem>> -> memref<1x100xi32, #tpu.memory_space<vmem>>
      %dma_start3A_95 = tpu.memref_squeeze %dma_start3A_94 : memref<1x100xi32, #tpu.memory_space<vmem>> -> memref<100xi32, #tpu.memory_space<vmem>>
      %dma_start3A_96 = arith.constant 0 : i32
      %dma_start3A_97 = arith.constant 0 : i32
      %dma_start3A_98 = tpu.memref_slice %arg2[%dma_start3A_96, %dma_start3A_97] : memref<10000x128xf32, #tpu.memory_space<hbm>> -> memref<10000x128xf32, #tpu.memory_space<hbm>>
      tpu.enqueue_indirect_dma source(%dma_start3A_98 : memref<10000x128xf32, #tpu.memory_space<hbm>>) target(%dma_start3A_92 : memref<100x128xf32, #tpu.memory_space<vmem>>) offsets(%dma_start3A_95 : memref<100xi32, #tpu.memory_space<vmem>>) semaphore(%arg7 : memref<!tpu.dma_semaphore, #tpu.memory_space<semaphore_mem>>)
      %mul3A_99 = arith.constant 8 : i32
      %mul3A_100 = arith.muli %scan3A_8, %mul3A_99 : i32
      %add3A_101 = arith.constant 7 : i32
      %add3A_102 = arith.addi %mul3A_100, %add3A_101 : i32
      %dma_start3A_103 = arith.constant 700 : i32
      %dma_start3A_104 = arith.constant 0 : i32
      %dma_start3A_105 = tpu.memref_slice %arg6[%dma_start3A_103, %dma_start3A_104] : memref<800x128xf32, #tpu.memory_space<vmem>> -> memref<100x128xf32, #tpu.memory_space<vmem>>
      %dma_start3A_106 = arith.constant 0 : i32
      %dma_start3A_107 = tpu.memref_slice %arg5[%add3A_102, %dma_start3A_106] : memref<100x100xi32, #tpu.memory_space<vmem>> -> memref<1x100xi32, #tpu.memory_space<vmem>>
      %dma_start3A_108 = tpu.memref_squeeze %dma_start3A_107 : memref<1x100xi32, #tpu.memory_space<vmem>> -> memref<100xi32, #tpu.memory_space<vmem>>
      %dma_start3A_109 = arith.constant 0 : i32
      %dma_start3A_110 = arith.constant 0 : i32
      %dma_start3A_111 = tpu.memref_slice %arg2[%dma_start3A_109, %dma_start3A_110] : memref<10000x128xf32, #tpu.memory_space<hbm>> -> memref<10000x128xf32, #tpu.memory_space<hbm>>
      tpu.enqueue_indirect_dma source(%dma_start3A_111 : memref<10000x128xf32, #tpu.memory_space<hbm>>) target(%dma_start3A_105 : memref<100x128xf32, #tpu.memory_space<vmem>>) offsets(%dma_start3A_108 : memref<100xi32, #tpu.memory_space<vmem>>) semaphore(%arg7 : memref<!tpu.dma_semaphore, #tpu.memory_space<semaphore_mem>>)
      %dma_wait3A = arith.constant 0 : i32
      %dma_wait3A_112 = arith.constant 0 : i32
      %dma_wait3A_113 = tpu.memref_slice %arg6[%dma_wait3A, %dma_wait3A_112] : memref<800x128xf32, #tpu.memory_space<vmem>> -> memref<100x128xf32, #tpu.memory_space<vmem>>
      %dma_wait3A_114 = arith.constant 0 : i32
      %dma_wait3A_115 = tpu.memref_slice %arg5[%add3A_12, %dma_wait3A_114] : memref<100x100xi32, #tpu.memory_space<vmem>> -> memref<1x100xi32, #tpu.memory_space<vmem>>
      %dma_wait3A_116 = tpu.memref_squeeze %dma_wait3A_115 : memref<1x100xi32, #tpu.memory_space<vmem>> -> memref<100xi32, #tpu.memory_space<vmem>>
      %dma_wait3A_117 = arith.constant 0 : i32
      %dma_wait3A_118 = arith.constant 0 : i32
      %dma_wait3A_119 = tpu.memref_slice %arg2[%dma_wait3A_117, %dma_wait3A_118] : memref<10000x128xf32, #tpu.memory_space<hbm>> -> memref<10000x128xf32, #tpu.memory_space<hbm>>
      tpu.wait_indirect_dma semaphore(%arg7 : memref<!tpu.dma_semaphore, #tpu.memory_space<semaphore_mem>>) src(%dma_wait3A_119 : memref<10000x128xf32, #tpu.memory_space<hbm>>) dst(%dma_wait3A_113 : memref<100x128xf32, #tpu.memory_space<vmem>>)
      %dma_wait3A_120 = arith.constant 100 : i32
      %dma_wait3A_121 = arith.constant 0 : i32
      %dma_wait3A_122 = tpu.memref_slice %arg6[%dma_wait3A_120, %dma_wait3A_121] : memref<800x128xf32, #tpu.memory_space<vmem>> -> memref<100x128xf32, #tpu.memory_space<vmem>>
      %dma_wait3A_123 = arith.constant 0 : i32
      %dma_wait3A_124 = tpu.memref_slice %arg5[%add3A_24, %dma_wait3A_123] : memref<100x100xi32, #tpu.memory_space<vmem>> -> memref<1x100xi32, #tpu.memory_space<vmem>>
      %dma_wait3A_125 = tpu.memref_squeeze %dma_wait3A_124 : memref<1x100xi32, #tpu.memory_space<vmem>> -> memref<100xi32, #tpu.memory_space<vmem>>
      %dma_wait3A_126 = arith.constant 0 : i32
      %dma_wait3A_127 = arith.constant 0 : i32
      %dma_wait3A_128 = tpu.memref_slice %arg2[%dma_wait3A_126, %dma_wait3A_127] : memref<10000x128xf32, #tpu.memory_space<hbm>> -> memref<10000x128xf32, #tpu.memory_space<hbm>>
      tpu.wait_indirect_dma semaphore(%arg7 : memref<!tpu.dma_semaphore, #tpu.memory_space<semaphore_mem>>) src(%dma_wait3A_128 : memref<10000x128xf32, #tpu.memory_space<hbm>>) dst(%dma_wait3A_122 : memref<100x128xf32, #tpu.memory_space<vmem>>)
      %dma_wait3A_129 = arith.constant 200 : i32
      %dma_wait3A_130 = arith.constant 0 : i32
      %dma_wait3A_131 = tpu.memref_slice %arg6[%dma_wait3A_129, %dma_wait3A_130] : memref<800x128xf32, #tpu.memory_space<vmem>> -> memref<100x128xf32, #tpu.memory_space<vmem>>
      %dma_wait3A_132 = arith.constant 0 : i32
      %dma_wait3A_133 = tpu.memref_slice %arg5[%add3A_37, %dma_wait3A_132] : memref<100x100xi32, #tpu.memory_space<vmem>> -> memref<1x100xi32, #tpu.memory_space<vmem>>
      %dma_wait3A_134 = tpu.memref_squeeze %dma_wait3A_133 : memref<1x100xi32, #tpu.memory_space<vmem>> -> memref<100xi32, #tpu.memory_space<vmem>>
      %dma_wait3A_135 = arith.constant 0 : i32
      %dma_wait3A_136 = arith.constant 0 : i32
      %dma_wait3A_137 = tpu.memref_slice %arg2[%dma_wait3A_135, %dma_wait3A_136] : memref<10000x128xf32, #tpu.memory_space<hbm>> -> memref<10000x128xf32, #tpu.memory_space<hbm>>
      tpu.wait_indirect_dma semaphore(%arg7 : memref<!tpu.dma_semaphore, #tpu.memory_space<semaphore_mem>>) src(%dma_wait3A_137 : memref<10000x128xf32, #tpu.memory_space<hbm>>) dst(%dma_wait3A_131 : memref<100x128xf32, #tpu.memory_space<vmem>>)
      %dma_wait3A_138 = arith.constant 300 : i32
      %dma_wait3A_139 = arith.constant 0 : i32
      %dma_wait3A_140 = tpu.memref_slice %arg6[%dma_wait3A_138, %dma_wait3A_139] : memref<800x128xf32, #tpu.memory_space<vmem>> -> memref<100x128xf32, #tpu.memory_space<vmem>>
      %dma_wait3A_141 = arith.constant 0 : i32
      %dma_wait3A_142 = tpu.memref_slice %arg5[%add3A_50, %dma_wait3A_141] : memref<100x100xi32, #tpu.memory_space<vmem>> -> memref<1x100xi32, #tpu.memory_space<vmem>>
      %dma_wait3A_143 = tpu.memref_squeeze %dma_wait3A_142 : memref<1x100xi32, #tpu.memory_space<vmem>> -> memref<100xi32, #tpu.memory_space<vmem>>
      %dma_wait3A_144 = arith.constant 0 : i32
      %dma_wait3A_145 = arith.constant 0 : i32
      %dma_wait3A_146 = tpu.memref_slice %arg2[%dma_wait3A_144, %dma_wait3A_145] : memref<10000x128xf32, #tpu.memory_space<hbm>> -> memref<10000x128xf32, #tpu.memory_space<hbm>>
      tpu.wait_indirect_dma semaphore(%arg7 : memref<!tpu.dma_semaphore, #tpu.memory_space<semaphore_mem>>) src(%dma_wait3A_146 : memref<10000x128xf32, #tpu.memory_space<hbm>>) dst(%dma_wait3A_140 : memref<100x128xf32, #tpu.memory_space<vmem>>)
      %dma_wait3A_147 = arith.constant 400 : i32
      %dma_wait3A_148 = arith.constant 0 : i32
      %dma_wait3A_149 = tpu.memref_slice %arg6[%dma_wait3A_147, %dma_wait3A_148] : memref<800x128xf32, #tpu.memory_space<vmem>> -> memref<100x128xf32, #tpu.memory_space<vmem>>
      %dma_wait3A_150 = arith.constant 0 : i32
      %dma_wait3A_151 = tpu.memref_slice %arg5[%add3A_63, %dma_wait3A_150] : memref<100x100xi32, #tpu.memory_space<vmem>> -> memref<1x100xi32, #tpu.memory_space<vmem>>
      %dma_wait3A_152 = tpu.memref_squeeze %dma_wait3A_151 : memref<1x100xi32, #tpu.memory_space<vmem>> -> memref<100xi32, #tpu.memory_space<vmem>>
      %dma_wait3A_153 = arith.constant 0 : i32
      %dma_wait3A_154 = arith.constant 0 : i32
      %dma_wait3A_155 = tpu.memref_slice %arg2[%dma_wait3A_153, %dma_wait3A_154] : memref<10000x128xf32, #tpu.memory_space<hbm>> -> memref<10000x128xf32, #tpu.memory_space<hbm>>
      tpu.wait_indirect_dma semaphore(%arg7 : memref<!tpu.dma_semaphore, #tpu.memory_space<semaphore_mem>>) src(%dma_wait3A_155 : memref<10000x128xf32, #tpu.memory_space<hbm>>) dst(%dma_wait3A_149 : memref<100x128xf32, #tpu.memory_space<vmem>>)
      %dma_wait3A_156 = arith.constant 500 : i32
      %dma_wait3A_157 = arith.constant 0 : i32
      %dma_wait3A_158 = tpu.memref_slice %arg6[%dma_wait3A_156, %dma_wait3A_157] : memref<800x128xf32, #tpu.memory_space<vmem>> -> memref<100x128xf32, #tpu.memory_space<vmem>>
      %dma_wait3A_159 = arith.constant 0 : i32
      %dma_wait3A_160 = tpu.memref_slice %arg5[%add3A_76, %dma_wait3A_159] : memref<100x100xi32, #tpu.memory_space<vmem>> -> memref<1x100xi32, #tpu.memory_space<vmem>>
      %dma_wait3A_161 = tpu.memref_squeeze %dma_wait3A_160 : memref<1x100xi32, #tpu.memory_space<vmem>> -> memref<100xi32, #tpu.memory_space<vmem>>
      %dma_wait3A_162 = arith.constant 0 : i32
      %dma_wait3A_163 = arith.constant 0 : i32
      %dma_wait3A_164 = tpu.memref_slice %arg2[%dma_wait3A_162, %dma_wait3A_163] : memref<10000x128xf32, #tpu.memory_space<hbm>> -> memref<10000x128xf32, #tpu.memory_space<hbm>>
      tpu.wait_indirect_dma semaphore(%arg7 : memref<!tpu.dma_semaphore, #tpu.memory_space<semaphore_mem>>) src(%dma_wait3A_164 : memref<10000x128xf32, #tpu.memory_space<hbm>>) dst(%dma_wait3A_158 : memref<100x128xf32, #tpu.memory_space<vmem>>)
      %dma_wait3A_165 = arith.constant 600 : i32
      %dma_wait3A_166 = arith.constant 0 : i32
      %dma_wait3A_167 = tpu.memref_slice %arg6[%dma_wait3A_165, %dma_wait3A_166] : memref<800x128xf32, #tpu.memory_space<vmem>> -> memref<100x128xf32, #tpu.memory_space<vmem>>
      %dma_wait3A_168 = arith.constant 0 : i32
      %dma_wait3A_169 = tpu.memref_slice %arg5[%add3A_89, %dma_wait3A_168] : memref<100x100xi32, #tpu.memory_space<vmem>> -> memref<1x100xi32, #tpu.memory_space<vmem>>
      %dma_wait3A_170 = tpu.memref_squeeze %dma_wait3A_169 : memref<1x100xi32, #tpu.memory_space<vmem>> -> memref<100xi32, #tpu.memory_space<vmem>>
      %dma_wait3A_171 = arith.constant 0 : i32
      %dma_wait3A_172 = arith.constant 0 : i32
      %dma_wait3A_173 = tpu.memref_slice %arg2[%dma_wait3A_171, %dma_wait3A_172] : memref<10000x128xf32, #tpu.memory_space<hbm>> -> memref<10000x128xf32, #tpu.memory_space<hbm>>
      tpu.wait_indirect_dma semaphore(%arg7 : memref<!tpu.dma_semaphore, #tpu.memory_space<semaphore_mem>>) src(%dma_wait3A_173 : memref<10000x128xf32, #tpu.memory_space<hbm>>) dst(%dma_wait3A_167 : memref<100x128xf32, #tpu.memory_space<vmem>>)
      %dma_wait3A_174 = arith.constant 700 : i32
      %dma_wait3A_175 = arith.constant 0 : i32
      %dma_wait3A_176 = tpu.memref_slice %arg6[%dma_wait3A_174, %dma_wait3A_175] : memref<800x128xf32, #tpu.memory_space<vmem>> -> memref<100x128xf32, #tpu.memory_space<vmem>>
      %dma_wait3A_177 = arith.constant 0 : i32
      %dma_wait3A_178 = tpu.memref_slice %arg5[%add3A_102, %dma_wait3A_177] : memref<100x100xi32, #tpu.memory_space<vmem>> -> memref<1x100xi32, #tpu.memory_space<vmem>>
      %dma_wait3A_179 = tpu.memref_squeeze %dma_wait3A_178 : memref<1x100xi32, #tpu.memory_space<vmem>> -> memref<100xi32, #tpu.memory_space<vmem>>
      %dma_wait3A_180 = arith.constant 0 : i32
      %dma_wait3A_181 = arith.constant 0 : i32
      %dma_wait3A_182 = tpu.memref_slice %arg2[%dma_wait3A_180, %dma_wait3A_181] : memref<10000x128xf32, #tpu.memory_space<hbm>> -> memref<10000x128xf32, #tpu.memory_space<hbm>>
      tpu.wait_indirect_dma semaphore(%arg7 : memref<!tpu.dma_semaphore, #tpu.memory_space<semaphore_mem>>) src(%dma_wait3A_182 : memref<10000x128xf32, #tpu.memory_space<hbm>>) dst(%dma_wait3A_176 : memref<100x128xf32, #tpu.memory_space<vmem>>)
      %mul3A_183 = arith.constant 800 : i32
      %mul3A_184 = arith.muli %scan3A_8, %mul3A_183 : i32
      %add3A_185 = arith.addi %mul3A_2, %mul3A_184 : i32
      "tpu.region"() ({
        %run_scoped3A = tpu.sem_alloc : memref<!tpu.dma_semaphore, #tpu.memory_space<semaphore_mem>>
        %dma_start3A_186 = arith.constant 0 : i32
        %dma_start3A_187 = tpu.memref_slice %arg4[%add3A_185, %dma_start3A_186] : memref<320000x128xf32, #tpu.memory_space<hbm>> -> memref<800x128xf32, #tpu.memory_space<hbm>>
        %dma_start3A_188 = arith.constant 0 : i32
        %dma_start3A_189 = tpu.memref_slice %arg4[%add3A_185, %dma_start3A_188] : memref<320000x128xf32, #tpu.memory_space<hbm>> -> memref<800x128xf32, #tpu.memory_space<hbm>>
        tpu.enqueue_dma source(%arg6 : memref<800x128xf32, #tpu.memory_space<vmem>>) target(%dma_start3A_189 : memref<800x128xf32, #tpu.memory_space<hbm>>) target_semaphore(%run_scoped3A : memref<!tpu.dma_semaphore, #tpu.memory_space<semaphore_mem>>)
        %dma_wait3A_190 = arith.constant 0 : i32
        %dma_wait3A_191 = tpu.memref_slice %arg4[%add3A_185, %dma_wait3A_190] : memref<320000x128xf32, #tpu.memory_space<hbm>> -> memref<800x128xf32, #tpu.memory_space<hbm>>
        %dma_wait3A_192 = arith.constant 0 : i32
        %dma_wait3A_193 = tpu.memref_slice %arg4[%add3A_185, %dma_wait3A_192] : memref<320000x128xf32, #tpu.memory_space<hbm>> -> memref<800x128xf32, #tpu.memory_space<hbm>>
        tpu.wait_dma2 semaphore(%run_scoped3A : memref<!tpu.dma_semaphore, #tpu.memory_space<semaphore_mem>>) src(%arg6 : memref<800x128xf32, #tpu.memory_space<vmem>>) dst(%dma_wait3A_193 : memref<800x128xf32, #tpu.memory_space<hbm>>)
        tpu.yield
      }) : () -> ()
    }
    %scan3A_7 = arith.constant 12 : i32
    return
  }
}

#map = affine_map<(d0, d1) -> (0, 0)>
#map1 = affine_map<(d0, d1) -> (0, 0, 0)>
module attributes {stable_mosaic.version = 14 : i64} {
  func.func @k(%arg0: i32, %arg1: i32, %arg2: memref<320000x128xf32, #tpu.memory_space<hbm>>, %arg3: memref<32x100x100xi32, #tpu.memory_space<hbm>>, %arg4: memref<640x128xf32, #tpu.memory_space<hbm>>, %arg5: memref<10240x128xf32, #tpu.memory_space<hbm>>, %arg6: memref<10240x128xf32, #tpu.memory_space<hbm>>, %arg7: memref<10240x128xf32, #tpu.memory_space<vmem_shared>>, %arg8: memref<100x100xi32, #tpu.memory_space<vmem>>, %arg9: memref<200x128xf32, #tpu.memory_space<vmem>>) attributes {dimension_semantics = [#tpu.dimension_semantics<core_parallel>, #tpu.dimension_semantics<subcore_parallel>], iteration_bounds = array<i64: 2, 16>, scalar_prefetch = 0 : i64, scratch_operands = 3 : i64, tpu.core_type = #tpu.core_type<sc_vector_subcore>, window_params = [{transform_indices = #map}, {transform_indices = #map1}, {transform_indices = #map}, {transform_indices = #map}, {transform_indices = #map}]} {
    %mul3A = arith.constant 2 : i32
    %mul3A_0 = arith.muli %arg1, %mul3A : i32
    %add3A = arith.addi %mul3A_0, %arg0 : i32
    %mul3A_1 = arith.constant 10000 : i32
    %mul3A_2 = arith.muli %add3A, %mul3A_1 : i32
    %mul3A_3 = arith.constant 640 : i32
    %mul3A_4 = arith.muli %arg1, %mul3A_3 : i32
    "tpu.region"() ({
      %run_scoped3A = tpu.sem_alloc : memref<!tpu.dma_semaphore, #tpu.memory_space<semaphore_mem>>
      %dma_start3A = arith.constant 0 : i32
      %dma_start3A_18 = tpu.memref_slice %arg7[%mul3A_4, %dma_start3A] : memref<10240x128xf32, #tpu.memory_space<vmem_shared>> -> memref<640x128xf32, #tpu.memory_space<vmem_shared>>
      tpu.enqueue_dma source(%arg4 : memref<640x128xf32, #tpu.memory_space<hbm>>) target(%dma_start3A_18 : memref<640x128xf32, #tpu.memory_space<vmem_shared>>) target_semaphore(%run_scoped3A : memref<!tpu.dma_semaphore, #tpu.memory_space<semaphore_mem>>)
      %dma_wait3A = arith.constant 0 : i32
      %dma_wait3A_19 = tpu.memref_slice %arg7[%mul3A_4, %dma_wait3A] : memref<10240x128xf32, #tpu.memory_space<vmem_shared>> -> memref<640x128xf32, #tpu.memory_space<vmem_shared>>
      tpu.wait_dma2 semaphore(%run_scoped3A : memref<!tpu.dma_semaphore, #tpu.memory_space<semaphore_mem>>) src(%arg4 : memref<640x128xf32, #tpu.memory_space<hbm>>) dst(%dma_wait3A_19 : memref<640x128xf32, #tpu.memory_space<vmem_shared>>)
      tpu.yield
    }) : () -> ()
    "tpu.region"() ({
      %run_scoped3A = tpu.sem_alloc : memref<!tpu.dma_semaphore, #tpu.memory_space<semaphore_mem>>
      %dma_start3A = arith.constant 0 : i32
      %dma_start3A_18 = arith.constant 0 : i32
      %dma_start3A_19 = tpu.memref_slice %arg3[%add3A, %dma_start3A, %dma_start3A_18] : memref<32x100x100xi32, #tpu.memory_space<hbm>> -> memref<1x100x100xi32, #tpu.memory_space<hbm>>
      %dma_start3A_20 = tpu.memref_squeeze %dma_start3A_19 : memref<1x100x100xi32, #tpu.memory_space<hbm>> -> memref<100x100xi32, #tpu.memory_space<hbm>>
      %dma_start3A_21 = arith.constant 0 : i32
      %dma_start3A_22 = arith.constant 0 : i32
      %dma_start3A_23 = tpu.memref_slice %arg3[%add3A, %dma_start3A_21, %dma_start3A_22] : memref<32x100x100xi32, #tpu.memory_space<hbm>> -> memref<1x100x100xi32, #tpu.memory_space<hbm>>
      %dma_start3A_24 = tpu.memref_squeeze %dma_start3A_23 : memref<1x100x100xi32, #tpu.memory_space<hbm>> -> memref<100x100xi32, #tpu.memory_space<hbm>>
      tpu.enqueue_dma source(%dma_start3A_24 : memref<100x100xi32, #tpu.memory_space<hbm>>) target(%arg8 : memref<100x100xi32, #tpu.memory_space<vmem>>) target_semaphore(%run_scoped3A : memref<!tpu.dma_semaphore, #tpu.memory_space<semaphore_mem>>)
      %dma_wait3A = arith.constant 0 : i32
      %dma_wait3A_25 = arith.constant 0 : i32
      %dma_wait3A_26 = tpu.memref_slice %arg3[%add3A, %dma_wait3A, %dma_wait3A_25] : memref<32x100x100xi32, #tpu.memory_space<hbm>> -> memref<1x100x100xi32, #tpu.memory_space<hbm>>
      %dma_wait3A_27 = tpu.memref_squeeze %dma_wait3A_26 : memref<1x100x100xi32, #tpu.memory_space<hbm>> -> memref<100x100xi32, #tpu.memory_space<hbm>>
      %dma_wait3A_28 = arith.constant 0 : i32
      %dma_wait3A_29 = arith.constant 0 : i32
      %dma_wait3A_30 = tpu.memref_slice %arg3[%add3A, %dma_wait3A_28, %dma_wait3A_29] : memref<32x100x100xi32, #tpu.memory_space<hbm>> -> memref<1x100x100xi32, #tpu.memory_space<hbm>>
      %dma_wait3A_31 = tpu.memref_squeeze %dma_wait3A_30 : memref<1x100x100xi32, #tpu.memory_space<hbm>> -> memref<100x100xi32, #tpu.memory_space<hbm>>
      tpu.wait_dma2 semaphore(%run_scoped3A : memref<!tpu.dma_semaphore, #tpu.memory_space<semaphore_mem>>) src(%dma_wait3A_31 : memref<100x100xi32, #tpu.memory_space<hbm>>) dst(%arg8 : memref<100x100xi32, #tpu.memory_space<vmem>>)
      tpu.yield
    }) : () -> ()
    %barrier3A = arith.constant 0 : index
    tpu.barrier barrier_id(%barrier3A)
    %scan3A = arith.constant 0 : i32
    %scan3A_5 = arith.constant 0 : i32
    %scan3A_6 = arith.constant 50 : i32
    %scan3A_7 = arith.addi %scan3A_5, %scan3A_6 : i32
    %scan3A_8 = arith.constant 1 : i32
    scf.for %scan3A_18 = %scan3A_5 to %scan3A_7 step %scan3A_8  : i32 {
      %mul3A_19 = arith.constant 200 : i32
      %mul3A_20 = arith.muli %scan3A_18, %mul3A_19 : i32
      %add3A_21 = arith.addi %mul3A_2, %mul3A_20 : i32
      "tpu.region"() ({
        %run_scoped3A = tpu.sem_alloc : memref<!tpu.dma_semaphore, #tpu.memory_space<semaphore_mem>>
        %dma_start3A = arith.constant 0 : i32
        %dma_start3A_30 = tpu.memref_slice %arg2[%add3A_21, %dma_start3A] : memref<320000x128xf32, #tpu.memory_space<hbm>> -> memref<200x128xf32, #tpu.memory_space<hbm>>
        %dma_start3A_31 = arith.constant 0 : i32
        %dma_start3A_32 = tpu.memref_slice %arg2[%add3A_21, %dma_start3A_31] : memref<320000x128xf32, #tpu.memory_space<hbm>> -> memref<200x128xf32, #tpu.memory_space<hbm>>
        tpu.enqueue_dma source(%dma_start3A_32 : memref<200x128xf32, #tpu.memory_space<hbm>>) target(%arg9 : memref<200x128xf32, #tpu.memory_space<vmem>>) target_semaphore(%run_scoped3A : memref<!tpu.dma_semaphore, #tpu.memory_space<semaphore_mem>>)
        %dma_wait3A = arith.constant 0 : i32
        %dma_wait3A_33 = tpu.memref_slice %arg2[%add3A_21, %dma_wait3A] : memref<320000x128xf32, #tpu.memory_space<hbm>> -> memref<200x128xf32, #tpu.memory_space<hbm>>
        %dma_wait3A_34 = arith.constant 0 : i32
        %dma_wait3A_35 = tpu.memref_slice %arg2[%add3A_21, %dma_wait3A_34] : memref<320000x128xf32, #tpu.memory_space<hbm>> -> memref<200x128xf32, #tpu.memory_space<hbm>>
        tpu.wait_dma2 semaphore(%run_scoped3A : memref<!tpu.dma_semaphore, #tpu.memory_space<semaphore_mem>>) src(%dma_wait3A_35 : memref<200x128xf32, #tpu.memory_space<hbm>>) dst(%arg9 : memref<200x128xf32, #tpu.memory_space<vmem>>)
        tpu.yield
      }) : () -> ()
      %mul3A_22 = arith.constant 2 : i32
      %mul3A_23 = arith.muli %scan3A_18, %mul3A_22 : i32
      %add3A_24 = arith.constant 0 : i32
      %add3A_25 = arith.addi %mul3A_23, %add3A_24 : i32
      "tpu.region"() ({
        %run_scoped3A = tpu.sem_alloc : memref<!tpu.dma_semaphore, #tpu.memory_space<semaphore_mem>>
        %dma_start3A = arith.constant 0 : i32
        %dma_start3A_30 = arith.constant 0 : i32
        %dma_start3A_31 = tpu.memref_slice %arg9[%dma_start3A, %dma_start3A_30] : memref<200x128xf32, #tpu.memory_space<vmem>> -> memref<100x128xf32, #tpu.memory_space<vmem>>
        %dma_start3A_32 = arith.constant 0 : i32
        %dma_start3A_33 = tpu.memref_slice %arg8[%add3A_25, %dma_start3A_32] : memref<100x100xi32, #tpu.memory_space<vmem>> -> memref<1x100xi32, #tpu.memory_space<vmem>>
        %dma_start3A_34 = tpu.memref_squeeze %dma_start3A_33 : memref<1x100xi32, #tpu.memory_space<vmem>> -> memref<100xi32, #tpu.memory_space<vmem>>
        %dma_start3A_35 = arith.constant 0 : i32
        %dma_start3A_36 = arith.constant 0 : i32
        %dma_start3A_37 = tpu.memref_slice %arg7[%dma_start3A_35, %dma_start3A_36] : memref<10240x128xf32, #tpu.memory_space<vmem_shared>> -> memref<10240x128xf32, #tpu.memory_space<vmem_shared>>
        tpu.enqueue_indirect_dma source(%dma_start3A_31 : memref<100x128xf32, #tpu.memory_space<vmem>>) target(%dma_start3A_37 : memref<10240x128xf32, #tpu.memory_space<vmem_shared>>) offsets(%dma_start3A_34 : memref<100xi32, #tpu.memory_space<vmem>>) semaphore(%run_scoped3A : memref<!tpu.dma_semaphore, #tpu.memory_space<semaphore_mem>>) {add = true}
        %dma_wait3A = arith.constant 0 : i32
        %dma_wait3A_38 = arith.constant 0 : i32
        %dma_wait3A_39 = tpu.memref_slice %arg9[%dma_wait3A, %dma_wait3A_38] : memref<200x128xf32, #tpu.memory_space<vmem>> -> memref<100x128xf32, #tpu.memory_space<vmem>>
        %dma_wait3A_40 = arith.constant 0 : i32
        %dma_wait3A_41 = tpu.memref_slice %arg8[%add3A_25, %dma_wait3A_40] : memref<100x100xi32, #tpu.memory_space<vmem>> -> memref<1x100xi32, #tpu.memory_space<vmem>>
        %dma_wait3A_42 = tpu.memref_squeeze %dma_wait3A_41 : memref<1x100xi32, #tpu.memory_space<vmem>> -> memref<100xi32, #tpu.memory_space<vmem>>
        %dma_wait3A_43 = arith.constant 0 : i32
        %dma_wait3A_44 = arith.constant 0 : i32
        %dma_wait3A_45 = tpu.memref_slice %arg7[%dma_wait3A_43, %dma_wait3A_44] : memref<10240x128xf32, #tpu.memory_space<vmem_shared>> -> memref<10240x128xf32, #tpu.memory_space<vmem_shared>>
        tpu.wait_indirect_dma semaphore(%run_scoped3A : memref<!tpu.dma_semaphore, #tpu.memory_space<semaphore_mem>>) src(%dma_wait3A_39 : memref<100x128xf32, #tpu.memory_space<vmem>>) dst(%dma_wait3A_45 : memref<10240x128xf32, #tpu.memory_space<vmem_shared>>)
        tpu.yield
      }) : () -> ()
      %mul3A_26 = arith.constant 2 : i32
      %mul3A_27 = arith.muli %scan3A_18, %mul3A_26 : i32
      %add3A_28 = arith.constant 1 : i32
      %add3A_29 = arith.addi %mul3A_27, %add3A_28 : i32
      "tpu.region"() ({
        %run_scoped3A = tpu.sem_alloc : memref<!tpu.dma_semaphore, #tpu.memory_space<semaphore_mem>>
        %dma_start3A = arith.constant 100 : i32
        %dma_start3A_30 = arith.constant 0 : i32
        %dma_start3A_31 = tpu.memref_slice %arg9[%dma_start3A, %dma_start3A_30] : memref<200x128xf32, #tpu.memory_space<vmem>> -> memref<100x128xf32, #tpu.memory_space<vmem>>
        %dma_start3A_32 = arith.constant 0 : i32
        %dma_start3A_33 = tpu.memref_slice %arg8[%add3A_29, %dma_start3A_32] : memref<100x100xi32, #tpu.memory_space<vmem>> -> memref<1x100xi32, #tpu.memory_space<vmem>>
        %dma_start3A_34 = tpu.memref_squeeze %dma_start3A_33 : memref<1x100xi32, #tpu.memory_space<vmem>> -> memref<100xi32, #tpu.memory_space<vmem>>
        %dma_start3A_35 = arith.constant 0 : i32
        %dma_start3A_36 = arith.constant 0 : i32
        %dma_start3A_37 = tpu.memref_slice %arg7[%dma_start3A_35, %dma_start3A_36] : memref<10240x128xf32, #tpu.memory_space<vmem_shared>> -> memref<10240x128xf32, #tpu.memory_space<vmem_shared>>
        tpu.enqueue_indirect_dma source(%dma_start3A_31 : memref<100x128xf32, #tpu.memory_space<vmem>>) target(%dma_start3A_37 : memref<10240x128xf32, #tpu.memory_space<vmem_shared>>) offsets(%dma_start3A_34 : memref<100xi32, #tpu.memory_space<vmem>>) semaphore(%run_scoped3A : memref<!tpu.dma_semaphore, #tpu.memory_space<semaphore_mem>>) {add = true}
        %dma_wait3A = arith.constant 100 : i32
        %dma_wait3A_38 = arith.constant 0 : i32
        %dma_wait3A_39 = tpu.memref_slice %arg9[%dma_wait3A, %dma_wait3A_38] : memref<200x128xf32, #tpu.memory_space<vmem>> -> memref<100x128xf32, #tpu.memory_space<vmem>>
        %dma_wait3A_40 = arith.constant 0 : i32
        %dma_wait3A_41 = tpu.memref_slice %arg8[%add3A_29, %dma_wait3A_40] : memref<100x100xi32, #tpu.memory_space<vmem>> -> memref<1x100xi32, #tpu.memory_space<vmem>>
        %dma_wait3A_42 = tpu.memref_squeeze %dma_wait3A_41 : memref<1x100xi32, #tpu.memory_space<vmem>> -> memref<100xi32, #tpu.memory_space<vmem>>
        %dma_wait3A_43 = arith.constant 0 : i32
        %dma_wait3A_44 = arith.constant 0 : i32
        %dma_wait3A_45 = tpu.memref_slice %arg7[%dma_wait3A_43, %dma_wait3A_44] : memref<10240x128xf32, #tpu.memory_space<vmem_shared>> -> memref<10240x128xf32, #tpu.memory_space<vmem_shared>>
        tpu.wait_indirect_dma semaphore(%run_scoped3A : memref<!tpu.dma_semaphore, #tpu.memory_space<semaphore_mem>>) src(%dma_wait3A_39 : memref<100x128xf32, #tpu.memory_space<vmem>>) dst(%dma_wait3A_45 : memref<10240x128xf32, #tpu.memory_space<vmem_shared>>)
        tpu.yield
      }) : () -> ()
    }
    %scan3A_9 = arith.constant 50 : i32
    %barrier3A_10 = arith.constant 0 : index
    tpu.barrier barrier_id(%barrier3A_10)
    %eq3A = arith.constant 0 : i32
    %eq3A_11 = arith.cmpi eq, %arg0, %eq3A : i32
    %convert_element_type3A = arith.extui %eq3A_11 : i1 to i32
    %cond3A = arith.constant 0 : i32
    %cond3A_12 = arith.cmpi ne, %convert_element_type3A, %cond3A : i32
    scf.if %cond3A_12 {
      %mul3A_18 = arith.constant 640 : i32
      %mul3A_19 = arith.muli %arg1, %mul3A_18 : i32
      %mul3A_20 = arith.constant 640 : i32
      %mul3A_21 = arith.muli %arg1, %mul3A_20 : i32
      "tpu.region"() ({
        %run_scoped3A = tpu.sem_alloc : memref<!tpu.dma_semaphore, #tpu.memory_space<semaphore_mem>>
        %dma_start3A = arith.constant 0 : i32
        %dma_start3A_22 = tpu.memref_slice %arg5[%mul3A_21, %dma_start3A] : memref<10240x128xf32, #tpu.memory_space<hbm>> -> memref<640x128xf32, #tpu.memory_space<hbm>>
        %dma_start3A_23 = arith.constant 0 : i32
        %dma_start3A_24 = tpu.memref_slice %arg7[%mul3A_19, %dma_start3A_23] : memref<10240x128xf32, #tpu.memory_space<vmem_shared>> -> memref<640x128xf32, #tpu.memory_space<vmem_shared>>
        tpu.enqueue_dma source(%dma_start3A_24 : memref<640x128xf32, #tpu.memory_space<vmem_shared>>) target(%dma_start3A_22 : memref<640x128xf32, #tpu.memory_space<hbm>>) target_semaphore(%run_scoped3A : memref<!tpu.dma_semaphore, #tpu.memory_space<semaphore_mem>>)
        %dma_wait3A = arith.constant 0 : i32
        %dma_wait3A_25 = tpu.memref_slice %arg5[%mul3A_21, %dma_wait3A] : memref<10240x128xf32, #tpu.memory_space<hbm>> -> memref<640x128xf32, #tpu.memory_space<hbm>>
        %dma_wait3A_26 = arith.constant 0 : i32
        %dma_wait3A_27 = tpu.memref_slice %arg7[%mul3A_19, %dma_wait3A_26] : memref<10240x128xf32, #tpu.memory_space<vmem_shared>> -> memref<640x128xf32, #tpu.memory_space<vmem_shared>>
        tpu.wait_dma2 semaphore(%run_scoped3A : memref<!tpu.dma_semaphore, #tpu.memory_space<semaphore_mem>>) src(%dma_wait3A_27 : memref<640x128xf32, #tpu.memory_space<vmem_shared>>) dst(%dma_wait3A_25 : memref<640x128xf32, #tpu.memory_space<hbm>>)
        tpu.yield
      }) : () -> ()
    } else {
    }
    %eq3A_13 = arith.constant 1 : i32
    %eq3A_14 = arith.cmpi eq, %arg0, %eq3A_13 : i32
    %convert_element_type3A_15 = arith.extui %eq3A_14 : i1 to i32
    %cond3A_16 = arith.constant 0 : i32
    %cond3A_17 = arith.cmpi ne, %convert_element_type3A_15, %cond3A_16 : i32
    scf.if %cond3A_17 {
      %mul3A_18 = arith.constant 640 : i32
      %mul3A_19 = arith.muli %arg1, %mul3A_18 : i32
      %mul3A_20 = arith.constant 640 : i32
      %mul3A_21 = arith.muli %arg1, %mul3A_20 : i32
      "tpu.region"() ({
        %run_scoped3A = tpu.sem_alloc : memref<!tpu.dma_semaphore, #tpu.memory_space<semaphore_mem>>
        %dma_start3A = arith.constant 0 : i32
        %dma_start3A_22 = tpu.memref_slice %arg6[%mul3A_21, %dma_start3A] : memref<10240x128xf32, #tpu.memory_space<hbm>> -> memref<640x128xf32, #tpu.memory_space<hbm>>
        %dma_start3A_23 = arith.constant 0 : i32
        %dma_start3A_24 = tpu.memref_slice %arg7[%mul3A_19, %dma_start3A_23] : memref<10240x128xf32, #tpu.memory_space<vmem_shared>> -> memref<640x128xf32, #tpu.memory_space<vmem_shared>>
        tpu.enqueue_dma source(%dma_start3A_24 : memref<640x128xf32, #tpu.memory_space<vmem_shared>>) target(%dma_start3A_22 : memref<640x128xf32, #tpu.memory_space<hbm>>) target_semaphore(%run_scoped3A : memref<!tpu.dma_semaphore, #tpu.memory_space<semaphore_mem>>)
        %dma_wait3A = arith.constant 0 : i32
        %dma_wait3A_25 = tpu.memref_slice %arg6[%mul3A_21, %dma_wait3A] : memref<10240x128xf32, #tpu.memory_space<hbm>> -> memref<640x128xf32, #tpu.memory_space<hbm>>
        %dma_wait3A_26 = arith.constant 0 : i32
        %dma_wait3A_27 = tpu.memref_slice %arg7[%mul3A_19, %dma_wait3A_26] : memref<10240x128xf32, #tpu.memory_space<vmem_shared>> -> memref<640x128xf32, #tpu.memory_space<vmem_shared>>
        tpu.wait_dma2 semaphore(%run_scoped3A : memref<!tpu.dma_semaphore, #tpu.memory_space<semaphore_mem>>) src(%dma_wait3A_27 : memref<640x128xf32, #tpu.memory_space<vmem_shared>>) dst(%dma_wait3A_25 : memref<640x128xf32, #tpu.memory_space<hbm>>)
        tpu.yield
      }) : () -> ()
    } else {
    }
    return
  }
}

module attributes {stable_mosaic.version = 14 : i64} {
  func.func @body(%arg0: i32, %arg1: memref<2000x128xf32, #tpu.memory_space<vmem>>, %arg2: memref<128x64xf32, #tpu.memory_space<vmem>>, %arg3: memref<1x64xf32, #tpu.memory_space<vmem>>, %arg4: memref<64x64xf32, #tpu.memory_space<vmem>>, %arg5: memref<1x64xf32, #tpu.memory_space<vmem>>, %arg6: memref<64x64xf32, #tpu.memory_space<vmem>>, %arg7: memref<64x64xf32, #tpu.memory_space<vmem>>, %arg8: memref<2000x64xf32, #tpu.memory_space<vmem>>, %arg9: memref<2000x64xf32, #tpu.memory_space<vmem>>, %arg10: memref<2000x128xf32, #tpu.memory_space<vmem>>) attributes {dimension_semantics = [#tpu.dimension_semantics<arbitrary>], iteration_bounds = array<i64: 5>, scalar_prefetch = 0 : i64, scratch_operands = 0 : i64, tpu.core_type = #tpu.core_type<tc>, window_params = [{transform_indices = @transform_0, window_bounds = array<i64: 2000, 128>}, {pipeline_mode = #tpu.pipeline_mode<synchronous>, transform_indices = @transform_1, window_bounds = array<i64: 128, 64>}, {pipeline_mode = #tpu.pipeline_mode<synchronous>, transform_indices = @transform_2, window_bounds = array<i64: 1, 64>}, {pipeline_mode = #tpu.pipeline_mode<synchronous>, transform_indices = @transform_3, window_bounds = array<i64: 64, 64>}, {pipeline_mode = #tpu.pipeline_mode<synchronous>, transform_indices = @transform_4, window_bounds = array<i64: 1, 64>}, {pipeline_mode = #tpu.pipeline_mode<synchronous>, transform_indices = @transform_5, window_bounds = array<i64: 64, 64>}, {pipeline_mode = #tpu.pipeline_mode<synchronous>, transform_indices = @transform_6, window_bounds = array<i64: 64, 64>}, {transform_indices = @transform_7, window_bounds = array<i64: 2000, 64>}, {transform_indices = @transform_8, window_bounds = array<i64: 2000, 64>}, {transform_indices = @transform_9, window_bounds = array<i64: 2000, 128>}]} {
    %get3A = arith.constant 0 : index
    %get3A_0 = arith.constant 0 : index
    %get3A_1 = vector.load %arg1[%get3A, %get3A_0] : memref<2000x128xf32, #tpu.memory_space<vmem>>, vector<2000x128xf32>
    %get3A_2 = arith.constant 0 : index
    %get3A_3 = arith.constant 0 : index
    %get3A_4 = vector.load %arg2[%get3A_2, %get3A_3] : memref<128x64xf32, #tpu.memory_space<vmem>>, vector<128x64xf32>
    %dot_general3A = arith.constant dense<0.000000e+00> : vector<2000x64xf32>
    %dot_general3A_5 = tpu.matmul %get3A_1, %get3A_4, %dot_general3A {dimension_numbers = #tpu.dot_dimension_numbers<[1], [0], [0], [1], [0, 0, 1, 1], [], []>, transpose_lhs_hint = false} : vector<2000x128xf32>, vector<128x64xf32>, vector<2000x64xf32> -> vector<2000x64xf32>
    %get3A_6 = arith.constant 0 : index
    %get3A_7 = arith.constant 0 : index
    %get3A_8 = vector.load %arg3[%get3A_6, %get3A_7] : memref<1x64xf32, #tpu.memory_space<vmem>>, vector<1x64xf32>
    %add3A = vector.broadcast %get3A_8 : vector<1x64xf32> to vector<2000x64xf32>
    %add3A_9 = arith.addf %dot_general3A_5, %add3A : vector<2000x64xf32>
    %max3A = arith.constant 0.000000e+00 : f32
    %max3A_10 = vector.broadcast %max3A : f32 to vector<2000x64xf32>
    %max3A_11 = arith.maximumf %add3A_9, %max3A_10 : vector<2000x64xf32>
    %abs3A = math.absf %add3A_9 : vector<2000x64xf32>
    %neg3A = arith.constant 0.000000e+00 : f32
    %neg3A_12 = vector.broadcast %neg3A : f32 to vector<2000x64xf32>
    %neg3A_13 = arith.subf %neg3A_12, %abs3A : vector<2000x64xf32>
    %exp3A = math.exp %neg3A_13 : vector<2000x64xf32>
    %log1p3A = math.log1p %exp3A : vector<2000x64xf32>
    %add3A_14 = arith.addf %max3A_11, %log1p3A : vector<2000x64xf32>
    %get3A_15 = arith.constant 0 : index
    %get3A_16 = arith.constant 0 : index
    %get3A_17 = vector.load %arg4[%get3A_15, %get3A_16] : memref<64x64xf32, #tpu.memory_space<vmem>>, vector<64x64xf32>
    %dot_general3A_18 = arith.constant dense<0.000000e+00> : vector<2000x64xf32>
    %dot_general3A_19 = tpu.matmul %add3A_14, %get3A_17, %dot_general3A_18 {dimension_numbers = #tpu.dot_dimension_numbers<[1], [0], [0], [1], [0, 0, 1, 1], [], []>, transpose_lhs_hint = false} : vector<2000x64xf32>, vector<64x64xf32>, vector<2000x64xf32> -> vector<2000x64xf32>
    %get3A_20 = arith.constant 0 : index
    %get3A_21 = arith.constant 0 : index
    %get3A_22 = vector.load %arg5[%get3A_20, %get3A_21] : memref<1x64xf32, #tpu.memory_space<vmem>>, vector<1x64xf32>
    %add3A_23 = vector.broadcast %get3A_22 : vector<1x64xf32> to vector<2000x64xf32>
    %add3A_24 = arith.addf %dot_general3A_19, %add3A_23 : vector<2000x64xf32>
    %max3A_25 = arith.constant 0.000000e+00 : f32
    %max3A_26 = vector.broadcast %max3A_25 : f32 to vector<2000x64xf32>
    %max3A_27 = arith.maximumf %add3A_24, %max3A_26 : vector<2000x64xf32>
    %abs3A_28 = math.absf %add3A_24 : vector<2000x64xf32>
    %neg3A_29 = arith.constant 0.000000e+00 : f32
    %neg3A_30 = vector.broadcast %neg3A_29 : f32 to vector<2000x64xf32>
    %neg3A_31 = arith.subf %neg3A_30, %abs3A_28 : vector<2000x64xf32>
    %exp3A_32 = math.exp %neg3A_31 : vector<2000x64xf32>
    %log1p3A_33 = math.log1p %exp3A_32 : vector<2000x64xf32>
    %add3A_34 = arith.addf %max3A_27, %log1p3A_33 : vector<2000x64xf32>
    %swap3A = arith.constant 0 : index
    %swap3A_35 = arith.constant 0 : index
    %swap3A_36 = vector.load %arg8[%swap3A, %swap3A_35] : memref<2000x64xf32, #tpu.memory_space<vmem>>, vector<2000x64xf32>
    tpu.vector_store %arg8[%swap3A, %swap3A_35], %add3A_34 {strides = array<i32>} : memref<2000x64xf32, #tpu.memory_space<vmem>>, vector<2000x64xf32>,
    %get3A_37 = arith.constant 0 : index
    %get3A_38 = arith.constant 0 : index
    %get3A_39 = vector.load %arg6[%get3A_37, %get3A_38] : memref<64x64xf32, #tpu.memory_space<vmem>>, vector<64x64xf32>
    %dot_general3A_40 = arith.constant dense<0.000000e+00> : vector<2000x64xf32>
    %dot_general3A_41 = tpu.matmul %add3A_34, %get3A_39, %dot_general3A_40 {dimension_numbers = #tpu.dot_dimension_numbers<[1], [0], [0], [1], [0, 0, 1, 1], [], []>, transpose_lhs_hint = false} : vector<2000x64xf32>, vector<64x64xf32>, vector<2000x64xf32> -> vector<2000x64xf32>
    %swap3A_42 = arith.constant 0 : index
    %swap3A_43 = arith.constant 0 : index
    %swap3A_44 = vector.load %arg9[%swap3A_42, %swap3A_43] : memref<2000x64xf32, #tpu.memory_space<vmem>>, vector<2000x64xf32>
    tpu.vector_store %arg9[%swap3A_42, %swap3A_43], %dot_general3A_41 {strides = array<i32>} : memref<2000x64xf32, #tpu.memory_space<vmem>>, vector<2000x64xf32>,
    %get3A_45 = arith.constant 0 : index
    %get3A_46 = arith.constant 0 : index
    %get3A_47 = vector.load %arg7[%get3A_45, %get3A_46] : memref<64x64xf32, #tpu.memory_space<vmem>>, vector<64x64xf32>
    %dot_general3A_48 = arith.constant dense<0.000000e+00> : vector<2000x64xf32>
    %dot_general3A_49 = tpu.matmul %add3A_34, %get3A_47, %dot_general3A_48 {dimension_numbers = #tpu.dot_dimension_numbers<[1], [0], [0], [1], [0, 0, 1, 1], [], []>, transpose_lhs_hint = false} : vector<2000x64xf32>, vector<64x64xf32>, vector<2000x64xf32> -> vector<2000x64xf32>
    %broadcast_in_dim3A = arith.constant 0.000000e+00 : f32
    %broadcast_in_dim3A_50 = vector.broadcast %broadcast_in_dim3A : f32 to vector<2000x64xf32>
    %concatenate3A = tpu.concatenate %dot_general3A_49, %broadcast_in_dim3A_50 in 1 : vector<2000x64xf32>, vector<2000x64xf32> -> vector<2000x128xf32>
    %swap3A_51 = arith.constant 0 : index
    %swap3A_52 = arith.constant 0 : index
    %swap3A_53 = vector.load %arg10[%swap3A_51, %swap3A_52] : memref<2000x128xf32, #tpu.memory_space<vmem>>, vector<2000x128xf32>
    tpu.vector_store %arg10[%swap3A_51, %swap3A_52], %concatenate3A {strides = array<i32>} : memref<2000x128xf32, #tpu.memory_space<vmem>>, vector<2000x128xf32>,
    return
  }
  func.func @transform_0(%arg0: i32) -> (i32, i32) {
    %c0_i32 = arith.constant 0 : i32
    %c0_i32_0 = arith.constant 0 : i32
    return %arg0, %c0_i32 : i32, i32
  }
  func.func @transform_1(%arg0: i32) -> (i32, i32) {
    %c0_i32 = arith.constant 0 : i32
    %c0_i32_0 = arith.constant 0 : i32
    %c0_i32_1 = arith.constant 0 : i32
    return %c0_i32, %c0_i32_0 : i32, i32
  }
  func.func @transform_2(%arg0: i32) -> (i32, i32) {
    %c0_i32 = arith.constant 0 : i32
    %c0_i32_0 = arith.constant 0 : i32
    %c0_i32_1 = arith.constant 0 : i32
    return %c0_i32, %c0_i32_0 : i32, i32
  }
  func.func @transform_3(%arg0: i32) -> (i32, i32) {
    %c0_i32 = arith.constant 0 : i32
    %c0_i32_0 = arith.constant 0 : i32
    %c0_i32_1 = arith.constant 0 : i32
    return %c0_i32, %c0_i32_0 : i32, i32
  }
  func.func @transform_4(%arg0: i32) -> (i32, i32) {
    %c0_i32 = arith.constant 0 : i32
    %c0_i32_0 = arith.constant 0 : i32
    %c0_i32_1 = arith.constant 0 : i32
    return %c0_i32, %c0_i32_0 : i32, i32
  }
  func.func @transform_5(%arg0: i32) -> (i32, i32) {
    %c0_i32 = arith.constant 0 : i32
    %c0_i32_0 = arith.constant 0 : i32
    %c0_i32_1 = arith.constant 0 : i32
    return %c0_i32, %c0_i32_0 : i32, i32
  }
  func.func @transform_6(%arg0: i32) -> (i32, i32) {
    %c0_i32 = arith.constant 0 : i32
    %c0_i32_0 = arith.constant 0 : i32
    %c0_i32_1 = arith.constant 0 : i32
    return %c0_i32, %c0_i32_0 : i32, i32
  }
  func.func @transform_7(%arg0: i32) -> (i32, i32) {
    %c0_i32 = arith.constant 0 : i32
    %c0_i32_0 = arith.constant 0 : i32
    return %arg0, %c0_i32 : i32, i32
  }
  func.func @transform_8(%arg0: i32) -> (i32, i32) {
    %c0_i32 = arith.constant 0 : i32
    %c0_i32_0 = arith.constant 0 : i32
    return %arg0, %c0_i32 : i32, i32
  }
  func.func @transform_9(%arg0: i32) -> (i32, i32) {
    %c0_i32 = arith.constant 0 : i32
    %c0_i32_0 = arith.constant 0 : i32
    return %arg0, %c0_i32 : i32, i32
  }
}

module attributes {stable_mosaic.version = 14 : i64} {
  func.func @body(%arg0: memref<1x16xf32, #tpu.memory_space<vmem>>, %arg1: memref<16x64xf32, #tpu.memory_space<vmem>>, %arg2: memref<1x64xf32, #tpu.memory_space<vmem>>, %arg3: memref<64x64xf32, #tpu.memory_space<vmem>>, %arg4: memref<1x64xf32, #tpu.memory_space<vmem>>, %arg5: memref<64x64xf32, #tpu.memory_space<vmem>>, %arg6: memref<1x64xf32, #tpu.memory_space<vmem>>, %arg7: memref<64x64xf32, #tpu.memory_space<vmem>>, %arg8: memref<1x64xf32, #tpu.memory_space<vmem>>, %arg9: memref<1x64xf32, #tpu.memory_space<vmem>>, %arg10: memref<1x64xf32, #tpu.memory_space<vmem>>, %arg11: memref<1x64xf32, #tpu.memory_space<vmem>>) attributes {dimension_semantics = [], scalar_prefetch = 0 : i64, scratch_operands = 0 : i64, tpu.core_type = #tpu.core_type<tc>} {
    %get3A = arith.constant 0 : index
    %get3A_0 = arith.constant 0 : index
    %get3A_1 = vector.load %arg0[%get3A, %get3A_0] : memref<1x16xf32, #tpu.memory_space<vmem>>, vector<1x16xf32>
    %get3A_2 = arith.constant 0 : index
    %get3A_3 = arith.constant 0 : index
    %get3A_4 = vector.load %arg1[%get3A_2, %get3A_3] : memref<16x64xf32, #tpu.memory_space<vmem>>, vector<16x64xf32>
    %dot_general3A = arith.constant dense<0.000000e+00> : vector<1x64xf32>
    %dot_general3A_5 = tpu.matmul %get3A_1, %get3A_4, %dot_general3A {dimension_numbers = #tpu.dot_dimension_numbers<[1], [0], [0], [1], [0, 0, 1, 1], [], []>, transpose_lhs_hint = false} : vector<1x16xf32>, vector<16x64xf32>, vector<1x64xf32> -> vector<1x64xf32>
    %get3A_6 = arith.constant 0 : index
    %get3A_7 = arith.constant 0 : index
    %get3A_8 = vector.load %arg2[%get3A_6, %get3A_7] : memref<1x64xf32, #tpu.memory_space<vmem>>, vector<1x64xf32>
    %add3A = arith.addf %dot_general3A_5, %get3A_8 : vector<1x64xf32>
    %max3A = arith.constant 0.000000e+00 : f32
    %max3A_9 = vector.broadcast %max3A : f32 to vector<1x64xf32>
    %max3A_10 = arith.maximumf %add3A, %max3A_9 : vector<1x64xf32>
    %abs3A = math.absf %add3A : vector<1x64xf32>
    %neg3A = arith.constant 0.000000e+00 : f32
    %neg3A_11 = vector.broadcast %neg3A : f32 to vector<1x64xf32>
    %neg3A_12 = arith.subf %neg3A_11, %abs3A : vector<1x64xf32>
    %exp3A = math.exp %neg3A_12 : vector<1x64xf32>
    %log1p3A = math.log1p %exp3A : vector<1x64xf32>
    %add3A_13 = arith.addf %max3A_10, %log1p3A : vector<1x64xf32>
    %get3A_14 = arith.constant 0 : index
    %get3A_15 = arith.constant 0 : index
    %get3A_16 = vector.load %arg3[%get3A_14, %get3A_15] : memref<64x64xf32, #tpu.memory_space<vmem>>, vector<64x64xf32>
    %dot_general3A_17 = arith.constant dense<0.000000e+00> : vector<1x64xf32>
    %dot_general3A_18 = tpu.matmul %add3A_13, %get3A_16, %dot_general3A_17 {dimension_numbers = #tpu.dot_dimension_numbers<[1], [0], [0], [1], [0, 0, 1, 1], [], []>, transpose_lhs_hint = false} : vector<1x64xf32>, vector<64x64xf32>, vector<1x64xf32> -> vector<1x64xf32>
    %get3A_19 = arith.constant 0 : index
    %get3A_20 = arith.constant 0 : index
    %get3A_21 = vector.load %arg4[%get3A_19, %get3A_20] : memref<1x64xf32, #tpu.memory_space<vmem>>, vector<1x64xf32>
    %add3A_22 = arith.addf %dot_general3A_18, %get3A_21 : vector<1x64xf32>
    %max3A_23 = arith.constant 0.000000e+00 : f32
    %max3A_24 = vector.broadcast %max3A_23 : f32 to vector<1x64xf32>
    %max3A_25 = arith.maximumf %add3A_22, %max3A_24 : vector<1x64xf32>
    %abs3A_26 = math.absf %add3A_22 : vector<1x64xf32>
    %neg3A_27 = arith.constant 0.000000e+00 : f32
    %neg3A_28 = vector.broadcast %neg3A_27 : f32 to vector<1x64xf32>
    %neg3A_29 = arith.subf %neg3A_28, %abs3A_26 : vector<1x64xf32>
    %exp3A_30 = math.exp %neg3A_29 : vector<1x64xf32>
    %log1p3A_31 = math.log1p %exp3A_30 : vector<1x64xf32>
    %add3A_32 = arith.addf %max3A_25, %log1p3A_31 : vector<1x64xf32>
    %swap3A = arith.constant 0 : index
    %swap3A_33 = arith.constant 0 : index
    %swap3A_34 = vector.load %arg9[%swap3A, %swap3A_33] : memref<1x64xf32, #tpu.memory_space<vmem>>, vector<1x64xf32>
    tpu.vector_store %arg9[%swap3A, %swap3A_33], %add3A_32 {strides = array<i32>} : memref<1x64xf32, #tpu.memory_space<vmem>>, vector<1x64xf32>,
    %get3A_35 = arith.constant 0 : index
    %get3A_36 = arith.constant 0 : index
    %get3A_37 = vector.load %arg5[%get3A_35, %get3A_36] : memref<64x64xf32, #tpu.memory_space<vmem>>, vector<64x64xf32>
    %dot_general3A_38 = arith.constant dense<0.000000e+00> : vector<1x64xf32>
    %dot_general3A_39 = tpu.matmul %add3A_32, %get3A_37, %dot_general3A_38 {dimension_numbers = #tpu.dot_dimension_numbers<[1], [0], [0], [1], [0, 0, 1, 1], [], []>, transpose_lhs_hint = false} : vector<1x64xf32>, vector<64x64xf32>, vector<1x64xf32> -> vector<1x64xf32>
    %get3A_40 = arith.constant 0 : index
    %get3A_41 = arith.constant 0 : index
    %get3A_42 = vector.load %arg6[%get3A_40, %get3A_41] : memref<1x64xf32, #tpu.memory_space<vmem>>, vector<1x64xf32>
    %add3A_43 = arith.addf %dot_general3A_39, %get3A_42 : vector<1x64xf32>
    %swap3A_44 = arith.constant 0 : index
    %swap3A_45 = arith.constant 0 : index
    %swap3A_46 = vector.load %arg10[%swap3A_44, %swap3A_45] : memref<1x64xf32, #tpu.memory_space<vmem>>, vector<1x64xf32>
    tpu.vector_store %arg10[%swap3A_44, %swap3A_45], %add3A_43 {strides = array<i32>} : memref<1x64xf32, #tpu.memory_space<vmem>>, vector<1x64xf32>,
    %get3A_47 = arith.constant 0 : index
    %get3A_48 = arith.constant 0 : index
    %get3A_49 = vector.load %arg7[%get3A_47, %get3A_48] : memref<64x64xf32, #tpu.memory_space<vmem>>, vector<64x64xf32>
    %dot_general3A_50 = arith.constant dense<0.000000e+00> : vector<1x64xf32>
    %dot_general3A_51 = tpu.matmul %add3A_32, %get3A_49, %dot_general3A_50 {dimension_numbers = #tpu.dot_dimension_numbers<[1], [0], [0], [1], [0, 0, 1, 1], [], []>, transpose_lhs_hint = false} : vector<1x64xf32>, vector<64x64xf32>, vector<1x64xf32> -> vector<1x64xf32>
    %get3A_52 = arith.constant 0 : index
    %get3A_53 = arith.constant 0 : index
    %get3A_54 = vector.load %arg8[%get3A_52, %get3A_53] : memref<1x64xf32, #tpu.memory_space<vmem>>, vector<1x64xf32>
    %add3A_55 = arith.addf %dot_general3A_51, %get3A_54 : vector<1x64xf32>
    %swap3A_56 = arith.constant 0 : index
    %swap3A_57 = arith.constant 0 : index
    %swap3A_58 = vector.load %arg11[%swap3A_56, %swap3A_57] : memref<1x64xf32, #tpu.memory_space<vmem>>, vector<1x64xf32>
    tpu.vector_store %arg11[%swap3A_56, %swap3A_57], %add3A_55 {strides = array<i32>} : memref<1x64xf32, #tpu.memory_space<vmem>>, vector<1x64xf32>,
    return
  }
}

module attributes {stable_mosaic.version = 14 : i64} {
  func.func @body(%arg0: i32, %arg1: memref<2560x16xf32, #tpu.memory_space<vmem>>, %arg2: memref<2560x128xf32, #tpu.memory_space<vmem>>, %arg3: memref<80x64xf32, #tpu.memory_space<vmem>>, %arg4: memref<1x64xf32, #tpu.memory_space<vmem>>, %arg5: memref<16x64xf32, #tpu.memory_space<vmem>>, %arg6: memref<1x64xf32, #tpu.memory_space<vmem>>, %arg7: memref<64x64xf32, #tpu.memory_space<vmem>>, %arg8: memref<1x64xf32, #tpu.memory_space<vmem>>, %arg9: memref<64x64xf32, #tpu.memory_space<vmem>>, %arg10: memref<64x64xf32, #tpu.memory_space<vmem>>, %arg11: memref<1x64xf32, #tpu.memory_space<vmem>>, %arg12: memref<64x64xf32, #tpu.memory_space<vmem>>, %arg13: memref<64x64xf32, #tpu.memory_space<vmem>>, %arg14: memref<2560x128xf32, #tpu.memory_space<vmem>>, %arg15: memref<2560x64xf32, #tpu.memory_space<vmem>>, %arg16: memref<80x64xf32, #tpu.memory_space<vmem>>) attributes {dimension_semantics = [#tpu.dimension_semantics<arbitrary>], iteration_bounds = array<i64: 125>, scalar_prefetch = 0 : i64, scratch_operands = 0 : i64, tpu.core_type = #tpu.core_type<tc>, window_params = [{transform_indices = @transform_0, window_bounds = array<i64: 2560, 16>}, {transform_indices = @transform_1, window_bounds = array<i64: 2560, 128>}, {transform_indices = @transform_2, window_bounds = array<i64: 80, 64>}, {pipeline_mode = #tpu.pipeline_mode<synchronous>, transform_indices = @transform_3, window_bounds = array<i64: 1, 64>}, {pipeline_mode = #tpu.pipeline_mode<synchronous>, transform_indices = @transform_4, window_bounds = array<i64: 16, 64>}, {pipeline_mode = #tpu.pipeline_mode<synchronous>, transform_indices = @transform_5, window_bounds = array<i64: 1, 64>}, {pipeline_mode = #tpu.pipeline_mode<synchronous>, transform_indices = @transform_6, window_bounds = array<i64: 64, 64>}, {pipeline_mode = #tpu.pipeline_mode<synchronous>, transform_indices = @transform_7, window_bounds = array<i64: 1, 64>}, {pipeline_mode = #tpu.pipeline_mode<synchronous>, transform_indices = @transform_8, window_bounds = array<i64: 64, 64>}, {pipeline_mode = #tpu.pipeline_mode<synchronous>, transform_indices = @transform_9, window_bounds = array<i64: 64, 64>}, {pipeline_mode = #tpu.pipeline_mode<synchronous>, transform_indices = @transform_10, window_bounds = array<i64: 1, 64>}, {pipeline_mode = #tpu.pipeline_mode<synchronous>, transform_indices = @transform_11, window_bounds = array<i64: 64, 64>}, {pipeline_mode = #tpu.pipeline_mode<synchronous>, transform_indices = @transform_12, window_bounds = array<i64: 64, 64>}, {transform_indices = @transform_13, window_bounds = array<i64: 2560, 128>}, {transform_indices = @transform_14, window_bounds = array<i64: 2560, 64>}, {transform_indices = @transform_15, window_bounds = array<i64: 80, 64>}]} {
    %get3A = arith.constant 0 : index
    %get3A_0 = arith.constant 0 : index
    %get3A_1 = vector.load %arg1[%get3A, %get3A_0] : memref<2560x16xf32, #tpu.memory_space<vmem>>, vector<2560x16xf32>
    %get3A_2 = arith.constant 0 : index
    %get3A_3 = arith.constant 0 : index
    %get3A_4 = vector.load %arg5[%get3A_2, %get3A_3] : memref<16x64xf32, #tpu.memory_space<vmem>>, vector<16x64xf32>
    %dot_general3A = arith.constant dense<0.000000e+00> : vector<2560x64xf32>
    %dot_general3A_5 = tpu.matmul %get3A_1, %get3A_4, %dot_general3A {dimension_numbers = #tpu.dot_dimension_numbers<[1], [0], [0], [1], [0, 0, 1, 1], [], []>, transpose_lhs_hint = false} : vector<2560x16xf32>, vector<16x64xf32>, vector<2560x64xf32> -> vector<2560x64xf32>
    %get3A_6 = arith.constant 0 : index
    %get3A_7 = arith.constant 0 : index
    %get3A_8 = vector.load %arg6[%get3A_6, %get3A_7] : memref<1x64xf32, #tpu.memory_space<vmem>>, vector<1x64xf32>
    %add3A = vector.broadcast %get3A_8 : vector<1x64xf32> to vector<2560x64xf32>
    %add3A_9 = arith.addf %dot_general3A_5, %add3A : vector<2560x64xf32>
    %max3A = arith.constant 0.000000e+00 : f32
    %max3A_10 = vector.broadcast %max3A : f32 to vector<2560x64xf32>
    %max3A_11 = arith.maximumf %add3A_9, %max3A_10 : vector<2560x64xf32>
    %abs3A = math.absf %add3A_9 : vector<2560x64xf32>
    %neg3A = arith.constant 0.000000e+00 : f32
    %neg3A_12 = vector.broadcast %neg3A : f32 to vector<2560x64xf32>
    %neg3A_13 = arith.subf %neg3A_12, %abs3A : vector<2560x64xf32>
    %exp3A = math.exp %neg3A_13 : vector<2560x64xf32>
    %log1p3A = math.log1p %exp3A : vector<2560x64xf32>
    %add3A_14 = arith.addf %max3A_11, %log1p3A : vector<2560x64xf32>
    %get3A_15 = arith.constant 0 : index
    %get3A_16 = arith.constant 0 : index
    %get3A_17 = vector.load %arg7[%get3A_15, %get3A_16] : memref<64x64xf32, #tpu.memory_space<vmem>>, vector<64x64xf32>
    %dot_general3A_18 = arith.constant dense<0.000000e+00> : vector<2560x64xf32>
    %dot_general3A_19 = tpu.matmul %add3A_14, %get3A_17, %dot_general3A_18 {dimension_numbers = #tpu.dot_dimension_numbers<[1], [0], [0], [1], [0, 0, 1, 1], [], []>, transpose_lhs_hint = false} : vector<2560x64xf32>, vector<64x64xf32>, vector<2560x64xf32> -> vector<2560x64xf32>
    %get3A_20 = arith.constant 0 : index
    %get3A_21 = arith.constant 0 : index
    %get3A_22 = vector.load %arg8[%get3A_20, %get3A_21] : memref<1x64xf32, #tpu.memory_space<vmem>>, vector<1x64xf32>
    %add3A_23 = vector.broadcast %get3A_22 : vector<1x64xf32> to vector<2560x64xf32>
    %add3A_24 = arith.addf %dot_general3A_19, %add3A_23 : vector<2560x64xf32>
    %max3A_25 = arith.constant 0.000000e+00 : f32
    %max3A_26 = vector.broadcast %max3A_25 : f32 to vector<2560x64xf32>
    %max3A_27 = arith.maximumf %add3A_24, %max3A_26 : vector<2560x64xf32>
    %abs3A_28 = math.absf %add3A_24 : vector<2560x64xf32>
    %neg3A_29 = arith.constant 0.000000e+00 : f32
    %neg3A_30 = vector.broadcast %neg3A_29 : f32 to vector<2560x64xf32>
    %neg3A_31 = arith.subf %neg3A_30, %abs3A_28 : vector<2560x64xf32>
    %exp3A_32 = math.exp %neg3A_31 : vector<2560x64xf32>
    %log1p3A_33 = math.log1p %exp3A_32 : vector<2560x64xf32>
    %add3A_34 = arith.addf %max3A_27, %log1p3A_33 : vector<2560x64xf32>
    %iota3A = tpu.iota {dimensions = array<i32: 0>} : vector<2560x80xi32>
    %jit3A = arith.constant 32 : i32
    %div3A = vector.broadcast %jit3A : i32 to vector<2560x80xi32>
    %div3A_35 = arith.divsi %iota3A, %div3A : vector<2560x80xi32>
    %sign3A = arith.constant 0 : i32
    %sign3A_36 = vector.broadcast %sign3A : i32 to vector<2560x80xi32>
    %sign3A_37 = arith.cmpi sgt, %iota3A, %sign3A_36 : vector<2560x80xi32>
    %sign3A_38 = arith.extui %sign3A_37 : vector<2560x80xi1> to vector<2560x80xi32>
    %sign3A_39 = arith.constant 0 : i32
    %sign3A_40 = vector.broadcast %sign3A_39 : i32 to vector<2560x80xi32>
    %sign3A_41 = arith.cmpi slt, %iota3A, %sign3A_40 : vector<2560x80xi32>
    %sign3A_42 = arith.extui %sign3A_41 : vector<2560x80xi1> to vector<2560x80xi32>
    %sign3A_43 = arith.subi %sign3A_38, %sign3A_42 : vector<2560x80xi32>
    %sign3A_44 = arith.constant 0 : i32
    %sign3A_45 = arith.cmpi sgt, %jit3A, %sign3A_44 : i32
    %sign3A_46 = arith.extui %sign3A_45 : i1 to i32
    %sign3A_47 = arith.constant 0 : i32
    %sign3A_48 = arith.cmpi slt, %jit3A, %sign3A_47 : i32
    %sign3A_49 = arith.extui %sign3A_48 : i1 to i32
    %sign3A_50 = arith.subi %sign3A_46, %sign3A_49 : i32
    %ne3A = vector.broadcast %sign3A_50 : i32 to vector<2560x80xi32>
    %ne3A_51 = arith.cmpi ne, %sign3A_43, %ne3A : vector<2560x80xi32>
    %rem3A = vector.broadcast %jit3A : i32 to vector<2560x80xi32>
    %rem3A_52 = arith.remsi %iota3A, %rem3A : vector<2560x80xi32>
    %ne3A_53 = arith.constant 0 : i32
    %ne3A_54 = vector.broadcast %ne3A_53 : i32 to vector<2560x80xi32>
    %ne3A_55 = arith.cmpi ne, %rem3A_52, %ne3A_54 : vector<2560x80xi32>
    %and3A = arith.andi %ne3A_51, %ne3A_55 : vector<2560x80xi1>
    %sub3A = arith.constant 1 : i32
    %sub3A_56 = vector.broadcast %sub3A : i32 to vector<2560x80xi32>
    %sub3A_57 = arith.subi %div3A_35, %sub3A_56 : vector<2560x80xi32>
    %select_n3A = arith.select %and3A, %sub3A_57, %div3A_35 : vector<2560x80xi1>, vector<2560x80xi32>
    %iota3A_58 = tpu.iota {dimensions = array<i32: 1>} : vector<2560x80xi32>
    %eq3A = arith.cmpi eq, %select_n3A, %iota3A_58 : vector<2560x80xi32>
    %convert_element_type3A = arith.extui %eq3A : vector<2560x80xi1> to vector<2560x80xi32>
    %convert_element_type3A_59 = arith.sitofp %convert_element_type3A : vector<2560x80xi32> to vector<2560x80xf32>
    %get3A_60 = arith.constant 0 : index
    %get3A_61 = arith.constant 0 : index
    %get3A_62 = vector.load %arg9[%get3A_60, %get3A_61] : memref<64x64xf32, #tpu.memory_space<vmem>>, vector<64x64xf32>
    %dot_general3A_63 = arith.constant dense<0.000000e+00> : vector<2560x64xf32>
    %dot_general3A_64 = tpu.matmul %add3A_34, %get3A_62, %dot_general3A_63 {dimension_numbers = #tpu.dot_dimension_numbers<[1], [0], [0], [1], [0, 0, 1, 1], [], []>, transpose_lhs_hint = false} : vector<2560x64xf32>, vector<64x64xf32>, vector<2560x64xf32> -> vector<2560x64xf32>
    %get3A_65 = arith.constant 0 : index
    %get3A_66 = arith.constant 0 : index
    %get3A_67 = vector.load %arg2[%get3A_65, %get3A_66] : memref<2560x128xf32, #tpu.memory_space<vmem>>, vector<2560x64xf32>
    %add3A_68 = arith.addf %dot_general3A_64, %get3A_67 : vector<2560x64xf32>
    %get3A_69 = arith.constant 0 : index
    %get3A_70 = arith.constant 0 : index
    %get3A_71 = vector.load %arg3[%get3A_69, %get3A_70] : memref<80x64xf32, #tpu.memory_space<vmem>>, vector<80x64xf32>
    %dot_general3A_72 = arith.constant dense<0.000000e+00> : vector<2560x64xf32>
    %dot_general3A_73 = tpu.matmul %convert_element_type3A_59, %get3A_71, %dot_general3A_72 {dimension_numbers = #tpu.dot_dimension_numbers<[1], [0], [0], [1], [0, 0, 1, 1], [], []>, transpose_lhs_hint = false} : vector<2560x80xf32>, vector<80x64xf32>, vector<2560x64xf32> -> vector<2560x64xf32>
    %add3A_74 = arith.addf %add3A_68, %dot_general3A_73 : vector<2560x64xf32>
    %get3A_75 = arith.constant 0 : index
    %get3A_76 = arith.constant 0 : index
    %get3A_77 = vector.load %arg4[%get3A_75, %get3A_76] : memref<1x64xf32, #tpu.memory_space<vmem>>, vector<1x64xf32>
    %add3A_78 = vector.broadcast %get3A_77 : vector<1x64xf32> to vector<2560x64xf32>
    %add3A_79 = arith.addf %add3A_74, %add3A_78 : vector<2560x64xf32>
    %max3A_80 = arith.constant 0.000000e+00 : f32
    %max3A_81 = vector.broadcast %max3A_80 : f32 to vector<2560x64xf32>
    %max3A_82 = arith.maximumf %add3A_79, %max3A_81 : vector<2560x64xf32>
    %abs3A_83 = math.absf %add3A_79 : vector<2560x64xf32>
    %neg3A_84 = arith.constant 0.000000e+00 : f32
    %neg3A_85 = vector.broadcast %neg3A_84 : f32 to vector<2560x64xf32>
    %neg3A_86 = arith.subf %neg3A_85, %abs3A_83 : vector<2560x64xf32>
    %exp3A_87 = math.exp %neg3A_86 : vector<2560x64xf32>
    %log1p3A_88 = math.log1p %exp3A_87 : vector<2560x64xf32>
    %add3A_89 = arith.addf %max3A_82, %log1p3A_88 : vector<2560x64xf32>
    %get3A_90 = arith.constant 0 : index
    %get3A_91 = arith.constant 0 : index
    %get3A_92 = vector.load %arg10[%get3A_90, %get3A_91] : memref<64x64xf32, #tpu.memory_space<vmem>>, vector<64x64xf32>
    %dot_general3A_93 = arith.constant dense<0.000000e+00> : vector<2560x64xf32>
    %dot_general3A_94 = tpu.matmul %add3A_89, %get3A_92, %dot_general3A_93 {dimension_numbers = #tpu.dot_dimension_numbers<[1], [0], [0], [1], [0, 0, 1, 1], [], []>, transpose_lhs_hint = false} : vector<2560x64xf32>, vector<64x64xf32>, vector<2560x64xf32> -> vector<2560x64xf32>
    %get3A_95 = arith.constant 0 : index
    %get3A_96 = arith.constant 0 : index
    %get3A_97 = vector.load %arg11[%get3A_95, %get3A_96] : memref<1x64xf32, #tpu.memory_space<vmem>>, vector<1x64xf32>
    %add3A_98 = vector.broadcast %get3A_97 : vector<1x64xf32> to vector<2560x64xf32>
    %add3A_99 = arith.addf %dot_general3A_94, %add3A_98 : vector<2560x64xf32>
    %max3A_100 = arith.constant 0.000000e+00 : f32
    %max3A_101 = vector.broadcast %max3A_100 : f32 to vector<2560x64xf32>
    %max3A_102 = arith.maximumf %add3A_99, %max3A_101 : vector<2560x64xf32>
    %abs3A_103 = math.absf %add3A_99 : vector<2560x64xf32>
    %neg3A_104 = arith.constant 0.000000e+00 : f32
    %neg3A_105 = vector.broadcast %neg3A_104 : f32 to vector<2560x64xf32>
    %neg3A_106 = arith.subf %neg3A_105, %abs3A_103 : vector<2560x64xf32>
    %exp3A_107 = math.exp %neg3A_106 : vector<2560x64xf32>
    %log1p3A_108 = math.log1p %exp3A_107 : vector<2560x64xf32>
    %add3A_109 = arith.addf %max3A_102, %log1p3A_108 : vector<2560x64xf32>
    %broadcast_in_dim3A = arith.constant 0.000000e+00 : f32
    %broadcast_in_dim3A_110 = vector.broadcast %broadcast_in_dim3A : f32 to vector<2560x64xf32>
    %concatenate3A = tpu.concatenate %add3A_109, %broadcast_in_dim3A_110 in 1 : vector<2560x64xf32>, vector<2560x64xf32> -> vector<2560x128xf32>
    %swap3A = arith.constant 0 : index
    %swap3A_111 = arith.constant 0 : index
    %swap3A_112 = vector.load %arg14[%swap3A, %swap3A_111] : memref<2560x128xf32, #tpu.memory_space<vmem>>, vector<2560x128xf32>
    tpu.vector_store %arg14[%swap3A, %swap3A_111], %concatenate3A {strides = array<i32>} : memref<2560x128xf32, #tpu.memory_space<vmem>>, vector<2560x128xf32>,
    %get3A_113 = arith.constant 0 : index
    %get3A_114 = arith.constant 0 : index
    %get3A_115 = vector.load %arg12[%get3A_113, %get3A_114] : memref<64x64xf32, #tpu.memory_space<vmem>>, vector<64x64xf32>
    %dot_general3A_116 = arith.constant dense<0.000000e+00> : vector<2560x64xf32>
    %dot_general3A_117 = tpu.matmul %add3A_109, %get3A_115, %dot_general3A_116 {dimension_numbers = #tpu.dot_dimension_numbers<[1], [0], [0], [1], [0, 0, 1, 1], [], []>, transpose_lhs_hint = false} : vector<2560x64xf32>, vector<64x64xf32>, vector<2560x64xf32> -> vector<2560x64xf32>
    %get3A_118 = arith.constant 0 : index
    %get3A_119 = arith.constant 0 : index
    %get3A_120 = vector.load %arg13[%get3A_118, %get3A_119] : memref<64x64xf32, #tpu.memory_space<vmem>>, vector<64x64xf32>
    %dot_general3A_121 = arith.constant dense<0.000000e+00> : vector<2560x64xf32>
    %dot_general3A_122 = tpu.matmul %add3A_34, %get3A_120, %dot_general3A_121 {dimension_numbers = #tpu.dot_dimension_numbers<[1], [0], [0], [1], [0, 0, 1, 1], [], []>, transpose_lhs_hint = false} : vector<2560x64xf32>, vector<64x64xf32>, vector<2560x64xf32> -> vector<2560x64xf32>
    %add3A_123 = arith.addf %dot_general3A_117, %dot_general3A_122 : vector<2560x64xf32>
    %swap3A_124 = arith.constant 0 : index
    %swap3A_125 = arith.constant 0 : index
    %swap3A_126 = vector.load %arg15[%swap3A_124, %swap3A_125] : memref<2560x64xf32, #tpu.memory_space<vmem>>, vector<2560x64xf32>
    tpu.vector_store %arg15[%swap3A_124, %swap3A_125], %add3A_123 {strides = array<i32>} : memref<2560x64xf32, #tpu.memory_space<vmem>>, vector<2560x64xf32>,
    %dot_general3A_127 = arith.constant dense<0.000000e+00> : vector<80x64xf32>
    %dot_general3A_128 = tpu.matmul %convert_element_type3A_59, %add3A_109, %dot_general3A_127 {dimension_numbers = #tpu.dot_dimension_numbers<[0], [0], [1], [1], [0, 1, 1, 1], [], []>, transpose_lhs_hint = false} : vector<2560x80xf32>, vector<2560x64xf32>, vector<80x64xf32> -> vector<80x64xf32>
    %swap3A_129 = arith.constant 0 : index
    %swap3A_130 = arith.constant 0 : index
    %swap3A_131 = vector.load %arg16[%swap3A_129, %swap3A_130] : memref<80x64xf32, #tpu.memory_space<vmem>>, vector<80x64xf32>
    tpu.vector_store %arg16[%swap3A_129, %swap3A_130], %dot_general3A_128 {strides = array<i32>} : memref<80x64xf32, #tpu.memory_space<vmem>>, vector<80x64xf32>,
    return
  }
  func.func @transform_0(%arg0: i32) -> (i32, i32) {
    %c0_i32 = arith.constant 0 : i32
    %c0_i32_0 = arith.constant 0 : i32
    return %arg0, %c0_i32 : i32, i32
  }
  func.func @transform_1(%arg0: i32) -> (i32, i32) {
    %c0_i32 = arith.constant 0 : i32
    %c0_i32_0 = arith.constant 0 : i32
    return %arg0, %c0_i32 : i32, i32
  }
  func.func @transform_2(%arg0: i32) -> (i32, i32) {
    %c0_i32 = arith.constant 0 : i32
    %c0_i32_0 = arith.constant 0 : i32
    return %arg0, %c0_i32 : i32, i32
  }
  func.func @transform_3(%arg0: i32) -> (i32, i32) {
    %c0_i32 = arith.constant 0 : i32
    %c0_i32_0 = arith.constant 0 : i32
    %c0_i32_1 = arith.constant 0 : i32
    return %c0_i32, %c0_i32_0 : i32, i32
  }
  func.func @transform_4(%arg0: i32) -> (i32, i32) {
    %c0_i32 = arith.constant 0 : i32
    %c0_i32_0 = arith.constant 0 : i32
    %c0_i32_1 = arith.constant 0 : i32
    return %c0_i32, %c0_i32_0 : i32, i32
  }
  func.func @transform_5(%arg0: i32) -> (i32, i32) {
    %c0_i32 = arith.constant 0 : i32
    %c0_i32_0 = arith.constant 0 : i32
    %c0_i32_1 = arith.constant 0 : i32
    return %c0_i32, %c0_i32_0 : i32, i32
  }
  func.func @transform_6(%arg0: i32) -> (i32, i32) {
    %c0_i32 = arith.constant 0 : i32
    %c0_i32_0 = arith.constant 0 : i32
    %c0_i32_1 = arith.constant 0 : i32
    return %c0_i32, %c0_i32_0 : i32, i32
  }
  func.func @transform_7(%arg0: i32) -> (i32, i32) {
    %c0_i32 = arith.constant 0 : i32
    %c0_i32_0 = arith.constant 0 : i32
    %c0_i32_1 = arith.constant 0 : i32
    return %c0_i32, %c0_i32_0 : i32, i32
  }
  func.func @transform_8(%arg0: i32) -> (i32, i32) {
    %c0_i32 = arith.constant 0 : i32
    %c0_i32_0 = arith.constant 0 : i32
    %c0_i32_1 = arith.constant 0 : i32
    return %c0_i32, %c0_i32_0 : i32, i32
  }
  func.func @transform_9(%arg0: i32) -> (i32, i32) {
    %c0_i32 = arith.constant 0 : i32
    %c0_i32_0 = arith.constant 0 : i32
    %c0_i32_1 = arith.constant 0 : i32
    return %c0_i32, %c0_i32_0 : i32, i32
  }
  func.func @transform_10(%arg0: i32) -> (i32, i32) {
    %c0_i32 = arith.constant 0 : i32
    %c0_i32_0 = arith.constant 0 : i32
    %c0_i32_1 = arith.constant 0 : i32
    return %c0_i32, %c0_i32_0 : i32, i32
  }
  func.func @transform_11(%arg0: i32) -> (i32, i32) {
    %c0_i32 = arith.constant 0 : i32
    %c0_i32_0 = arith.constant 0 : i32
    %c0_i32_1 = arith.constant 0 : i32
    return %c0_i32, %c0_i32_0 : i32, i32
  }
  func.func @transform_12(%arg0: i32) -> (i32, i32) {
    %c0_i32 = arith.constant 0 : i32
    %c0_i32_0 = arith.constant 0 : i32
    %c0_i32_1 = arith.constant 0 : i32
    return %c0_i32, %c0_i32_0 : i32, i32
  }
  func.func @transform_13(%arg0: i32) -> (i32, i32) {
    %c0_i32 = arith.constant 0 : i32
    %c0_i32_0 = arith.constant 0 : i32
    return %arg0, %c0_i32 : i32, i32
  }
  func.func @transform_14(%arg0: i32) -> (i32, i32) {
    %c0_i32 = arith.constant 0 : i32
    %c0_i32_0 = arith.constant 0 : i32
    return %arg0, %c0_i32 : i32, i32
  }
  func.func @transform_15(%arg0: i32) -> (i32, i32) {
    %c0_i32 = arith.constant 0 : i32
    %c0_i32_0 = arith.constant 0 : i32
    return %arg0, %c0_i32 : i32, i32
  }
}

module attributes {stable_mosaic.version = 14 : i64} {
  func.func @body(%arg0: i32, %arg1: memref<2000x64xf32, #tpu.memory_space<vmem>>, %arg2: memref<2000x128xf32, #tpu.memory_space<vmem>>, %arg3: memref<2000x128xf32, #tpu.memory_space<vmem>>, %arg4: memref<2000x64xf32, #tpu.memory_space<vmem>>, %arg5: memref<1x64xf32, #tpu.memory_space<vmem>>, %arg6: memref<64x64xf32, #tpu.memory_space<vmem>>, %arg7: memref<64x64xf32, #tpu.memory_space<vmem>>, %arg8: memref<64x64xf32, #tpu.memory_space<vmem>>, %arg9: memref<64x64xf32, #tpu.memory_space<vmem>>, %arg10: memref<1x64xf32, #tpu.memory_space<vmem>>, %arg11: memref<64x64xf32, #tpu.memory_space<vmem>>, %arg12: memref<64x64xf32, #tpu.memory_space<vmem>>, %arg13: memref<64x64xf32, #tpu.memory_space<vmem>>, %arg14: memref<64x64xf32, #tpu.memory_space<vmem>>, %arg15: memref<2000x64xf32, #tpu.memory_space<vmem>>, %arg16: memref<2000x64xf32, #tpu.memory_space<vmem>>, %arg17: memref<2000x128xf32, #tpu.memory_space<vmem>>, %arg18: memref<1x64xf32, #tpu.memory_space<vmem>>, %arg19: memref<1x64xf32, #tpu.memory_space<vmem>>) attributes {dimension_semantics = [#tpu.dimension_semantics<arbitrary>], iteration_bounds = array<i64: 5>, scalar_prefetch = 0 : i64, scratch_operands = 0 : i64, tpu.core_type = #tpu.core_type<tc>, window_params = [{transform_indices = @transform_0, window_bounds = array<i64: 2000, 64>}, {transform_indices = @transform_1, window_bounds = array<i64: 2000, 128>}, {transform_indices = @transform_2, window_bounds = array<i64: 2000, 128>}, {transform_indices = @transform_3, window_bounds = array<i64: 2000, 64>}, {pipeline_mode = #tpu.pipeline_mode<synchronous>, transform_indices = @transform_4, window_bounds = array<i64: 1, 64>}, {pipeline_mode = #tpu.pipeline_mode<synchronous>, transform_indices = @transform_5, window_bounds = array<i64: 64, 64>}, {pipeline_mode = #tpu.pipeline_mode<synchronous>, transform_indices = @transform_6, window_bounds = array<i64: 64, 64>}, {pipeline_mode = #tpu.pipeline_mode<synchronous>, transform_indices = @transform_7, window_bounds = array<i64: 64, 64>}, {pipeline_mode = #tpu.pipeline_mode<synchronous>, transform_indices = @transform_8, window_bounds = array<i64: 64, 64>}, {pipeline_mode = #tpu.pipeline_mode<synchronous>, transform_indices = @transform_9, window_bounds = array<i64: 1, 64>}, {pipeline_mode = #tpu.pipeline_mode<synchronous>, transform_indices = @transform_10, window_bounds = array<i64: 64, 64>}, {pipeline_mode = #tpu.pipeline_mode<synchronous>, transform_indices = @transform_11, window_bounds = array<i64: 64, 64>}, {pipeline_mode = #tpu.pipeline_mode<synchronous>, transform_indices = @transform_12, window_bounds = array<i64: 64, 64>}, {pipeline_mode = #tpu.pipeline_mode<synchronous>, transform_indices = @transform_13, window_bounds = array<i64: 64, 64>}, {transform_indices = @transform_14, window_bounds = array<i64: 2000, 64>}, {transform_indices = @transform_15, window_bounds = array<i64: 2000, 64>}, {transform_indices = @transform_16, window_bounds = array<i64: 2000, 128>}, {pipeline_mode = #tpu.pipeline_mode<synchronous>, transform_indices = @transform_17, window_bounds = array<i64: 1, 64>}, {pipeline_mode = #tpu.pipeline_mode<synchronous>, transform_indices = @transform_18, window_bounds = array<i64: 1, 64>}]} {
    %get3A = arith.constant 0 : index
    %get3A_0 = arith.constant 0 : index
    %get3A_1 = vector.load %arg1[%get3A, %get3A_0] : memref<2000x64xf32, #tpu.memory_space<vmem>>, vector<2000x64xf32>
    %get3A_2 = arith.constant 0 : index
    %get3A_3 = arith.constant 0 : index
    %get3A_4 = vector.load %arg2[%get3A_2, %get3A_3] : memref<2000x128xf32, #tpu.memory_space<vmem>>, vector<2000x128xf32>
    %get3A_5 = arith.constant 0 : index
    %get3A_6 = arith.constant 0 : index
    %get3A_7 = vector.load %arg3[%get3A_5, %get3A_6] : memref<2000x128xf32, #tpu.memory_space<vmem>>, vector<2000x128xf32>
    %add3A = arith.addf %get3A_4, %get3A_7 : vector<2000x128xf32>
    %slice3A = vector.extract_strided_slice %add3A {offsets = [0, 0], sizes = [2000, 64], strides = [1, 1]} : vector<2000x128xf32> to vector<2000x64xf32>
    %get3A_8 = arith.constant 0 : index
    %get3A_9 = arith.constant 0 : index
    %get3A_10 = vector.load %arg4[%get3A_8, %get3A_9] : memref<2000x64xf32, #tpu.memory_space<vmem>>, vector<2000x64xf32>
    %get3A_11 = arith.constant 0 : index
    %get3A_12 = arith.constant 0 : index
    %get3A_13 = vector.load %arg6[%get3A_11, %get3A_12] : memref<64x64xf32, #tpu.memory_space<vmem>>, vector<64x64xf32>
    %dot_general3A = arith.constant dense<0.000000e+00> : vector<2000x64xf32>
    %dot_general3A_14 = tpu.matmul %get3A_1, %get3A_13, %dot_general3A {dimension_numbers = #tpu.dot_dimension_numbers<[1], [0], [0], [1], [0, 0, 1, 1], [], []>, transpose_lhs_hint = false} : vector<2000x64xf32>, vector<64x64xf32>, vector<2000x64xf32> -> vector<2000x64xf32>
    %get3A_15 = arith.constant 0 : index
    %get3A_16 = arith.constant 0 : index
    %get3A_17 = vector.load %arg7[%get3A_15, %get3A_16] : memref<64x64xf32, #tpu.memory_space<vmem>>, vector<64x64xf32>
    %dot_general3A_18 = arith.constant dense<0.000000e+00> : vector<2000x64xf32>
    %dot_general3A_19 = tpu.matmul %slice3A, %get3A_17, %dot_general3A_18 {dimension_numbers = #tpu.dot_dimension_numbers<[1], [0], [0], [1], [0, 0, 1, 1], [], []>, transpose_lhs_hint = false} : vector<2000x64xf32>, vector<64x64xf32>, vector<2000x64xf32> -> vector<2000x64xf32>
    %add3A_20 = arith.addf %dot_general3A_14, %dot_general3A_19 : vector<2000x64xf32>
    %get3A_21 = arith.constant 0 : index
    %get3A_22 = arith.constant 0 : index
    %get3A_23 = vector.load %arg8[%get3A_21, %get3A_22] : memref<64x64xf32, #tpu.memory_space<vmem>>, vector<64x64xf32>
    %dot_general3A_24 = arith.constant dense<0.000000e+00> : vector<2000x64xf32>
    %dot_general3A_25 = tpu.matmul %get3A_10, %get3A_23, %dot_general3A_24 {dimension_numbers = #tpu.dot_dimension_numbers<[1], [0], [0], [1], [0, 0, 1, 1], [], []>, transpose_lhs_hint = false} : vector<2000x64xf32>, vector<64x64xf32>, vector<2000x64xf32> -> vector<2000x64xf32>
    %add3A_26 = arith.addf %add3A_20, %dot_general3A_25 : vector<2000x64xf32>
    %get3A_27 = arith.constant 0 : index
    %get3A_28 = arith.constant 0 : index
    %get3A_29 = vector.load %arg5[%get3A_27, %get3A_28] : memref<1x64xf32, #tpu.memory_space<vmem>>, vector<1x64xf32>
    %add3A_30 = vector.broadcast %get3A_29 : vector<1x64xf32> to vector<2000x64xf32>
    %add3A_31 = arith.addf %add3A_26, %add3A_30 : vector<2000x64xf32>
    %max3A = arith.constant 0.000000e+00 : f32
    %max3A_32 = vector.broadcast %max3A : f32 to vector<2000x64xf32>
    %max3A_33 = arith.maximumf %add3A_31, %max3A_32 : vector<2000x64xf32>
    %abs3A = math.absf %add3A_31 : vector<2000x64xf32>
    %neg3A = arith.constant 0.000000e+00 : f32
    %neg3A_34 = vector.broadcast %neg3A : f32 to vector<2000x64xf32>
    %neg3A_35 = arith.subf %neg3A_34, %abs3A : vector<2000x64xf32>
    %exp3A = math.exp %neg3A_35 : vector<2000x64xf32>
    %log1p3A = math.log1p %exp3A : vector<2000x64xf32>
    %add3A_36 = arith.addf %max3A_33, %log1p3A : vector<2000x64xf32>
    %get3A_37 = arith.constant 0 : index
    %get3A_38 = arith.constant 0 : index
    %get3A_39 = vector.load %arg9[%get3A_37, %get3A_38] : memref<64x64xf32, #tpu.memory_space<vmem>>, vector<64x64xf32>
    %dot_general3A_40 = arith.constant dense<0.000000e+00> : vector<2000x64xf32>
    %dot_general3A_41 = tpu.matmul %add3A_36, %get3A_39, %dot_general3A_40 {dimension_numbers = #tpu.dot_dimension_numbers<[1], [0], [0], [1], [0, 0, 1, 1], [], []>, transpose_lhs_hint = false} : vector<2000x64xf32>, vector<64x64xf32>, vector<2000x64xf32> -> vector<2000x64xf32>
    %get3A_42 = arith.constant 0 : index
    %get3A_43 = arith.constant 0 : index
    %get3A_44 = vector.load %arg10[%get3A_42, %get3A_43] : memref<1x64xf32, #tpu.memory_space<vmem>>, vector<1x64xf32>
    %add3A_45 = vector.broadcast %get3A_44 : vector<1x64xf32> to vector<2000x64xf32>
    %add3A_46 = arith.addf %dot_general3A_41, %add3A_45 : vector<2000x64xf32>
    %max3A_47 = arith.constant 0.000000e+00 : f32
    %max3A_48 = vector.broadcast %max3A_47 : f32 to vector<2000x64xf32>
    %max3A_49 = arith.maximumf %add3A_46, %max3A_48 : vector<2000x64xf32>
    %abs3A_50 = math.absf %add3A_46 : vector<2000x64xf32>
    %neg3A_51 = arith.constant 0.000000e+00 : f32
    %neg3A_52 = vector.broadcast %neg3A_51 : f32 to vector<2000x64xf32>
    %neg3A_53 = arith.subf %neg3A_52, %abs3A_50 : vector<2000x64xf32>
    %exp3A_54 = math.exp %neg3A_53 : vector<2000x64xf32>
    %log1p3A_55 = math.log1p %exp3A_54 : vector<2000x64xf32>
    %add3A_56 = arith.addf %max3A_49, %log1p3A_55 : vector<2000x64xf32>
    %swap3A = arith.constant 0 : index
    %swap3A_57 = arith.constant 0 : index
    %swap3A_58 = vector.load %arg15[%swap3A, %swap3A_57] : memref<2000x64xf32, #tpu.memory_space<vmem>>, vector<2000x64xf32>
    tpu.vector_store %arg15[%swap3A, %swap3A_57], %add3A_56 {strides = array<i32>} : memref<2000x64xf32, #tpu.memory_space<vmem>>, vector<2000x64xf32>,
    %get3A_59 = arith.constant 0 : index
    %get3A_60 = arith.constant 0 : index
    %get3A_61 = vector.load %arg11[%get3A_59, %get3A_60] : memref<64x64xf32, #tpu.memory_space<vmem>>, vector<64x64xf32>
    %dot_general3A_62 = arith.constant dense<0.000000e+00> : vector<2000x64xf32>
    %dot_general3A_63 = tpu.matmul %add3A_56, %get3A_61, %dot_general3A_62 {dimension_numbers = #tpu.dot_dimension_numbers<[1], [0], [0], [1], [0, 0, 1, 1], [], []>, transpose_lhs_hint = false} : vector<2000x64xf32>, vector<64x64xf32>, vector<2000x64xf32> -> vector<2000x64xf32>
    %get3A_64 = arith.constant 0 : index
    %get3A_65 = arith.constant 0 : index
    %get3A_66 = vector.load %arg12[%get3A_64, %get3A_65] : memref<64x64xf32, #tpu.memory_space<vmem>>, vector<64x64xf32>
    %dot_general3A_67 = arith.constant dense<0.000000e+00> : vector<2000x64xf32>
    %dot_general3A_68 = tpu.matmul %get3A_1, %get3A_66, %dot_general3A_67 {dimension_numbers = #tpu.dot_dimension_numbers<[1], [0], [0], [1], [0, 0, 1, 1], [], []>, transpose_lhs_hint = false} : vector<2000x64xf32>, vector<64x64xf32>, vector<2000x64xf32> -> vector<2000x64xf32>
    %add3A_69 = arith.addf %dot_general3A_63, %dot_general3A_68 : vector<2000x64xf32>
    %swap3A_70 = arith.constant 0 : index
    %swap3A_71 = arith.constant 0 : index
    %swap3A_72 = vector.load %arg16[%swap3A_70, %swap3A_71] : memref<2000x64xf32, #tpu.memory_space<vmem>>, vector<2000x64xf32>
    tpu.vector_store %arg16[%swap3A_70, %swap3A_71], %add3A_69 {strides = array<i32>} : memref<2000x64xf32, #tpu.memory_space<vmem>>, vector<2000x64xf32>,
    %get3A_73 = arith.constant 0 : index
    %get3A_74 = arith.constant 0 : index
    %get3A_75 = vector.load %arg13[%get3A_73, %get3A_74] : memref<64x64xf32, #tpu.memory_space<vmem>>, vector<64x64xf32>
    %dot_general3A_76 = arith.constant dense<0.000000e+00> : vector<2000x64xf32>
    %dot_general3A_77 = tpu.matmul %add3A_56, %get3A_75, %dot_general3A_76 {dimension_numbers = #tpu.dot_dimension_numbers<[1], [0], [0], [1], [0, 0, 1, 1], [], []>, transpose_lhs_hint = false} : vector<2000x64xf32>, vector<64x64xf32>, vector<2000x64xf32> -> vector<2000x64xf32>
    %get3A_78 = arith.constant 0 : index
    %get3A_79 = arith.constant 0 : index
    %get3A_80 = vector.load %arg14[%get3A_78, %get3A_79] : memref<64x64xf32, #tpu.memory_space<vmem>>, vector<64x64xf32>
    %dot_general3A_81 = arith.constant dense<0.000000e+00> : vector<2000x64xf32>
    %dot_general3A_82 = tpu.matmul %get3A_1, %get3A_80, %dot_general3A_81 {dimension_numbers = #tpu.dot_dimension_numbers<[1], [0], [0], [1], [0, 0, 1, 1], [], []>, transpose_lhs_hint = false} : vector<2000x64xf32>, vector<64x64xf32>, vector<2000x64xf32> -> vector<2000x64xf32>
    %add3A_83 = arith.addf %dot_general3A_77, %dot_general3A_82 : vector<2000x64xf32>
    %broadcast_in_dim3A = arith.constant 0.000000e+00 : f32
    %broadcast_in_dim3A_84 = vector.broadcast %broadcast_in_dim3A : f32 to vector<2000x64xf32>
    %concatenate3A = tpu.concatenate %add3A_83, %broadcast_in_dim3A_84 in 1 : vector<2000x64xf32>, vector<2000x64xf32> -> vector<2000x128xf32>
    %swap3A_85 = arith.constant 0 : index
    %swap3A_86 = arith.constant 0 : index
    %swap3A_87 = vector.load %arg17[%swap3A_85, %swap3A_86] : memref<2000x128xf32, #tpu.memory_space<vmem>>, vector<2000x128xf32>
    tpu.vector_store %arg17[%swap3A_85, %swap3A_86], %concatenate3A {strides = array<i32>} : memref<2000x128xf32, #tpu.memory_space<vmem>>, vector<2000x128xf32>,
    %eq3A = arith.constant 0 : i32
    %eq3A_88 = arith.cmpi eq, %arg0, %eq3A : i32
    %convert_element_type3A = arith.extui %eq3A_88 : i1 to i32
    %cond3A = arith.constant 0 : i32
    %cond3A_89 = arith.cmpi ne, %convert_element_type3A, %cond3A : i32
    scf.if %cond3A_89 {
      %broadcast_in_dim3A_109 = arith.constant 0.000000e+00 : f32
      %broadcast_in_dim3A_110 = vector.broadcast %broadcast_in_dim3A_109 : f32 to vector<1x64xf32>
      %swap3A_111 = arith.constant 0 : index
      %swap3A_112 = arith.constant 0 : index
      %swap3A_113 = vector.load %arg18[%swap3A_111, %swap3A_112] : memref<1x64xf32, #tpu.memory_space<vmem>>, vector<1x64xf32>
      tpu.vector_store %arg18[%swap3A_111, %swap3A_112], %broadcast_in_dim3A_110 {strides = array<i32>} : memref<1x64xf32, #tpu.memory_space<vmem>>, vector<1x64xf32>,
      %broadcast_in_dim3A_114 = arith.constant 0.000000e+00 : f32
      %broadcast_in_dim3A_115 = vector.broadcast %broadcast_in_dim3A_114 : f32 to vector<1x64xf32>
      %swap3A_116 = arith.constant 0 : index
      %swap3A_117 = arith.constant 0 : index
      %swap3A_118 = vector.load %arg19[%swap3A_116, %swap3A_117] : memref<1x64xf32, #tpu.memory_space<vmem>>, vector<1x64xf32>
      tpu.vector_store %arg19[%swap3A_116, %swap3A_117], %broadcast_in_dim3A_115 {strides = array<i32>} : memref<1x64xf32, #tpu.memory_space<vmem>>, vector<1x64xf32>,
    } else {
    }
    %get3A_90 = arith.constant 0 : index
    %get3A_91 = arith.constant 0 : index
    %get3A_92 = vector.load %arg18[%get3A_90, %get3A_91] : memref<1x64xf32, #tpu.memory_space<vmem>>, vector<1x64xf32>
    %reduce_sum3A = arith.constant dense<0.000000e+00> : vector<64xf32>
    %reduce_sum3A_93 = vector.multi_reduction <add>, %add3A_56, %reduce_sum3A [0] : vector<2000x64xf32> to vector<64xf32>
    %broadcast_in_dim3A_94 = vector.shape_cast %reduce_sum3A_93 : vector<64xf32> to vector<1x64xf32>
    %add3A_95 = arith.addf %get3A_92, %broadcast_in_dim3A_94 : vector<1x64xf32>
    %swap3A_96 = arith.constant 0 : index
    %swap3A_97 = arith.constant 0 : index
    %swap3A_98 = vector.load %arg18[%swap3A_96, %swap3A_97] : memref<1x64xf32, #tpu.memory_space<vmem>>, vector<1x64xf32>
    tpu.vector_store %arg18[%swap3A_96, %swap3A_97], %add3A_95 {strides = array<i32>} : memref<1x64xf32, #tpu.memory_space<vmem>>, vector<1x64xf32>,
    %get3A_99 = arith.constant 0 : index
    %get3A_100 = arith.constant 0 : index
    %get3A_101 = vector.load %arg19[%get3A_99, %get3A_100] : memref<1x64xf32, #tpu.memory_space<vmem>>, vector<1x64xf32>
    %reduce_sum3A_102 = arith.constant dense<0.000000e+00> : vector<64xf32>
    %reduce_sum3A_103 = vector.multi_reduction <add>, %get3A_10, %reduce_sum3A_102 [0] : vector<2000x64xf32> to vector<64xf32>
    %broadcast_in_dim3A_104 = vector.shape_cast %reduce_sum3A_103 : vector<64xf32> to vector<1x64xf32>
    %add3A_105 = arith.addf %get3A_101, %broadcast_in_dim3A_104 : vector<1x64xf32>
    %swap3A_106 = arith.constant 0 : index
    %swap3A_107 = arith.constant 0 : index
    %swap3A_108 = vector.load %arg19[%swap3A_106, %swap3A_107] : memref<1x64xf32, #tpu.memory_space<vmem>>, vector<1x64xf32>
    tpu.vector_store %arg19[%swap3A_106, %swap3A_107], %add3A_105 {strides = array<i32>} : memref<1x64xf32, #tpu.memory_space<vmem>>, vector<1x64xf32>,
    return
  }
  func.func @transform_0(%arg0: i32) -> (i32, i32) {
    %c0_i32 = arith.constant 0 : i32
    %c0_i32_0 = arith.constant 0 : i32
    return %arg0, %c0_i32 : i32, i32
  }
  func.func @transform_1(%arg0: i32) -> (i32, i32) {
    %c0_i32 = arith.constant 0 : i32
    %c0_i32_0 = arith.constant 0 : i32
    return %arg0, %c0_i32 : i32, i32
  }
  func.func @transform_2(%arg0: i32) -> (i32, i32) {
    %c0_i32 = arith.constant 0 : i32
    %c0_i32_0 = arith.constant 0 : i32
    return %arg0, %c0_i32 : i32, i32
  }
  func.func @transform_3(%arg0: i32) -> (i32, i32) {
    %c0_i32 = arith.constant 0 : i32
    %c0_i32_0 = arith.constant 0 : i32
    return %arg0, %c0_i32 : i32, i32
  }
  func.func @transform_4(%arg0: i32) -> (i32, i32) {
    %c0_i32 = arith.constant 0 : i32
    %c0_i32_0 = arith.constant 0 : i32
    %c0_i32_1 = arith.constant 0 : i32
    return %c0_i32, %c0_i32_0 : i32, i32
  }
  func.func @transform_5(%arg0: i32) -> (i32, i32) {
    %c0_i32 = arith.constant 0 : i32
    %c0_i32_0 = arith.constant 0 : i32
    %c0_i32_1 = arith.constant 0 : i32
    return %c0_i32, %c0_i32_0 : i32, i32
  }
  func.func @transform_6(%arg0: i32) -> (i32, i32) {
    %c0_i32 = arith.constant 0 : i32
    %c0_i32_0 = arith.constant 0 : i32
    %c0_i32_1 = arith.constant 0 : i32
    return %c0_i32, %c0_i32_0 : i32, i32
  }
  func.func @transform_7(%arg0: i32) -> (i32, i32) {
    %c0_i32 = arith.constant 0 : i32
    %c0_i32_0 = arith.constant 0 : i32
    %c0_i32_1 = arith.constant 0 : i32
    return %c0_i32, %c0_i32_0 : i32, i32
  }
  func.func @transform_8(%arg0: i32) -> (i32, i32) {
    %c0_i32 = arith.constant 0 : i32
    %c0_i32_0 = arith.constant 0 : i32
    %c0_i32_1 = arith.constant 0 : i32
    return %c0_i32, %c0_i32_0 : i32, i32
  }
  func.func @transform_9(%arg0: i32) -> (i32, i32) {
    %c0_i32 = arith.constant 0 : i32
    %c0_i32_0 = arith.constant 0 : i32
    %c0_i32_1 = arith.constant 0 : i32
    return %c0_i32, %c0_i32_0 : i32, i32
  }
  func.func @transform_10(%arg0: i32) -> (i32, i32) {
    %c0_i32 = arith.constant 0 : i32
    %c0_i32_0 = arith.constant 0 : i32
    %c0_i32_1 = arith.constant 0 : i32
    return %c0_i32, %c0_i32_0 : i32, i32
  }
  func.func @transform_11(%arg0: i32) -> (i32, i32) {
    %c0_i32 = arith.constant 0 : i32
    %c0_i32_0 = arith.constant 0 : i32
    %c0_i32_1 = arith.constant 0 : i32
    return %c0_i32, %c0_i32_0 : i32, i32
  }
  func.func @transform_12(%arg0: i32) -> (i32, i32) {
    %c0_i32 = arith.constant 0 : i32
    %c0_i32_0 = arith.constant 0 : i32
    %c0_i32_1 = arith.constant 0 : i32
    return %c0_i32, %c0_i32_0 : i32, i32
  }
  func.func @transform_13(%arg0: i32) -> (i32, i32) {
    %c0_i32 = arith.constant 0 : i32
    %c0_i32_0 = arith.constant 0 : i32
    %c0_i32_1 = arith.constant 0 : i32
    return %c0_i32, %c0_i32_0 : i32, i32
  }
  func.func @transform_14(%arg0: i32) -> (i32, i32) {
    %c0_i32 = arith.constant 0 : i32
    %c0_i32_0 = arith.constant 0 : i32
    return %arg0, %c0_i32 : i32, i32
  }
  func.func @transform_15(%arg0: i32) -> (i32, i32) {
    %c0_i32 = arith.constant 0 : i32
    %c0_i32_0 = arith.constant 0 : i32
    return %arg0, %c0_i32 : i32, i32
  }
  func.func @transform_16(%arg0: i32) -> (i32, i32) {
    %c0_i32 = arith.constant 0 : i32
    %c0_i32_0 = arith.constant 0 : i32
    return %arg0, %c0_i32 : i32, i32
  }
  func.func @transform_17(%arg0: i32) -> (i32, i32) {
    %c0_i32 = arith.constant 0 : i32
    %c0_i32_0 = arith.constant 0 : i32
    %c0_i32_1 = arith.constant 0 : i32
    return %c0_i32, %c0_i32_0 : i32, i32
  }
  func.func @transform_18(%arg0: i32) -> (i32, i32) {
    %c0_i32 = arith.constant 0 : i32
    %c0_i32_0 = arith.constant 0 : i32
    %c0_i32_1 = arith.constant 0 : i32
    return %c0_i32, %c0_i32_0 : i32, i32
  }
}

module attributes {stable_mosaic.version = 14 : i64} {
  func.func @body(%arg0: memref<1x64xf32, #tpu.memory_space<vmem>>, %arg1: memref<1x64xf32, #tpu.memory_space<vmem>>, %arg2: memref<1x64xf32, #tpu.memory_space<vmem>>, %arg3: memref<64x64xf32, #tpu.memory_space<vmem>>, %arg4: memref<64x64xf32, #tpu.memory_space<vmem>>, %arg5: memref<64x64xf32, #tpu.memory_space<vmem>>, %arg6: memref<1x64xf32, #tpu.memory_space<vmem>>, %arg7: memref<64x64xf32, #tpu.memory_space<vmem>>, %arg8: memref<1x64xf32, #tpu.memory_space<vmem>>, %arg9: memref<64x64xf32, #tpu.memory_space<vmem>>, %arg10: memref<64x64xf32, #tpu.memory_space<vmem>>, %arg11: memref<1x64xf32, #tpu.memory_space<vmem>>, %arg12: memref<64x64xf32, #tpu.memory_space<vmem>>, %arg13: memref<64x64xf32, #tpu.memory_space<vmem>>, %arg14: memref<1x64xf32, #tpu.memory_space<vmem>>, %arg15: memref<1x64xf32, #tpu.memory_space<vmem>>, %arg16: memref<1x64xf32, #tpu.memory_space<vmem>>, %arg17: memref<1x64xf32, #tpu.memory_space<vmem>>) attributes {dimension_semantics = [], scalar_prefetch = 0 : i64, scratch_operands = 0 : i64, tpu.core_type = #tpu.core_type<tc>} {
    %get3A = arith.constant 0 : index
    %get3A_0 = arith.constant 0 : index
    %get3A_1 = vector.load %arg2[%get3A, %get3A_0] : memref<1x64xf32, #tpu.memory_space<vmem>>, vector<1x64xf32>
    %get3A_2 = arith.constant 0 : index
    %get3A_3 = arith.constant 0 : index
    %get3A_4 = vector.load %arg0[%get3A_2, %get3A_3] : memref<1x64xf32, #tpu.memory_space<vmem>>, vector<1x64xf32>
    %get3A_5 = arith.constant 0 : index
    %get3A_6 = arith.constant 0 : index
    %get3A_7 = vector.load %arg3[%get3A_5, %get3A_6] : memref<64x64xf32, #tpu.memory_space<vmem>>, vector<64x64xf32>
    %dot_general3A = arith.constant dense<0.000000e+00> : vector<1x64xf32>
    %dot_general3A_8 = tpu.matmul %get3A_4, %get3A_7, %dot_general3A {dimension_numbers = #tpu.dot_dimension_numbers<[1], [0], [0], [1], [0, 0, 1, 1], [], []>, transpose_lhs_hint = false} : vector<1x64xf32>, vector<64x64xf32>, vector<1x64xf32> -> vector<1x64xf32>
    %get3A_9 = arith.constant 0 : index
    %get3A_10 = arith.constant 0 : index
    %get3A_11 = vector.load %arg1[%get3A_9, %get3A_10] : memref<1x64xf32, #tpu.memory_space<vmem>>, vector<1x64xf32>
    %get3A_12 = arith.constant 0 : index
    %get3A_13 = arith.constant 0 : index
    %get3A_14 = vector.load %arg4[%get3A_12, %get3A_13] : memref<64x64xf32, #tpu.memory_space<vmem>>, vector<64x64xf32>
    %dot_general3A_15 = arith.constant dense<0.000000e+00> : vector<1x64xf32>
    %dot_general3A_16 = tpu.matmul %get3A_11, %get3A_14, %dot_general3A_15 {dimension_numbers = #tpu.dot_dimension_numbers<[1], [0], [0], [1], [0, 0, 1, 1], [], []>, transpose_lhs_hint = false} : vector<1x64xf32>, vector<64x64xf32>, vector<1x64xf32> -> vector<1x64xf32>
    %add3A = arith.addf %dot_general3A_8, %dot_general3A_16 : vector<1x64xf32>
    %get3A_17 = arith.constant 0 : index
    %get3A_18 = arith.constant 0 : index
    %get3A_19 = vector.load %arg5[%get3A_17, %get3A_18] : memref<64x64xf32, #tpu.memory_space<vmem>>, vector<64x64xf32>
    %dot_general3A_20 = arith.constant dense<0.000000e+00> : vector<1x64xf32>
    %dot_general3A_21 = tpu.matmul %get3A_1, %get3A_19, %dot_general3A_20 {dimension_numbers = #tpu.dot_dimension_numbers<[1], [0], [0], [1], [0, 0, 1, 1], [], []>, transpose_lhs_hint = false} : vector<1x64xf32>, vector<64x64xf32>, vector<1x64xf32> -> vector<1x64xf32>
    %add3A_22 = arith.addf %add3A, %dot_general3A_21 : vector<1x64xf32>
    %get3A_23 = arith.constant 0 : index
    %get3A_24 = arith.constant 0 : index
    %get3A_25 = vector.load %arg6[%get3A_23, %get3A_24] : memref<1x64xf32, #tpu.memory_space<vmem>>, vector<1x64xf32>
    %add3A_26 = arith.addf %add3A_22, %get3A_25 : vector<1x64xf32>
    %max3A = arith.constant 0.000000e+00 : f32
    %max3A_27 = vector.broadcast %max3A : f32 to vector<1x64xf32>
    %max3A_28 = arith.maximumf %add3A_26, %max3A_27 : vector<1x64xf32>
    %abs3A = math.absf %add3A_26 : vector<1x64xf32>
    %neg3A = arith.constant 0.000000e+00 : f32
    %neg3A_29 = vector.broadcast %neg3A : f32 to vector<1x64xf32>
    %neg3A_30 = arith.subf %neg3A_29, %abs3A : vector<1x64xf32>
    %exp3A = math.exp %neg3A_30 : vector<1x64xf32>
    %log1p3A = math.log1p %exp3A : vector<1x64xf32>
    %add3A_31 = arith.addf %max3A_28, %log1p3A : vector<1x64xf32>
    %get3A_32 = arith.constant 0 : index
    %get3A_33 = arith.constant 0 : index
    %get3A_34 = vector.load %arg7[%get3A_32, %get3A_33] : memref<64x64xf32, #tpu.memory_space<vmem>>, vector<64x64xf32>
    %dot_general3A_35 = arith.constant dense<0.000000e+00> : vector<1x64xf32>
    %dot_general3A_36 = tpu.matmul %add3A_31, %get3A_34, %dot_general3A_35 {dimension_numbers = #tpu.dot_dimension_numbers<[1], [0], [0], [1], [0, 0, 1, 1], [], []>, transpose_lhs_hint = false} : vector<1x64xf32>, vector<64x64xf32>, vector<1x64xf32> -> vector<1x64xf32>
    %get3A_37 = arith.constant 0 : index
    %get3A_38 = arith.constant 0 : index
    %get3A_39 = vector.load %arg8[%get3A_37, %get3A_38] : memref<1x64xf32, #tpu.memory_space<vmem>>, vector<1x64xf32>
    %add3A_40 = arith.addf %dot_general3A_36, %get3A_39 : vector<1x64xf32>
    %max3A_41 = arith.constant 0.000000e+00 : f32
    %max3A_42 = vector.broadcast %max3A_41 : f32 to vector<1x64xf32>
    %max3A_43 = arith.maximumf %add3A_40, %max3A_42 : vector<1x64xf32>
    %abs3A_44 = math.absf %add3A_40 : vector<1x64xf32>
    %neg3A_45 = arith.constant 0.000000e+00 : f32
    %neg3A_46 = vector.broadcast %neg3A_45 : f32 to vector<1x64xf32>
    %neg3A_47 = arith.subf %neg3A_46, %abs3A_44 : vector<1x64xf32>
    %exp3A_48 = math.exp %neg3A_47 : vector<1x64xf32>
    %log1p3A_49 = math.log1p %exp3A_48 : vector<1x64xf32>
    %add3A_50 = arith.addf %max3A_43, %log1p3A_49 : vector<1x64xf32>
    %swap3A = arith.constant 0 : index
    %swap3A_51 = arith.constant 0 : index
    %swap3A_52 = vector.load %arg15[%swap3A, %swap3A_51] : memref<1x64xf32, #tpu.memory_space<vmem>>, vector<1x64xf32>
    tpu.vector_store %arg15[%swap3A, %swap3A_51], %add3A_50 {strides = array<i32>} : memref<1x64xf32, #tpu.memory_space<vmem>>, vector<1x64xf32>,
    %get3A_53 = arith.constant 0 : index
    %get3A_54 = arith.constant 0 : index
    %get3A_55 = vector.load %arg9[%get3A_53, %get3A_54] : memref<64x64xf32, #tpu.memory_space<vmem>>, vector<64x64xf32>
    %dot_general3A_56 = arith.constant dense<0.000000e+00> : vector<1x64xf32>
    %dot_general3A_57 = tpu.matmul %add3A_50, %get3A_55, %dot_general3A_56 {dimension_numbers = #tpu.dot_dimension_numbers<[1], [0], [0], [1], [0, 0, 1, 1], [], []>, transpose_lhs_hint = false} : vector<1x64xf32>, vector<64x64xf32>, vector<1x64xf32> -> vector<1x64xf32>
    %get3A_58 = arith.constant 0 : index
    %get3A_59 = arith.constant 0 : index
    %get3A_60 = vector.load %arg10[%get3A_58, %get3A_59] : memref<64x64xf32, #tpu.memory_space<vmem>>, vector<64x64xf32>
    %dot_general3A_61 = arith.constant dense<0.000000e+00> : vector<1x64xf32>
    %dot_general3A_62 = tpu.matmul %get3A_1, %get3A_60, %dot_general3A_61 {dimension_numbers = #tpu.dot_dimension_numbers<[1], [0], [0], [1], [0, 0, 1, 1], [], []>, transpose_lhs_hint = false} : vector<1x64xf32>, vector<64x64xf32>, vector<1x64xf32> -> vector<1x64xf32>
    %add3A_63 = arith.addf %dot_general3A_57, %dot_general3A_62 : vector<1x64xf32>
    %get3A_64 = arith.constant 0 : index
    %get3A_65 = arith.constant 0 : index
    %get3A_66 = vector.load %arg11[%get3A_64, %get3A_65] : memref<1x64xf32, #tpu.memory_space<vmem>>, vector<1x64xf32>
    %add3A_67 = arith.addf %add3A_63, %get3A_66 : vector<1x64xf32>
    %swap3A_68 = arith.constant 0 : index
    %swap3A_69 = arith.constant 0 : index
    %swap3A_70 = vector.load %arg16[%swap3A_68, %swap3A_69] : memref<1x64xf32, #tpu.memory_space<vmem>>, vector<1x64xf32>
    tpu.vector_store %arg16[%swap3A_68, %swap3A_69], %add3A_67 {strides = array<i32>} : memref<1x64xf32, #tpu.memory_space<vmem>>, vector<1x64xf32>,
    %get3A_71 = arith.constant 0 : index
    %get3A_72 = arith.constant 0 : index
    %get3A_73 = vector.load %arg12[%get3A_71, %get3A_72] : memref<64x64xf32, #tpu.memory_space<vmem>>, vector<64x64xf32>
    %dot_general3A_74 = arith.constant dense<0.000000e+00> : vector<1x64xf32>
    %dot_general3A_75 = tpu.matmul %add3A_50, %get3A_73, %dot_general3A_74 {dimension_numbers = #tpu.dot_dimension_numbers<[1], [0], [0], [1], [0, 0, 1, 1], [], []>, transpose_lhs_hint = false} : vector<1x64xf32>, vector<64x64xf32>, vector<1x64xf32> -> vector<1x64xf32>
    %get3A_76 = arith.constant 0 : index
    %get3A_77 = arith.constant 0 : index
    %get3A_78 = vector.load %arg13[%get3A_76, %get3A_77] : memref<64x64xf32, #tpu.memory_space<vmem>>, vector<64x64xf32>
    %dot_general3A_79 = arith.constant dense<0.000000e+00> : vector<1x64xf32>
    %dot_general3A_80 = tpu.matmul %get3A_1, %get3A_78, %dot_general3A_79 {dimension_numbers = #tpu.dot_dimension_numbers<[1], [0], [0], [1], [0, 0, 1, 1], [], []>, transpose_lhs_hint = false} : vector<1x64xf32>, vector<64x64xf32>, vector<1x64xf32> -> vector<1x64xf32>
    %add3A_81 = arith.addf %dot_general3A_75, %dot_general3A_80 : vector<1x64xf32>
    %get3A_82 = arith.constant 0 : index
    %get3A_83 = arith.constant 0 : index
    %get3A_84 = vector.load %arg14[%get3A_82, %get3A_83] : memref<1x64xf32, #tpu.memory_space<vmem>>, vector<1x64xf32>
    %add3A_85 = arith.addf %add3A_81, %get3A_84 : vector<1x64xf32>
    %swap3A_86 = arith.constant 0 : index
    %swap3A_87 = arith.constant 0 : index
    %swap3A_88 = vector.load %arg17[%swap3A_86, %swap3A_87] : memref<1x64xf32, #tpu.memory_space<vmem>>, vector<1x64xf32>
    tpu.vector_store %arg17[%swap3A_86, %swap3A_87], %add3A_85 {strides = array<i32>} : memref<1x64xf32, #tpu.memory_space<vmem>>, vector<1x64xf32>,
    return
  }
}

module attributes {stable_mosaic.version = 14 : i64} {
  func.func @body(%arg0: i32, %arg1: memref<2560x64xf32, #tpu.memory_space<vmem>>, %arg2: memref<2560x128xf32, #tpu.memory_space<vmem>>, %arg3: memref<80x64xf32, #tpu.memory_space<vmem>>, %arg4: memref<1x64xf32, #tpu.memory_space<vmem>>, %arg5: memref<64x64xf32, #tpu.memory_space<vmem>>, %arg6: memref<1x64xf32, #tpu.memory_space<vmem>>, %arg7: memref<2560x128xf32, #tpu.memory_space<vmem>>, %arg8: memref<80x64xf32, #tpu.memory_space<vmem>>) attributes {dimension_semantics = [#tpu.dimension_semantics<arbitrary>], iteration_bounds = array<i64: 125>, scalar_prefetch = 0 : i64, scratch_operands = 0 : i64, tpu.core_type = #tpu.core_type<tc>, window_params = [{transform_indices = @transform_0, window_bounds = array<i64: 2560, 64>}, {transform_indices = @transform_1, window_bounds = array<i64: 2560, 128>}, {transform_indices = @transform_2, window_bounds = array<i64: 80, 64>}, {pipeline_mode = #tpu.pipeline_mode<synchronous>, transform_indices = @transform_3, window_bounds = array<i64: 1, 64>}, {pipeline_mode = #tpu.pipeline_mode<synchronous>, transform_indices = @transform_4, window_bounds = array<i64: 64, 64>}, {pipeline_mode = #tpu.pipeline_mode<synchronous>, transform_indices = @transform_5, window_bounds = array<i64: 1, 64>}, {transform_indices = @transform_6, window_bounds = array<i64: 2560, 128>}, {transform_indices = @transform_7, window_bounds = array<i64: 80, 64>}]} {
    %iota3A = tpu.iota {dimensions = array<i32: 0>} : vector<2560x80xi32>
    %jit3A = arith.constant 32 : i32
    %div3A = vector.broadcast %jit3A : i32 to vector<2560x80xi32>
    %div3A_0 = arith.divsi %iota3A, %div3A : vector<2560x80xi32>
    %sign3A = arith.constant 0 : i32
    %sign3A_1 = vector.broadcast %sign3A : i32 to vector<2560x80xi32>
    %sign3A_2 = arith.cmpi sgt, %iota3A, %sign3A_1 : vector<2560x80xi32>
    %sign3A_3 = arith.extui %sign3A_2 : vector<2560x80xi1> to vector<2560x80xi32>
    %sign3A_4 = arith.constant 0 : i32
    %sign3A_5 = vector.broadcast %sign3A_4 : i32 to vector<2560x80xi32>
    %sign3A_6 = arith.cmpi slt, %iota3A, %sign3A_5 : vector<2560x80xi32>
    %sign3A_7 = arith.extui %sign3A_6 : vector<2560x80xi1> to vector<2560x80xi32>
    %sign3A_8 = arith.subi %sign3A_3, %sign3A_7 : vector<2560x80xi32>
    %sign3A_9 = arith.constant 0 : i32
    %sign3A_10 = arith.cmpi sgt, %jit3A, %sign3A_9 : i32
    %sign3A_11 = arith.extui %sign3A_10 : i1 to i32
    %sign3A_12 = arith.constant 0 : i32
    %sign3A_13 = arith.cmpi slt, %jit3A, %sign3A_12 : i32
    %sign3A_14 = arith.extui %sign3A_13 : i1 to i32
    %sign3A_15 = arith.subi %sign3A_11, %sign3A_14 : i32
    %ne3A = vector.broadcast %sign3A_15 : i32 to vector<2560x80xi32>
    %ne3A_16 = arith.cmpi ne, %sign3A_8, %ne3A : vector<2560x80xi32>
    %rem3A = vector.broadcast %jit3A : i32 to vector<2560x80xi32>
    %rem3A_17 = arith.remsi %iota3A, %rem3A : vector<2560x80xi32>
    %ne3A_18 = arith.constant 0 : i32
    %ne3A_19 = vector.broadcast %ne3A_18 : i32 to vector<2560x80xi32>
    %ne3A_20 = arith.cmpi ne, %rem3A_17, %ne3A_19 : vector<2560x80xi32>
    %and3A = arith.andi %ne3A_16, %ne3A_20 : vector<2560x80xi1>
    %sub3A = arith.constant 1 : i32
    %sub3A_21 = vector.broadcast %sub3A : i32 to vector<2560x80xi32>
    %sub3A_22 = arith.subi %div3A_0, %sub3A_21 : vector<2560x80xi32>
    %select_n3A = arith.select %and3A, %sub3A_22, %div3A_0 : vector<2560x80xi1>, vector<2560x80xi32>
    %iota3A_23 = tpu.iota {dimensions = array<i32: 1>} : vector<2560x80xi32>
    %eq3A = arith.cmpi eq, %select_n3A, %iota3A_23 : vector<2560x80xi32>
    %convert_element_type3A = arith.extui %eq3A : vector<2560x80xi1> to vector<2560x80xi32>
    %convert_element_type3A_24 = arith.sitofp %convert_element_type3A : vector<2560x80xi32> to vector<2560x80xf32>
    %get3A = arith.constant 0 : index
    %get3A_25 = arith.constant 0 : index
    %get3A_26 = vector.load %arg1[%get3A, %get3A_25] : memref<2560x64xf32, #tpu.memory_space<vmem>>, vector<2560x64xf32>
    %get3A_27 = arith.constant 0 : index
    %get3A_28 = arith.constant 0 : index
    %get3A_29 = vector.load %arg2[%get3A_27, %get3A_28] : memref<2560x128xf32, #tpu.memory_space<vmem>>, vector<2560x64xf32>
    %add3A = arith.addf %get3A_26, %get3A_29 : vector<2560x64xf32>
    %get3A_30 = arith.constant 0 : index
    %get3A_31 = arith.constant 0 : index
    %get3A_32 = vector.load %arg3[%get3A_30, %get3A_31] : memref<80x64xf32, #tpu.memory_space<vmem>>, vector<80x64xf32>
    %dot_general3A = arith.constant dense<0.000000e+00> : vector<2560x64xf32>
    %dot_general3A_33 = tpu.matmul %convert_element_type3A_24, %get3A_32, %dot_general3A {dimension_numbers = #tpu.dot_dimension_numbers<[1], [0], [0], [1], [0, 0, 1, 1], [], []>, transpose_lhs_hint = false} : vector<2560x80xf32>, vector<80x64xf32>, vector<2560x64xf32> -> vector<2560x64xf32>
    %add3A_34 = arith.addf %add3A, %dot_general3A_33 : vector<2560x64xf32>
    %get3A_35 = arith.constant 0 : index
    %get3A_36 = arith.constant 0 : index
    %get3A_37 = vector.load %arg4[%get3A_35, %get3A_36] : memref<1x64xf32, #tpu.memory_space<vmem>>, vector<1x64xf32>
    %add3A_38 = vector.broadcast %get3A_37 : vector<1x64xf32> to vector<2560x64xf32>
    %add3A_39 = arith.addf %add3A_34, %add3A_38 : vector<2560x64xf32>
    %max3A = arith.constant 0.000000e+00 : f32
    %max3A_40 = vector.broadcast %max3A : f32 to vector<2560x64xf32>
    %max3A_41 = arith.maximumf %add3A_39, %max3A_40 : vector<2560x64xf32>
    %abs3A = math.absf %add3A_39 : vector<2560x64xf32>
    %neg3A = arith.constant 0.000000e+00 : f32
    %neg3A_42 = vector.broadcast %neg3A : f32 to vector<2560x64xf32>
    %neg3A_43 = arith.subf %neg3A_42, %abs3A : vector<2560x64xf32>
    %exp3A = math.exp %neg3A_43 : vector<2560x64xf32>
    %log1p3A = math.log1p %exp3A : vector<2560x64xf32>
    %add3A_44 = arith.addf %max3A_41, %log1p3A : vector<2560x64xf32>
    %get3A_45 = arith.constant 0 : index
    %get3A_46 = arith.constant 0 : index
    %get3A_47 = vector.load %arg5[%get3A_45, %get3A_46] : memref<64x64xf32, #tpu.memory_space<vmem>>, vector<64x64xf32>
    %dot_general3A_48 = arith.constant dense<0.000000e+00> : vector<2560x64xf32>
    %dot_general3A_49 = tpu.matmul %add3A_44, %get3A_47, %dot_general3A_48 {dimension_numbers = #tpu.dot_dimension_numbers<[1], [0], [0], [1], [0, 0, 1, 1], [], []>, transpose_lhs_hint = false} : vector<2560x64xf32>, vector<64x64xf32>, vector<2560x64xf32> -> vector<2560x64xf32>
    %get3A_50 = arith.constant 0 : index
    %get3A_51 = arith.constant 0 : index
    %get3A_52 = vector.load %arg6[%get3A_50, %get3A_51] : memref<1x64xf32, #tpu.memory_space<vmem>>, vector<1x64xf32>
    %add3A_53 = vector.broadcast %get3A_52 : vector<1x64xf32> to vector<2560x64xf32>
    %add3A_54 = arith.addf %dot_general3A_49, %add3A_53 : vector<2560x64xf32>
    %max3A_55 = arith.constant 0.000000e+00 : f32
    %max3A_56 = vector.broadcast %max3A_55 : f32 to vector<2560x64xf32>
    %max3A_57 = arith.maximumf %add3A_54, %max3A_56 : vector<2560x64xf32>
    %abs3A_58 = math.absf %add3A_54 : vector<2560x64xf32>
    %neg3A_59 = arith.constant 0.000000e+00 : f32
    %neg3A_60 = vector.broadcast %neg3A_59 : f32 to vector<2560x64xf32>
    %neg3A_61 = arith.subf %neg3A_60, %abs3A_58 : vector<2560x64xf32>
    %exp3A_62 = math.exp %neg3A_61 : vector<2560x64xf32>
    %log1p3A_63 = math.log1p %exp3A_62 : vector<2560x64xf32>
    %add3A_64 = arith.addf %max3A_57, %log1p3A_63 : vector<2560x64xf32>
    %broadcast_in_dim3A = arith.constant 0.000000e+00 : f32
    %broadcast_in_dim3A_65 = vector.broadcast %broadcast_in_dim3A : f32 to vector<2560x64xf32>
    %concatenate3A = tpu.concatenate %add3A_64, %broadcast_in_dim3A_65 in 1 : vector<2560x64xf32>, vector<2560x64xf32> -> vector<2560x128xf32>
    %swap3A = arith.constant 0 : index
    %swap3A_66 = arith.constant 0 : index
    %swap3A_67 = vector.load %arg7[%swap3A, %swap3A_66] : memref<2560x128xf32, #tpu.memory_space<vmem>>, vector<2560x128xf32>
    tpu.vector_store %arg7[%swap3A, %swap3A_66], %concatenate3A {strides = array<i32>} : memref<2560x128xf32, #tpu.memory_space<vmem>>, vector<2560x128xf32>,
    %dot_general3A_68 = arith.constant dense<0.000000e+00> : vector<80x64xf32>
    %dot_general3A_69 = tpu.matmul %convert_element_type3A_24, %add3A_64, %dot_general3A_68 {dimension_numbers = #tpu.dot_dimension_numbers<[0], [0], [1], [1], [0, 1, 1, 1], [], []>, transpose_lhs_hint = false} : vector<2560x80xf32>, vector<2560x64xf32>, vector<80x64xf32> -> vector<80x64xf32>
    %swap3A_70 = arith.constant 0 : index
    %swap3A_71 = arith.constant 0 : index
    %swap3A_72 = vector.load %arg8[%swap3A_70, %swap3A_71] : memref<80x64xf32, #tpu.memory_space<vmem>>, vector<80x64xf32>
    tpu.vector_store %arg8[%swap3A_70, %swap3A_71], %dot_general3A_69 {strides = array<i32>} : memref<80x64xf32, #tpu.memory_space<vmem>>, vector<80x64xf32>,
    return
  }
  func.func @transform_0(%arg0: i32) -> (i32, i32) {
    %c0_i32 = arith.constant 0 : i32
    %c0_i32_0 = arith.constant 0 : i32
    return %arg0, %c0_i32 : i32, i32
  }
  func.func @transform_1(%arg0: i32) -> (i32, i32) {
    %c0_i32 = arith.constant 0 : i32
    %c0_i32_0 = arith.constant 0 : i32
    return %arg0, %c0_i32 : i32, i32
  }
  func.func @transform_2(%arg0: i32) -> (i32, i32) {
    %c0_i32 = arith.constant 0 : i32
    %c0_i32_0 = arith.constant 0 : i32
    return %arg0, %c0_i32 : i32, i32
  }
  func.func @transform_3(%arg0: i32) -> (i32, i32) {
    %c0_i32 = arith.constant 0 : i32
    %c0_i32_0 = arith.constant 0 : i32
    %c0_i32_1 = arith.constant 0 : i32
    return %c0_i32, %c0_i32_0 : i32, i32
  }
  func.func @transform_4(%arg0: i32) -> (i32, i32) {
    %c0_i32 = arith.constant 0 : i32
    %c0_i32_0 = arith.constant 0 : i32
    %c0_i32_1 = arith.constant 0 : i32
    return %c0_i32, %c0_i32_0 : i32, i32
  }
  func.func @transform_5(%arg0: i32) -> (i32, i32) {
    %c0_i32 = arith.constant 0 : i32
    %c0_i32_0 = arith.constant 0 : i32
    %c0_i32_1 = arith.constant 0 : i32
    return %c0_i32, %c0_i32_0 : i32, i32
  }
  func.func @transform_6(%arg0: i32) -> (i32, i32) {
    %c0_i32 = arith.constant 0 : i32
    %c0_i32_0 = arith.constant 0 : i32
    return %arg0, %c0_i32 : i32, i32
  }
  func.func @transform_7(%arg0: i32) -> (i32, i32) {
    %c0_i32 = arith.constant 0 : i32
    %c0_i32_0 = arith.constant 0 : i32
    return %arg0, %c0_i32 : i32, i32
  }
}

module attributes {stable_mosaic.version = 14 : i64} {
  func.func @body(%arg0: i32, %arg1: memref<2000x64xf32, #tpu.memory_space<vmem>>, %arg2: memref<2000x64xf32, #tpu.memory_space<vmem>>, %arg3: memref<2000x128xf32, #tpu.memory_space<vmem>>, %arg4: memref<2000x128xf32, #tpu.memory_space<vmem>>, %arg5: memref<2000x64xf32, #tpu.memory_space<vmem>>, %arg6: memref<1x64xf32, #tpu.memory_space<vmem>>, %arg7: memref<64x64xf32, #tpu.memory_space<vmem>>, %arg8: memref<64x64xf32, #tpu.memory_space<vmem>>, %arg9: memref<64x64xf32, #tpu.memory_space<vmem>>, %arg10: memref<64x64xf32, #tpu.memory_space<vmem>>, %arg11: memref<64x64xf32, #tpu.memory_space<vmem>>, %arg12: memref<1x64xf32, #tpu.memory_space<vmem>>, %arg13: memref<1x64xf32, #tpu.memory_space<vmem>>, %arg14: memref<1x64xf32, #tpu.memory_space<vmem>>) attributes {dimension_semantics = [#tpu.dimension_semantics<arbitrary>], iteration_bounds = array<i64: 5>, scalar_prefetch = 0 : i64, scratch_operands = 0 : i64, tpu.core_type = #tpu.core_type<tc>, window_params = [{transform_indices = @transform_0, window_bounds = array<i64: 2000, 64>}, {transform_indices = @transform_1, window_bounds = array<i64: 2000, 64>}, {transform_indices = @transform_2, window_bounds = array<i64: 2000, 128>}, {transform_indices = @transform_3, window_bounds = array<i64: 2000, 128>}, {transform_indices = @transform_4, window_bounds = array<i64: 2000, 64>}, {pipeline_mode = #tpu.pipeline_mode<synchronous>, transform_indices = @transform_5, window_bounds = array<i64: 1, 64>}, {pipeline_mode = #tpu.pipeline_mode<synchronous>, transform_indices = @transform_6, window_bounds = array<i64: 64, 64>}, {pipeline_mode = #tpu.pipeline_mode<synchronous>, transform_indices = @transform_7, window_bounds = array<i64: 64, 64>}, {pipeline_mode = #tpu.pipeline_mode<synchronous>, transform_indices = @transform_8, window_bounds = array<i64: 64, 64>}, {pipeline_mode = #tpu.pipeline_mode<synchronous>, transform_indices = @transform_9, window_bounds = array<i64: 64, 64>}, {pipeline_mode = #tpu.pipeline_mode<synchronous>, transform_indices = @transform_10, window_bounds = array<i64: 64, 64>}, {pipeline_mode = #tpu.pipeline_mode<synchronous>, transform_indices = @transform_11, window_bounds = array<i64: 1, 64>}, {pipeline_mode = #tpu.pipeline_mode<synchronous>, transform_indices = @transform_12, window_bounds = array<i64: 1, 64>}, {pipeline_mode = #tpu.pipeline_mode<synchronous>, transform_indices = @transform_13, window_bounds = array<i64: 1, 64>}]} {
    %get3A = arith.constant 0 : index
    %get3A_0 = arith.constant 0 : index
    %get3A_1 = vector.load %arg3[%get3A, %get3A_0] : memref<2000x128xf32, #tpu.memory_space<vmem>>, vector<2000x128xf32>
    %get3A_2 = arith.constant 0 : index
    %get3A_3 = arith.constant 0 : index
    %get3A_4 = vector.load %arg4[%get3A_2, %get3A_3] : memref<2000x128xf32, #tpu.memory_space<vmem>>, vector<2000x128xf32>
    %add3A = arith.addf %get3A_1, %get3A_4 : vector<2000x128xf32>
    %slice3A = vector.extract_strided_slice %add3A {offsets = [0, 0], sizes = [2000, 64], strides = [1, 1]} : vector<2000x128xf32> to vector<2000x64xf32>
    %get3A_5 = arith.constant 0 : index
    %get3A_6 = arith.constant 0 : index
    %get3A_7 = vector.load %arg5[%get3A_5, %get3A_6] : memref<2000x64xf32, #tpu.memory_space<vmem>>, vector<2000x64xf32>
    %get3A_8 = arith.constant 0 : index
    %get3A_9 = arith.constant 0 : index
    %get3A_10 = vector.load %arg1[%get3A_8, %get3A_9] : memref<2000x64xf32, #tpu.memory_space<vmem>>, vector<2000x64xf32>
    %get3A_11 = arith.constant 0 : index
    %get3A_12 = arith.constant 0 : index
    %get3A_13 = vector.load %arg7[%get3A_11, %get3A_12] : memref<64x64xf32, #tpu.memory_space<vmem>>, vector<64x64xf32>
    %dot_general3A = arith.constant dense<0.000000e+00> : vector<2000x64xf32>
    %dot_general3A_14 = tpu.matmul %get3A_10, %get3A_13, %dot_general3A {dimension_numbers = #tpu.dot_dimension_numbers<[1], [0], [0], [1], [0, 0, 1, 1], [], []>, transpose_lhs_hint = false} : vector<2000x64xf32>, vector<64x64xf32>, vector<2000x64xf32> -> vector<2000x64xf32>
    %get3A_15 = arith.constant 0 : index
    %get3A_16 = arith.constant 0 : index
    %get3A_17 = vector.load %arg2[%get3A_15, %get3A_16] : memref<2000x64xf32, #tpu.memory_space<vmem>>, vector<2000x64xf32>
    %get3A_18 = arith.constant 0 : index
    %get3A_19 = arith.constant 0 : index
    %get3A_20 = vector.load %arg8[%get3A_18, %get3A_19] : memref<64x64xf32, #tpu.memory_space<vmem>>, vector<64x64xf32>
    %dot_general3A_21 = arith.constant dense<0.000000e+00> : vector<2000x64xf32>
    %dot_general3A_22 = tpu.matmul %get3A_17, %get3A_20, %dot_general3A_21 {dimension_numbers = #tpu.dot_dimension_numbers<[1], [0], [0], [1], [0, 0, 1, 1], [], []>, transpose_lhs_hint = false} : vector<2000x64xf32>, vector<64x64xf32>, vector<2000x64xf32> -> vector<2000x64xf32>
    %add3A_23 = arith.addf %dot_general3A_14, %dot_general3A_22 : vector<2000x64xf32>
    %get3A_24 = arith.constant 0 : index
    %get3A_25 = arith.constant 0 : index
    %get3A_26 = vector.load %arg9[%get3A_24, %get3A_25] : memref<64x64xf32, #tpu.memory_space<vmem>>, vector<64x64xf32>
    %dot_general3A_27 = arith.constant dense<0.000000e+00> : vector<2000x64xf32>
    %dot_general3A_28 = tpu.matmul %slice3A, %get3A_26, %dot_general3A_27 {dimension_numbers = #tpu.dot_dimension_numbers<[1], [0], [0], [1], [0, 0, 1, 1], [], []>, transpose_lhs_hint = false} : vector<2000x64xf32>, vector<64x64xf32>, vector<2000x64xf32> -> vector<2000x64xf32>
    %add3A_29 = arith.addf %add3A_23, %dot_general3A_28 : vector<2000x64xf32>
    %get3A_30 = arith.constant 0 : index
    %get3A_31 = arith.constant 0 : index
    %get3A_32 = vector.load %arg10[%get3A_30, %get3A_31] : memref<64x64xf32, #tpu.memory_space<vmem>>, vector<64x64xf32>
    %dot_general3A_33 = arith.constant dense<0.000000e+00> : vector<2000x64xf32>
    %dot_general3A_34 = tpu.matmul %get3A_7, %get3A_32, %dot_general3A_33 {dimension_numbers = #tpu.dot_dimension_numbers<[1], [0], [0], [1], [0, 0, 1, 1], [], []>, transpose_lhs_hint = false} : vector<2000x64xf32>, vector<64x64xf32>, vector<2000x64xf32> -> vector<2000x64xf32>
    %add3A_35 = arith.addf %add3A_29, %dot_general3A_34 : vector<2000x64xf32>
    %get3A_36 = arith.constant 0 : index
    %get3A_37 = arith.constant 0 : index
    %get3A_38 = vector.load %arg6[%get3A_36, %get3A_37] : memref<1x64xf32, #tpu.memory_space<vmem>>, vector<1x64xf32>
    %add3A_39 = vector.broadcast %get3A_38 : vector<1x64xf32> to vector<2000x64xf32>
    %add3A_40 = arith.addf %add3A_35, %add3A_39 : vector<2000x64xf32>
    %max3A = arith.constant 0.000000e+00 : f32
    %max3A_41 = vector.broadcast %max3A : f32 to vector<2000x64xf32>
    %max3A_42 = arith.maximumf %add3A_40, %max3A_41 : vector<2000x64xf32>
    %abs3A = math.absf %add3A_40 : vector<2000x64xf32>
    %neg3A = arith.constant 0.000000e+00 : f32
    %neg3A_43 = vector.broadcast %neg3A : f32 to vector<2000x64xf32>
    %neg3A_44 = arith.subf %neg3A_43, %abs3A : vector<2000x64xf32>
    %exp3A = math.exp %neg3A_44 : vector<2000x64xf32>
    %log1p3A = math.log1p %exp3A : vector<2000x64xf32>
    %add3A_45 = arith.addf %max3A_42, %log1p3A : vector<2000x64xf32>
    %get3A_46 = arith.constant 0 : index
    %get3A_47 = arith.constant 0 : index
    %get3A_48 = vector.load %arg11[%get3A_46, %get3A_47] : memref<64x64xf32, #tpu.memory_space<vmem>>, vector<64x64xf32>
    %dot_general3A_49 = arith.constant dense<0.000000e+00> : vector<2000x64xf32>
    %dot_general3A_50 = tpu.matmul %add3A_45, %get3A_48, %dot_general3A_49 {dimension_numbers = #tpu.dot_dimension_numbers<[1], [0], [0], [1], [0, 0, 1, 1], [], []>, transpose_lhs_hint = false} : vector<2000x64xf32>, vector<64x64xf32>, vector<2000x64xf32> -> vector<2000x64xf32>
    %get3A_51 = arith.constant 0 : index
    %get3A_52 = arith.constant 0 : index
    %get3A_53 = vector.load %arg12[%get3A_51, %get3A_52] : memref<1x64xf32, #tpu.memory_space<vmem>>, vector<1x64xf32>
    %add3A_54 = vector.broadcast %get3A_53 : vector<1x64xf32> to vector<2000x64xf32>
    %add3A_55 = arith.addf %dot_general3A_50, %add3A_54 : vector<2000x64xf32>
    %max3A_56 = arith.constant 0.000000e+00 : f32
    %max3A_57 = vector.broadcast %max3A_56 : f32 to vector<2000x64xf32>
    %max3A_58 = arith.maximumf %add3A_55, %max3A_57 : vector<2000x64xf32>
    %abs3A_59 = math.absf %add3A_55 : vector<2000x64xf32>
    %neg3A_60 = arith.constant 0.000000e+00 : f32
    %neg3A_61 = vector.broadcast %neg3A_60 : f32 to vector<2000x64xf32>
    %neg3A_62 = arith.subf %neg3A_61, %abs3A_59 : vector<2000x64xf32>
    %exp3A_63 = math.exp %neg3A_62 : vector<2000x64xf32>
    %log1p3A_64 = math.log1p %exp3A_63 : vector<2000x64xf32>
    %add3A_65 = arith.addf %max3A_58, %log1p3A_64 : vector<2000x64xf32>
    %eq3A = arith.constant 0 : i32
    %eq3A_66 = arith.cmpi eq, %arg0, %eq3A : i32
    %convert_element_type3A = arith.extui %eq3A_66 : i1 to i32
    %cond3A = arith.constant 0 : i32
    %cond3A_67 = arith.cmpi ne, %convert_element_type3A, %cond3A : i32
    scf.if %cond3A_67 {
      %broadcast_in_dim3A_85 = arith.constant 0.000000e+00 : f32
      %broadcast_in_dim3A_86 = vector.broadcast %broadcast_in_dim3A_85 : f32 to vector<1x64xf32>
      %swap3A_87 = arith.constant 0 : index
      %swap3A_88 = arith.constant 0 : index
      %swap3A_89 = vector.load %arg13[%swap3A_87, %swap3A_88] : memref<1x64xf32, #tpu.memory_space<vmem>>, vector<1x64xf32>
      tpu.vector_store %arg13[%swap3A_87, %swap3A_88], %broadcast_in_dim3A_86 {strides = array<i32>} : memref<1x64xf32, #tpu.memory_space<vmem>>, vector<1x64xf32>,
      %broadcast_in_dim3A_90 = arith.constant 0.000000e+00 : f32
      %broadcast_in_dim3A_91 = vector.broadcast %broadcast_in_dim3A_90 : f32 to vector<1x64xf32>
      %swap3A_92 = arith.constant 0 : index
      %swap3A_93 = arith.constant 0 : index
      %swap3A_94 = vector.load %arg14[%swap3A_92, %swap3A_93] : memref<1x64xf32, #tpu.memory_space<vmem>>, vector<1x64xf32>
      tpu.vector_store %arg14[%swap3A_92, %swap3A_93], %broadcast_in_dim3A_91 {strides = array<i32>} : memref<1x64xf32, #tpu.memory_space<vmem>>, vector<1x64xf32>,
    } else {
    }
    %get3A_68 = arith.constant 0 : index
    %get3A_69 = arith.constant 0 : index
    %get3A_70 = vector.load %arg13[%get3A_68, %get3A_69] : memref<1x64xf32, #tpu.memory_space<vmem>>, vector<1x64xf32>
    %reduce_sum3A = arith.constant dense<0.000000e+00> : vector<64xf32>
    %reduce_sum3A_71 = vector.multi_reduction <add>, %add3A_65, %reduce_sum3A [0] : vector<2000x64xf32> to vector<64xf32>
    %broadcast_in_dim3A = vector.shape_cast %reduce_sum3A_71 : vector<64xf32> to vector<1x64xf32>
    %add3A_72 = arith.addf %get3A_70, %broadcast_in_dim3A : vector<1x64xf32>
    %swap3A = arith.constant 0 : index
    %swap3A_73 = arith.constant 0 : index
    %swap3A_74 = vector.load %arg13[%swap3A, %swap3A_73] : memref<1x64xf32, #tpu.memory_space<vmem>>, vector<1x64xf32>
    tpu.vector_store %arg13[%swap3A, %swap3A_73], %add3A_72 {strides = array<i32>} : memref<1x64xf32, #tpu.memory_space<vmem>>, vector<1x64xf32>,
    %get3A_75 = arith.constant 0 : index
    %get3A_76 = arith.constant 0 : index
    %get3A_77 = vector.load %arg14[%get3A_75, %get3A_76] : memref<1x64xf32, #tpu.memory_space<vmem>>, vector<1x64xf32>
    %reduce_sum3A_78 = arith.constant dense<0.000000e+00> : vector<64xf32>
    %reduce_sum3A_79 = vector.multi_reduction <add>, %get3A_7, %reduce_sum3A_78 [0] : vector<2000x64xf32> to vector<64xf32>
    %broadcast_in_dim3A_80 = vector.shape_cast %reduce_sum3A_79 : vector<64xf32> to vector<1x64xf32>
    %add3A_81 = arith.addf %get3A_77, %broadcast_in_dim3A_80 : vector<1x64xf32>
    %swap3A_82 = arith.constant 0 : index
    %swap3A_83 = arith.constant 0 : index
    %swap3A_84 = vector.load %arg14[%swap3A_82, %swap3A_83] : memref<1x64xf32, #tpu.memory_space<vmem>>, vector<1x64xf32>
    tpu.vector_store %arg14[%swap3A_82, %swap3A_83], %add3A_81 {strides = array<i32>} : memref<1x64xf32, #tpu.memory_space<vmem>>, vector<1x64xf32>,
    return
  }
  func.func @transform_0(%arg0: i32) -> (i32, i32) {
    %c0_i32 = arith.constant 0 : i32
    %c0_i32_0 = arith.constant 0 : i32
    return %arg0, %c0_i32 : i32, i32
  }
  func.func @transform_1(%arg0: i32) -> (i32, i32) {
    %c0_i32 = arith.constant 0 : i32
    %c0_i32_0 = arith.constant 0 : i32
    return %arg0, %c0_i32 : i32, i32
  }
  func.func @transform_2(%arg0: i32) -> (i32, i32) {
    %c0_i32 = arith.constant 0 : i32
    %c0_i32_0 = arith.constant 0 : i32
    return %arg0, %c0_i32 : i32, i32
  }
  func.func @transform_3(%arg0: i32) -> (i32, i32) {
    %c0_i32 = arith.constant 0 : i32
    %c0_i32_0 = arith.constant 0 : i32
    return %arg0, %c0_i32 : i32, i32
  }
  func.func @transform_4(%arg0: i32) -> (i32, i32) {
    %c0_i32 = arith.constant 0 : i32
    %c0_i32_0 = arith.constant 0 : i32
    return %arg0, %c0_i32 : i32, i32
  }
  func.func @transform_5(%arg0: i32) -> (i32, i32) {
    %c0_i32 = arith.constant 0 : i32
    %c0_i32_0 = arith.constant 0 : i32
    %c0_i32_1 = arith.constant 0 : i32
    return %c0_i32, %c0_i32_0 : i32, i32
  }
  func.func @transform_6(%arg0: i32) -> (i32, i32) {
    %c0_i32 = arith.constant 0 : i32
    %c0_i32_0 = arith.constant 0 : i32
    %c0_i32_1 = arith.constant 0 : i32
    return %c0_i32, %c0_i32_0 : i32, i32
  }
  func.func @transform_7(%arg0: i32) -> (i32, i32) {
    %c0_i32 = arith.constant 0 : i32
    %c0_i32_0 = arith.constant 0 : i32
    %c0_i32_1 = arith.constant 0 : i32
    return %c0_i32, %c0_i32_0 : i32, i32
  }
  func.func @transform_8(%arg0: i32) -> (i32, i32) {
    %c0_i32 = arith.constant 0 : i32
    %c0_i32_0 = arith.constant 0 : i32
    %c0_i32_1 = arith.constant 0 : i32
    return %c0_i32, %c0_i32_0 : i32, i32
  }
  func.func @transform_9(%arg0: i32) -> (i32, i32) {
    %c0_i32 = arith.constant 0 : i32
    %c0_i32_0 = arith.constant 0 : i32
    %c0_i32_1 = arith.constant 0 : i32
    return %c0_i32, %c0_i32_0 : i32, i32
  }
  func.func @transform_10(%arg0: i32) -> (i32, i32) {
    %c0_i32 = arith.constant 0 : i32
    %c0_i32_0 = arith.constant 0 : i32
    %c0_i32_1 = arith.constant 0 : i32
    return %c0_i32, %c0_i32_0 : i32, i32
  }
  func.func @transform_11(%arg0: i32) -> (i32, i32) {
    %c0_i32 = arith.constant 0 : i32
    %c0_i32_0 = arith.constant 0 : i32
    %c0_i32_1 = arith.constant 0 : i32
    return %c0_i32, %c0_i32_0 : i32, i32
  }
  func.func @transform_12(%arg0: i32) -> (i32, i32) {
    %c0_i32 = arith.constant 0 : i32
    %c0_i32_0 = arith.constant 0 : i32
    %c0_i32_1 = arith.constant 0 : i32
    return %c0_i32, %c0_i32_0 : i32, i32
  }
  func.func @transform_13(%arg0: i32) -> (i32, i32) {
    %c0_i32 = arith.constant 0 : i32
    %c0_i32_0 = arith.constant 0 : i32
    %c0_i32_1 = arith.constant 0 : i32
    return %c0_i32, %c0_i32_0 : i32, i32
  }
}

module attributes {stable_mosaic.version = 14 : i64} {
  func.func @body(%arg0: memref<1x64xf32, #tpu.memory_space<vmem>>, %arg1: memref<1x64xf32, #tpu.memory_space<vmem>>, %arg2: memref<1x64xf32, #tpu.memory_space<vmem>>, %arg3: memref<1x64xf32, #tpu.memory_space<vmem>>, %arg4: memref<64x64xf32, #tpu.memory_space<vmem>>, %arg5: memref<64x64xf32, #tpu.memory_space<vmem>>, %arg6: memref<64x64xf32, #tpu.memory_space<vmem>>, %arg7: memref<64x64xf32, #tpu.memory_space<vmem>>, %arg8: memref<1x64xf32, #tpu.memory_space<vmem>>, %arg9: memref<64x64xf32, #tpu.memory_space<vmem>>, %arg10: memref<1x64xf32, #tpu.memory_space<vmem>>, %arg11: memref<64x64xf32, #tpu.memory_space<vmem>>, %arg12: memref<1x64xf32, #tpu.memory_space<vmem>>, %arg13: memref<64x64xf32, #tpu.memory_space<vmem>>, %arg14: memref<1x64xf32, #tpu.memory_space<vmem>>, %arg15: memref<64x1xf32, #tpu.memory_space<vmem>>, %arg16: memref<1x1xf32, #tpu.memory_space<vmem>>, %arg17: memref<1x1xf32, #tpu.memory_space<vmem>>) attributes {dimension_semantics = [], scalar_prefetch = 0 : i64, scratch_operands = 0 : i64, tpu.core_type = #tpu.core_type<tc>} {
    %get3A = arith.constant 0 : index
    %get3A_0 = arith.constant 0 : index
    %get3A_1 = vector.load %arg0[%get3A, %get3A_0] : memref<1x64xf32, #tpu.memory_space<vmem>>, vector<1x64xf32>
    %get3A_2 = arith.constant 0 : index
    %get3A_3 = arith.constant 0 : index
    %get3A_4 = vector.load %arg4[%get3A_2, %get3A_3] : memref<64x64xf32, #tpu.memory_space<vmem>>, vector<64x64xf32>
    %dot_general3A = arith.constant dense<0.000000e+00> : vector<1x64xf32>
    %dot_general3A_5 = tpu.matmul %get3A_1, %get3A_4, %dot_general3A {dimension_numbers = #tpu.dot_dimension_numbers<[1], [0], [0], [1], [0, 0, 1, 1], [], []>, transpose_lhs_hint = false} : vector<1x64xf32>, vector<64x64xf32>, vector<1x64xf32> -> vector<1x64xf32>
    %get3A_6 = arith.constant 0 : index
    %get3A_7 = arith.constant 0 : index
    %get3A_8 = vector.load %arg1[%get3A_6, %get3A_7] : memref<1x64xf32, #tpu.memory_space<vmem>>, vector<1x64xf32>
    %get3A_9 = arith.constant 0 : index
    %get3A_10 = arith.constant 0 : index
    %get3A_11 = vector.load %arg5[%get3A_9, %get3A_10] : memref<64x64xf32, #tpu.memory_space<vmem>>, vector<64x64xf32>
    %dot_general3A_12 = arith.constant dense<0.000000e+00> : vector<1x64xf32>
    %dot_general3A_13 = tpu.matmul %get3A_8, %get3A_11, %dot_general3A_12 {dimension_numbers = #tpu.dot_dimension_numbers<[1], [0], [0], [1], [0, 0, 1, 1], [], []>, transpose_lhs_hint = false} : vector<1x64xf32>, vector<64x64xf32>, vector<1x64xf32> -> vector<1x64xf32>
    %add3A = arith.addf %dot_general3A_5, %dot_general3A_13 : vector<1x64xf32>
    %get3A_14 = arith.constant 0 : index
    %get3A_15 = arith.constant 0 : index
    %get3A_16 = vector.load %arg2[%get3A_14, %get3A_15] : memref<1x64xf32, #tpu.memory_space<vmem>>, vector<1x64xf32>
    %get3A_17 = arith.constant 0 : index
    %get3A_18 = arith.constant 0 : index
    %get3A_19 = vector.load %arg6[%get3A_17, %get3A_18] : memref<64x64xf32, #tpu.memory_space<vmem>>, vector<64x64xf32>
    %dot_general3A_20 = arith.constant dense<0.000000e+00> : vector<1x64xf32>
    %dot_general3A_21 = tpu.matmul %get3A_16, %get3A_19, %dot_general3A_20 {dimension_numbers = #tpu.dot_dimension_numbers<[1], [0], [0], [1], [0, 0, 1, 1], [], []>, transpose_lhs_hint = false} : vector<1x64xf32>, vector<64x64xf32>, vector<1x64xf32> -> vector<1x64xf32>
    %add3A_22 = arith.addf %add3A, %dot_general3A_21 : vector<1x64xf32>
    %get3A_23 = arith.constant 0 : index
    %get3A_24 = arith.constant 0 : index
    %get3A_25 = vector.load %arg3[%get3A_23, %get3A_24] : memref<1x64xf32, #tpu.memory_space<vmem>>, vector<1x64xf32>
    %get3A_26 = arith.constant 0 : index
    %get3A_27 = arith.constant 0 : index
    %get3A_28 = vector.load %arg7[%get3A_26, %get3A_27] : memref<64x64xf32, #tpu.memory_space<vmem>>, vector<64x64xf32>
    %dot_general3A_29 = arith.constant dense<0.000000e+00> : vector<1x64xf32>
    %dot_general3A_30 = tpu.matmul %get3A_25, %get3A_28, %dot_general3A_29 {dimension_numbers = #tpu.dot_dimension_numbers<[1], [0], [0], [1], [0, 0, 1, 1], [], []>, transpose_lhs_hint = false} : vector<1x64xf32>, vector<64x64xf32>, vector<1x64xf32> -> vector<1x64xf32>
    %add3A_31 = arith.addf %add3A_22, %dot_general3A_30 : vector<1x64xf32>
    %get3A_32 = arith.constant 0 : index
    %get3A_33 = arith.constant 0 : index
    %get3A_34 = vector.load %arg8[%get3A_32, %get3A_33] : memref<1x64xf32, #tpu.memory_space<vmem>>, vector<1x64xf32>
    %add3A_35 = arith.addf %add3A_31, %get3A_34 : vector<1x64xf32>
    %max3A = arith.constant 0.000000e+00 : f32
    %max3A_36 = vector.broadcast %max3A : f32 to vector<1x64xf32>
    %max3A_37 = arith.maximumf %add3A_35, %max3A_36 : vector<1x64xf32>
    %abs3A = math.absf %add3A_35 : vector<1x64xf32>
    %neg3A = arith.constant 0.000000e+00 : f32
    %neg3A_38 = vector.broadcast %neg3A : f32 to vector<1x64xf32>
    %neg3A_39 = arith.subf %neg3A_38, %abs3A : vector<1x64xf32>
    %exp3A = math.exp %neg3A_39 : vector<1x64xf32>
    %log1p3A = math.log1p %exp3A : vector<1x64xf32>
    %add3A_40 = arith.addf %max3A_37, %log1p3A : vector<1x64xf32>
    %get3A_41 = arith.constant 0 : index
    %get3A_42 = arith.constant 0 : index
    %get3A_43 = vector.load %arg9[%get3A_41, %get3A_42] : memref<64x64xf32, #tpu.memory_space<vmem>>, vector<64x64xf32>
    %dot_general3A_44 = arith.constant dense<0.000000e+00> : vector<1x64xf32>
    %dot_general3A_45 = tpu.matmul %add3A_40, %get3A_43, %dot_general3A_44 {dimension_numbers = #tpu.dot_dimension_numbers<[1], [0], [0], [1], [0, 0, 1, 1], [], []>, transpose_lhs_hint = false} : vector<1x64xf32>, vector<64x64xf32>, vector<1x64xf32> -> vector<1x64xf32>
    %get3A_46 = arith.constant 0 : index
    %get3A_47 = arith.constant 0 : index
    %get3A_48 = vector.load %arg10[%get3A_46, %get3A_47] : memref<1x64xf32, #tpu.memory_space<vmem>>, vector<1x64xf32>
    %add3A_49 = arith.addf %dot_general3A_45, %get3A_48 : vector<1x64xf32>
    %max3A_50 = arith.constant 0.000000e+00 : f32
    %max3A_51 = vector.broadcast %max3A_50 : f32 to vector<1x64xf32>
    %max3A_52 = arith.maximumf %add3A_49, %max3A_51 : vector<1x64xf32>
    %abs3A_53 = math.absf %add3A_49 : vector<1x64xf32>
    %neg3A_54 = arith.constant 0.000000e+00 : f32
    %neg3A_55 = vector.broadcast %neg3A_54 : f32 to vector<1x64xf32>
    %neg3A_56 = arith.subf %neg3A_55, %abs3A_53 : vector<1x64xf32>
    %exp3A_57 = math.exp %neg3A_56 : vector<1x64xf32>
    %log1p3A_58 = math.log1p %exp3A_57 : vector<1x64xf32>
    %add3A_59 = arith.addf %max3A_52, %log1p3A_58 : vector<1x64xf32>
    %get3A_60 = arith.constant 0 : index
    %get3A_61 = arith.constant 0 : index
    %get3A_62 = vector.load %arg11[%get3A_60, %get3A_61] : memref<64x64xf32, #tpu.memory_space<vmem>>, vector<64x64xf32>
    %dot_general3A_63 = arith.constant dense<0.000000e+00> : vector<1x64xf32>
    %dot_general3A_64 = tpu.matmul %add3A_59, %get3A_62, %dot_general3A_63 {dimension_numbers = #tpu.dot_dimension_numbers<[1], [0], [0], [1], [0, 0, 1, 1], [], []>, transpose_lhs_hint = false} : vector<1x64xf32>, vector<64x64xf32>, vector<1x64xf32> -> vector<1x64xf32>
    %get3A_65 = arith.constant 0 : index
    %get3A_66 = arith.constant 0 : index
    %get3A_67 = vector.load %arg12[%get3A_65, %get3A_66] : memref<1x64xf32, #tpu.memory_space<vmem>>, vector<1x64xf32>
    %add3A_68 = arith.addf %dot_general3A_64, %get3A_67 : vector<1x64xf32>
    %max3A_69 = arith.constant 0.000000e+00 : f32
    %max3A_70 = vector.broadcast %max3A_69 : f32 to vector<1x64xf32>
    %max3A_71 = arith.maximumf %add3A_68, %max3A_70 : vector<1x64xf32>
    %abs3A_72 = math.absf %add3A_68 : vector<1x64xf32>
    %neg3A_73 = arith.constant 0.000000e+00 : f32
    %neg3A_74 = vector.broadcast %neg3A_73 : f32 to vector<1x64xf32>
    %neg3A_75 = arith.subf %neg3A_74, %abs3A_72 : vector<1x64xf32>
    %exp3A_76 = math.exp %neg3A_75 : vector<1x64xf32>
    %log1p3A_77 = math.log1p %exp3A_76 : vector<1x64xf32>
    %add3A_78 = arith.addf %max3A_71, %log1p3A_77 : vector<1x64xf32>
    %get3A_79 = arith.constant 0 : index
    %get3A_80 = arith.constant 0 : index
    %get3A_81 = vector.load %arg13[%get3A_79, %get3A_80] : memref<64x64xf32, #tpu.memory_space<vmem>>, vector<64x64xf32>
    %dot_general3A_82 = arith.constant dense<0.000000e+00> : vector<1x64xf32>
    %dot_general3A_83 = tpu.matmul %add3A_78, %get3A_81, %dot_general3A_82 {dimension_numbers = #tpu.dot_dimension_numbers<[1], [0], [0], [1], [0, 0, 1, 1], [], []>, transpose_lhs_hint = false} : vector<1x64xf32>, vector<64x64xf32>, vector<1x64xf32> -> vector<1x64xf32>
    %get3A_84 = arith.constant 0 : index
    %get3A_85 = arith.constant 0 : index
    %get3A_86 = vector.load %arg14[%get3A_84, %get3A_85] : memref<1x64xf32, #tpu.memory_space<vmem>>, vector<1x64xf32>
    %add3A_87 = arith.addf %dot_general3A_83, %get3A_86 : vector<1x64xf32>
    %max3A_88 = arith.constant 0.000000e+00 : f32
    %max3A_89 = vector.broadcast %max3A_88 : f32 to vector<1x64xf32>
    %max3A_90 = arith.maximumf %add3A_87, %max3A_89 : vector<1x64xf32>
    %abs3A_91 = math.absf %add3A_87 : vector<1x64xf32>
    %neg3A_92 = arith.constant 0.000000e+00 : f32
    %neg3A_93 = vector.broadcast %neg3A_92 : f32 to vector<1x64xf32>
    %neg3A_94 = arith.subf %neg3A_93, %abs3A_91 : vector<1x64xf32>
    %exp3A_95 = math.exp %neg3A_94 : vector<1x64xf32>
    %log1p3A_96 = math.log1p %exp3A_95 : vector<1x64xf32>
    %add3A_97 = arith.addf %max3A_90, %log1p3A_96 : vector<1x64xf32>
    %get3A_98 = arith.constant 0 : index
    %get3A_99 = arith.constant 0 : index
    %get3A_100 = vector.load %arg15[%get3A_98, %get3A_99] : memref<64x1xf32, #tpu.memory_space<vmem>>, vector<64x1xf32>
    %dot_general3A_101 = arith.constant dense<0.000000e+00> : vector<1x1xf32>
    %dot_general3A_102 = tpu.matmul %add3A_97, %get3A_100, %dot_general3A_101 {dimension_numbers = #tpu.dot_dimension_numbers<[1], [0], [0], [1], [0, 0, 1, 1], [], []>, transpose_lhs_hint = false} : vector<1x64xf32>, vector<64x1xf32>, vector<1x1xf32> -> vector<1x1xf32>
    %get3A_103 = arith.constant 0 : index
    %get3A_104 = arith.constant 0 : index
    %get3A_105 = vector.load %arg16[%get3A_103, %get3A_104] : memref<1x1xf32, #tpu.memory_space<vmem>>, vector<1x1xf32>
    %add3A_106 = arith.addf %dot_general3A_102, %get3A_105 : vector<1x1xf32>
    %swap3A = arith.constant 0 : index
    %swap3A_107 = arith.constant 0 : index
    %swap3A_108 = vector.load %arg17[%swap3A, %swap3A_107] : memref<1x1xf32, #tpu.memory_space<vmem>>, vector<1x1xf32>
    tpu.vector_store %arg17[%swap3A, %swap3A_107], %add3A_106 {strides = array<i32>} : memref<1x1xf32, #tpu.memory_space<vmem>>, vector<1x1xf32>,
    return
  }
}

</mosaic_0001>

<sc_bundles>
// kernel: kernel.14.cloned.1.call-start
scs
__scs_entry_jumppad:
0x0: {  	(pc) =	sbr.rel $0x88, $3  }
0x1: {  	(tag) =	ssettag $0x0;
	lr =	simm.s32 $0x1  }
0x2: {  	[smem:$0x3F73] =	sst lr;
	_ =	strace $0xD0000000  }
0x3: {  	_ = 	snop  }
0x4: {  	_ = 	snop  }
0x5: {  	_ = 	snop  }
0x6: {  	_ = 	snop  }
0x7: {  	_ = 	snop  }
__scs_overlays_trampoline_lowered:
0x8: {  	[smem:$0x3F82] =	sst s0  }
0x9: {  	[smem:$0x3F83] =	sst s1  }
0xa: {  	[smem:$0x3F84] =	sst s2  }
0xb: {  	[smem:$0x3F85] =	sst s3  }
0xc: {  	[smem:$0x3F86] =	sst s4  }
0xd: {  	[smem:$0x3F87] =	sst s5  }
0xe: {  	[smem:$0x3F88] =	sst s6  }
0xf: {  	[smem:$0x3F89] =	sst s7  }
0x10: {  	[smem:$0x3F8A] =	sst s8  }
0x11: {  	[smem:$0x3F8B] =	sst s9;
	s0 =	simm.s32 @!p0 $0x0  }
0x12: {  	s1 =	sld [smem:$0x3F71];
	s0 =	simm.s32 @p0 $0x1  }
0x13: {  	[smem:$0x3F8C] =	sst s0;
	s0 =	simm.s32 @!p1 $0x0  }
0x14: {  	s2 =	sld [smem:$0x3F70];
	s0 =	simm.s32 @p1 $0x1  }
0x15: {  	[smem:$0x3F8D] =	sst s0;
	s0 =	simm.s32 @!p2 $0x0  }
0x16: {  	s3 =	sld [smem:$0x3FDB];
	s0 =	simm.s32 @p2 $0x1  }
0x17: {  	s4 =	simm.s32 $0x1BF5;
	[smem:$0x3F8F] =	sst s0  }
0x18: {  	s0 =	sld [smem:$0x3F72];
	_ =	swait.ge [sflag:s4], $0x0  }
0x19: {  	s7 =	sld [smem:$0x3F73]  }
0x1a: {  	s8 =	sadd.s32 $0xFFFFE003, lr  }
0x1b: {  	s9 =	sadd.s32 $0xFFFFFEF7, lr;
	s5 =	simm.s32 $0xFFFFFFFF;
	p2 =	slt.u32 s8, $0xFFFFF086  }
0x1c: {  	p1 =	slt.u32 s9, $0xF7A;
	s5 =	simm.s32 @!p2 $0x0  }
0x1d: {  	s5 =	simm.s32 @p1 $0x1;
	p0 =	seq.s32 s7, s2  }
0x1e: {  	s7 =	smul.u32 @!p0 $0xF7A, s2;
	p2 =	seq.s32 @!p0 s5, $0x0  }
0x1f: {  	s9 =	smul.u32 $0xF7A, s1;
	s8 =	simm.s32 @!p0 $0x1BF5;
	p2 =	por !p2, p0  }
0x20: {  	[sflag:s8] =	ssyncset.s32 @!p0 $0xFFFFF086;
	s6 =	sadd.s32 @!p0 s3, s7;
	s7 =	simm.s32 @!p0 $0x108  }
0x21: {  	s3 =	sadd.s32 s3, s9;
	s6 =	sadd.s32 @!p0 $0x88, s6;
	s7 =	simm.s32 @p2 $0x1082  }
0x22: {  	[simem:s7], [sflag:s8] =	dma.local @!p0 [hbm:s6], $0xF7A  }
0x23: {  	s9 =	sor.u32 $0xD0000000, s2;
	s6 =	simm.s32 $0x108;
	_ =	swait.ge @!p0 [sflag:s8], $0x0  }
0x24: {  	s3 =	sadd.s32 $0x88, s3;
	s6 =	simm.s32 @!p1 $0x1082;
	[sflag:s4] =	ssyncset.s32 $0xFFFFF086  }
0x25: {  	[simem:s6], [sflag:s4] =	dma.local [hbm:s3], $0xF7A  }
0x26: {  	[smem:$0x3F73] =	sst s1;
	(tag) =	ssettag s2;
	_ =	strace s9  }
0x27: {  	s1 =	sld [smem:$0x3F83]  }
0x28: {  	s2 =	sld [smem:$0x3F84]  }
0x29: {  	s4 =	sld [smem:$0x3F86]  }
0x2a: {  	p0 =	seq.s32 s5, $0x0;
	s5 =	sld [smem:$0x3F87]  }
0x2b: {  	s6 =	sld [smem:$0x3F88]  }
0x2c: {  	s7 =	sld [smem:$0x3F89]  }
0x2d: {  	s3 =	simm.s32 $0x108;
	s8 =	sld [smem:$0x3F8A]  }
0x2e: {  	s3 =	simm.s32 @!p0 $0x1082;
	s9 =	sld [smem:$0x3F8B]  }
0x2f: {  	lr =	sadd.s32 s0, s3;
	s0 =	sld [smem:$0x3F82]  }
0x30: {  	s3 =	sld [smem:$0x3F85]  }
0x31: {  	[smem:$0x3F8E] =	sst s10  }
0x32: {  	s10 =	sld [smem:$0x3F8C];
	_ =	sdelay $0x3  }
0x33: {  	p0 =	seq.s32 s10, $0x1;
	s10 =	sld [smem:$0x3F8E];
	_ =	sdelay $0x3  }
0x34: {  	[smem:$0x3F8E] =	sst s10  }
0x35: {  	s10 =	sld [smem:$0x3F8D];
	_ =	sdelay $0x3  }
0x36: {  	p1 =	seq.s32 s10, $0x1;
	s10 =	sld [smem:$0x3F8E];
	_ =	sdelay $0x3  }
0x37: {  	[smem:$0x3F8E] =	sst s10  }
0x38: {  	s10 =	sld [smem:$0x3F8F]  }
0x39: {  	_ = 	snop;
	(pc) =	sbr.ind lr, $3  }
0x3a: {  	_ = 	snop  }
0x3b: {  	_ = 	snop  }
0x3c: {  	p2 =	seq.s32 s10, $0x1;
	s10 =	sld [smem:$0x3F8E]  }
0x3d: {  	_ =	shalt  }
0x3e: {  	_ =	shalt  }
0x3f: {  	_ =	shalt  }
0x40: {  	_ =	shalt  }
0x41: {  	_ =	shalt  }
0x42: {  	_ =	shalt  }
0x43: {  	_ =	shalt  }
0x44: {  	_ =	shalt  }
0x45: {  	_ =	shalt  }
0x46: {  	_ =	shalt  }
0x47: {  	_ =	shalt  }
0x48: {  	_ =	shalt  }
0x49: {  	_ =	shalt  }
0x4a: {  	_ =	shalt  }
0x4b: {  	_ =	shalt  }
0x4c: {  	_ =	shalt  }
0x4d: {  	_ =	shalt  }
0x4e: {  	_ =	shalt  }
0x4f: {  	_ =	shalt  }
0x50: {  	_ =	shalt  }
0x51: {  	_ =	shalt  }
0x52: {  	_ =	shalt  }
0x53: {  	_ =	shalt  }
0x54: {  	_ =	shalt  }
0x55: {  	_ =	shalt  }
0x56: {  	_ =	shalt  }
0x57: {  	_ =	shalt  }
0x58: {  	_ =	shalt  }
0x59: {  	_ =	shalt  }
0x5a: {  	_ =	shalt  }
0x5b: {  	_ =	shalt  }
0x5c: {  	_ =	shalt  }
0x5d: {  	_ =	shalt  }
0x5e: {  	_ =	shalt  }
0x5f: {  	_ =	shalt  }
0x60: {  	_ =	shalt  }
0x61: {  	_ =	shalt  }
0x62: {  	_ =	shalt  }
0x63: {  	_ =	shalt  }
0x64: {  	_ =	shalt  }
0x65: {  	_ =	shalt  }
0x66: {  	_ =	shalt  }
0x67: {  	_ =	shalt  }
0x68: {  	_ =	shalt  }
0x69: {  	_ =	shalt  }
0x6a: {  	_ =	shalt  }
0x6b: {  	_ =	shalt  }
0x6c: {  	_ =	shalt  }
0x6d: {  	_ =	shalt  }
0x6e: {  	_ =	shalt  }
0x6f: {  	_ =	shalt  }
0x70: {  	_ =	shalt  }
0x71: {  	_ =	shalt  }
0x72: {  	_ =	shalt  }
0x73: {  	_ =	shalt  }
0x74: {  	_ =	shalt  }
0x75: {  	_ =	shalt  }
0x76: {  	_ =	shalt  }
0x77: {  	_ =	shalt  }
0x78: {  	_ =	shalt  }
0x79: {  	_ =	shalt  }
0x7a: {  	_ =	shalt  }
0x7b: {  	_ =	shalt  }
0x7c: {  	_ =	shalt  }
0x7d: {  	_ =	shalt  }
0x7e: {  	_ =	shalt  }
0x7f: {  	_ =	shalt  }
0x80: {  	_ =	shalt  }
0x81: {  	_ =	shalt  }
0x82: {  	_ =	shalt  }
0x83: {  	_ =	shalt  }
0x84: {  	_ =	shalt  }
0x85: {  	_ =	shalt  }
0x86: {  	_ =	shalt  }
0x87: {  	_ =	shalt  }
.Lfunc_end0:
.L_simem_size_0:
called_computation_lowered:
.L_overlay_start_0:
0x88: {  	s2 =	sld [smem:$0x3FD9]  }
0x89: {  	s3 =	sld [smem:$0x3FFE];
	_ =	sdelay $0x1  }
0x8a: {  	s1 =	srdreg.scid  }
0x8b: {  	s0 =	sand.u32 $0x1, s1  }
0x8c: {  	s16 =	sshll.u32 s0, $0xA;
	s2 =	sadd.s32 s3, s2  }
0x8d: {  	s2 =	sadd.s32 s2, s16  }
0x8e: {  	[smem:$0x3F9A] =	sst s2  }
0x8f: {  	_ = 	snop  }
0x90: {  	(tm) =	ssettm $0x1  }
0x91: {  	s17 =	sld [smem:$0x3FFB];
	_ =	sdelay $0x3  }
0x92: {  	_ =	strace s17  }
0x93: {  	s2 =	sld [smem:$0x3FFC];
	_ =	sdelay $0x3  }
0x94: {  	_ =	strace s2  }
0x95: {  	s2 =	sld [smem:$0x3FFD];
	_ =	sdelay $0x3  }
0x96: {  	_ =	strace s2  }
0x97: {  	_ =	strace $0x8FFFFFFF  }
0x98: {  	s18 =	sld [smem:$0x3FDB];
	_ =	sdelay $0x1  }
0x99: {  	s19 =	simm.s32 $_scs_section_size  }
0x9a: {  	s4 =	simm.s32 $_size__tile_overlayer_lowered;
	s5 =	simm.s32 $_tile_overlayer_lowered  }
0x9b: {  	s22 =	simm.s32 $0x1BFF;
	s21 =	sshll.u32 s5, $0x1;
	s2 =	sadd.s32 s19, s18  }
0x9c: {  	s6 =	simm.s32 $0x0;
	s20 =	sshll.u32 s4, $0x1;
	s4 =	sadd.s32 s21, s2  }
0x9d: {  	[timem:s6], [sflag:s22] =	dma.local [hbm:s4], s20  }
0x9e: {  	_ =	swait.ge [sflag:s22], s20  }
0x9f: {  	s3 =	ssub.s32 $0x0, s20;
	[sflag:s22] =	ssyncset.done $0x0  }
0xa0: {  	[sflag:s22] =	ssyncadd.s32 s3;
	_ =	sdelay $0x1  }
0xa1: {  	s23 =	simm.s32 $0x1B8B  }
0xa2: {  	_ =	swait.ge [sflag:s23], $0x1  }
0xa3: {  	[sflag:s23] =	ssyncset.done $0x0  }
0xa4: {  	s25 =	simm.s32 $0x1B8E;
	s24 =	sld [smem:$0x3FFE];
	[sflag:s23] =	ssyncadd.s32 $0xFFFFFFFF  }
0xa5: {  	s26 =	simm.s32 $execute0_lowered;
	[smem:$0x3FD2] =	sst s25  }
0xa6: {  	s4 =	sshll.u32 s26, $0x1;
	_ =	strace $0x80000046;
	[dreg:$0x1] =	wrdreg $0xFFFFFFFF  }
0xa7: {  	s28 =	simm.s32 $_size_execute0_lowered;
	s2 =	sadd.s32 s2, s4;
	[dreg:$0x0] =	wrdreg $0x0  }
0xa8: {  	s4 =	sshll.u32 s28, $0x1;
	[dreg:$0x2] =	wrdreg s2  }
0xa9: {  	[dreg:$0x3] =	wrdreg s4  }
0xaa: {  	[dreg:$0x4] =	wrdreg $0xC0  }
0xab: {  	_ =	task [dreg:s6], $0x5FFFF  }
0xac: {  	[dreg:$0x1] =	wrdreg $0xFFFFFFFF  }
0xad: {  	[dreg:$0x0] =	wrdreg $0x60  }
0xae: {  	[dreg:$0x2] =	wrdreg s24  }
0xaf: {  	[dreg:$0x3] =	wrdreg $0x9  }
0xb0: {  	_ =	task.clear_ibuf [dreg:s6], $0x4FFFF;
	_ =	strace $0x90000046  }
0xb1: {  	s29 =	simm.s32 $0x9;
	_ =	strace $0x80000048  }
0xb2: {  	_ =	swait.ge [sflag:s29], $0x1  }
0xb3: {  	[sflag:s29] =	ssyncadd.s32 $0xFFFFFFFF  }
0xb4: {  	_ =	strace $0x90000048  }
0xb5: {  	_ =	sfence  }
0xb6: {  	s30 =	sld [smem:$0x0];
	_ =	sdelay $0x2  }
0xb7: {  	s31 =	sshll.u32 s1, $0xD;
	s1 =	sshrl.u32 s1, $0x2  }
0xb8: {  	s3 =	sand.u32 $0x4000, s31;
	s1 =	sadd.s32 s1, s30  }
0xb9: {  	s0 =	sor.u32 s3, s0;
	s1 =	sshll.u32 s1, $0x11  }
0xba: {  	s0 =	sor.u32 s1, s0  }
0xbb: {  	s0 =	sadd.s32 $0x8F2B, s0  }
0xbc: {  	[sflag:s0] =	ssyncadd.remote.s32 $0x1  }
0xbd: {  	_ =	sfence.sel $0xFFFF  }
0xbe: {  	[dreg:$0x0] =	wrdreg $0xFFFFFFFF;
	(pc) =	sbr.abs _section_cstart, $3  }
0xbf: {  	[dreg:$0x1] =	wrdreg $0xFFFFFFFF  }
0xc0: {  	_ =	task.clear_ibuf [dreg:s6], $0x2FFFF;
	_ =	strace $0x9FFFFFFF  }
0xc1: {  	(tm) =	ssettm $0x7FFFFFFF  }
tec
execute0_lowered:
.L_overlay_start_1:
0x0: {  	(tag) =	ssettag $0x1  }
0x1: {  	s1 =	srdreg.scid;
	s0 =	stileid.u32  }
0x2: {  	s4 =	rddreg [dreg:$0x0];
	s2 =	simm.s32 $0x0;
	s10 =	simm.s32 $0x6600  }
0x3: {  	s11 =	simm.s32 $0x9800;
	s12 =	simm.s32 $0xCA00;
	s13 =	simm.s32 $0xFC00  }
0x4: {  	s14 =	simm.s32 $0x12E00;
	s15 =	simm.s32 $0x16000;
	s16 =	simm.s32 $0x19200  }
0x5: {  	s17 =	simm.s32 $0x1;
	s3 =	sand.u32 $0x1, s1;
	s1 =	rddreg [dreg:$0x1]  }
0x6: {  	s18 =	simm.s32 $0x0;
	s30 =	sshll.u32 s0, $0x1;
	[smem:$0x7FF] =	sst s2  }
0x7: {  	s6 =	smul.u32 $0x4E200, s0;
	s5 =	sor.u32 s3, s30;
	_ =	strace $0x80000047  }
0x8: {  	s7 =	ssub.s32 $0x2, s3;
	s8 =	smul.u32 $0x27100, s3;
	s3 =	sadd.s32 $0x1C800, s4  }
0x9: {  	s5 =	smul.u32 $0x680, s5;
	s6 =	sadd.s32 s6, s4;
	s9 =	sshrl.u32 s7, $0x1  }
0xa: {  	s31 =	ssub.s32 s7, s9;
	s6 =	sadd.s32 s8, s6;
	s7 =	simm.s32 $0x2  }
0xb: {  	s8 =	simm.s32 $0x64;
	s9 =	simm.s32 $0x3400;
	s4 =	sadd.s32 s5, s4  }
0xc: {  	s5 =	smax.u32 s31, $0x1;
	s6 =	sadd.s32 $0x91E00, s6;
	s4 =	sadd.s32 $0xF800, s4  }
.LBB2_1:
0xd: {  	[tilespmem:s2], [sflag:$0x2] =	stream.linear.gather [hbm4b:s4+s2], $0x3200, $0x38;
	[tilespmem:$0x1C400] =	vst v63  }
0xe: {  	_ =	swait.ge [sflag:s7], $0x3200  }
0xf: {  	[sflag:s7] =	ssyncset.done $0x0  }
0x10: {  	s19 =	simm.s32 $0x0;
	[sflag:s7] =	ssyncadd.s32 $0xFFFFCE00  }
0x11: {  	[tilespmem:s9], [sflag:$0x1] =	stream.indirect.gather [hbm4b:s3+s8], $0x80, s19, s8, $0xb8;
	[tilespmem:$0x1C400] =	vst v63  }
0x12: {  	s24 =	simm.s32 $0x80  }
0x13: {  	[tilespmem:s10], [sflag:$0x1] =	stream.indirect.gather [hbm4b:s3+s8], $0x80, s24, s8, $0xb8;
	[tilespmem:$0x1C400] =	vst v63  }
0x14: {  	s25 =	simm.s32 $0x100  }
0x15: {  	[tilespmem:s11], [sflag:$0x1] =	stream.indirect.gather [hbm4b:s3+s8], $0x80, s25, s8, $0xb8;
	[tilespmem:$0x1C400] =	vst v63  }
0x16: {  	s26 =	simm.s32 $0x180  }
0x17: {  	[tilespmem:s12], [sflag:$0x1] =	stream.indirect.gather [hbm4b:s3+s8], $0x80, s26, s8, $0xb8;
	[tilespmem:$0x1C400] =	vst v63  }
0x18: {  	s28 =	simm.s32 $0x200  }
0x19: {  	[tilespmem:s13], [sflag:$0x1] =	stream.indirect.gather [hbm4b:s3+s8], $0x80, s28, s8, $0xb8;
	[tilespmem:$0x1C400] =	vst v63  }
0x1a: {  	s29 =	simm.s32 $0x280  }
0x1b: {  	[tilespmem:s14], [sflag:$0x1] =	stream.indirect.gather [hbm4b:s3+s8], $0x80, s29, s8, $0xb8;
	[tilespmem:$0x1C400] =	vst v63  }
0x1c: {  	s30 =	simm.s32 $0x300  }
0x1d: {  	[tilespmem:s15], [sflag:$0x1] =	stream.indirect.gather [hbm4b:s3+s8], $0x80, s30, s8, $0xb8;
	[tilespmem:$0x1C400] =	vst v63  }
0x1e: {  	s31 =	simm.s32 $0x380  }
0x1f: {  	[tilespmem:s16], [sflag:$0x1] =	stream.indirect.gather [hbm4b:s3+s8], $0x80, s31, s8, $0xb8;
	[tilespmem:$0x1C400] =	vst v63  }
0x20: {  	_ =	swait.ge [sflag:s17], $0x3200  }
0x21: {  	[sflag:s17] =	ssyncset.done $0x0  }
0x22: {  	[sflag:s17] =	ssyncadd.s32 $0xFFFFCE00  }
0x23: {  	_ =	swait.ge [sflag:s17], $0x3200  }
0x24: {  	[sflag:s17] =	ssyncset.done $0x0  }
0x25: {  	[sflag:s17] =	ssyncadd.s32 $0xFFFFCE00  }
0x26: {  	_ =	swait.ge [sflag:s17], $0x3200  }
0x27: {  	[sflag:s17] =	ssyncset.done $0x0  }
0x28: {  	[sflag:s17] =	ssyncadd.s32 $0xFFFFCE00  }
0x29: {  	_ =	swait.ge [sflag:s17], $0x3200  }
0x2a: {  	[sflag:s17] =	ssyncset.done $0x0  }
0x2b: {  	[sflag:s17] =	ssyncadd.s32 $0xFFFFCE00  }
0x2c: {  	_ =	swait.ge [sflag:s17], $0x3200  }
0x2d: {  	[sflag:s17] =	ssyncset.done $0x0  }
0x2e: {  	[sflag:s17] =	ssyncadd.s32 $0xFFFFCE00  }
0x2f: {  	_ =	swait.ge [sflag:s17], $0x3200  }
0x30: {  	[sflag:s17] =	ssyncset.done $0x0  }
0x31: {  	[sflag:s17] =	ssyncadd.s32 $0xFFFFCE00  }
0x32: {  	_ =	swait.ge [sflag:s17], $0x3200  }
0x33: {  	[sflag:s17] =	ssyncset.done $0x0  }
0x34: {  	[sflag:s17] =	ssyncadd.s32 $0xFFFFCE00  }
0x35: {  	_ =	swait.ge [sflag:s17], $0x3200  }
0x36: {  	[sflag:s17] =	ssyncset.done $0x0  }
0x37: {  	[sflag:s17] =	ssyncadd.s32 $0xFFFFCE00  }
0x38: {  	[hbm4b:s6+s2] =	stream.linear.scatter [tilespmem:s9], [sflag:$0x2], $0x19000, $0x38;
	[tilespmem:$0x1C400] =	vst v63  }
0x39: {  	s20 =	simm.s32 $0x1000;
	_ =	swait.ge [sflag:s7], $0x19000  }
0x3a: {  	s22 =	simm.s32 $0x2000;
	s19 =	sadd.s32 $0x3200, s6;
	[sflag:s7] =	ssyncset.done $0x0  }
.LBB2_2:
0x3b: {  	s23 =	sshra.s32 s20, $0x2  }
0x3c: {  	[sflag:s7] =	ssyncadd.s32 $0xFFFE7000;
	s20 =	smov.u32 s22;
	s21 =	sadd.s32 $0x1000, s22  }
0x3d: {  	[tilespmem:s9], [sflag:$0x1] =	stream.indirect.gather [hbm4b:s3+s8], $0x80, s23, s8, $0xb8;
	[tilespmem:$0x1C400] =	vst v63  }
0x3e: {  	p0 =	sne.s32 s22, $0xB000;
	s22 =	sadd.s32 $0x80, s23  }
0x3f: {  	[tilespmem:s10], [sflag:$0x1] =	stream.indirect.gather [hbm4b:s3+s8], $0x80, s22, s8, $0xb8;
	[tilespmem:$0x1C400] =	vst v63  }
0x40: {  	s22 =	sadd.s32 $0x100, s23  }
0x41: {  	[tilespmem:s11], [sflag:$0x1] =	stream.indirect.gather [hbm4b:s3+s8], $0x80, s22, s8, $0xb8;
	[tilespmem:$0x1C400] =	vst v63  }
0x42: {  	s22 =	sadd.s32 $0x180, s23  }
0x43: {  	[tilespmem:s12], [sflag:$0x1] =	stream.indirect.gather [hbm4b:s3+s8], $0x80, s22, s8, $0xb8;
	[tilespmem:$0x1C400] =	vst v63  }
0x44: {  	s22 =	sadd.s32 $0x200, s23  }
0x45: {  	[tilespmem:s13], [sflag:$0x1] =	stream.indirect.gather [hbm4b:s3+s8], $0x80, s22, s8, $0xb8;
	[tilespmem:$0x1C400] =	vst v63  }
0x46: {  	s22 =	sadd.s32 $0x280, s23  }
0x47: {  	[tilespmem:s14], [sflag:$0x1] =	stream.indirect.gather [hbm4b:s3+s8], $0x80, s22, s8, $0xb8;
	[tilespmem:$0x1C400] =	vst v63  }
0x48: {  	s22 =	sadd.s32 $0x300, s23  }
0x49: {  	[tilespmem:s15], [sflag:$0x1] =	stream.indirect.gather [hbm4b:s3+s8], $0x80, s22, s8, $0xb8;
	[tilespmem:$0x1C400] =	vst v63  }
0x4a: {  	s22 =	sadd.s32 $0x380, s23  }
0x4b: {  	[tilespmem:s16], [sflag:$0x1] =	stream.indirect.gather [hbm4b:s3+s8], $0x80, s22, s8, $0xb8;
	[tilespmem:$0x1C400] =	vst v63  }
0x4c: {  	_ =	swait.ge [sflag:s17], $0x3200  }
0x4d: {  	[sflag:s17] =	ssyncset.done $0x0  }
0x4e: {  	[sflag:s17] =	ssyncadd.s32 $0xFFFFCE00  }
0x4f: {  	_ =	swait.ge [sflag:s17], $0x3200  }
0x50: {  	[sflag:s17] =	ssyncset.done $0x0  }
0x51: {  	[sflag:s17] =	ssyncadd.s32 $0xFFFFCE00  }
0x52: {  	_ =	swait.ge [sflag:s17], $0x3200  }
0x53: {  	[sflag:s17] =	ssyncset.done $0x0  }
0x54: {  	[sflag:s17] =	ssyncadd.s32 $0xFFFFCE00  }
0x55: {  	_ =	swait.ge [sflag:s17], $0x3200  }
0x56: {  	[sflag:s17] =	ssyncset.done $0x0  }
0x57: {  	[sflag:s17] =	ssyncadd.s32 $0xFFFFCE00  }
0x58: {  	_ =	swait.ge [sflag:s17], $0x3200  }
0x59: {  	[sflag:s17] =	ssyncset.done $0x0  }
0x5a: {  	[sflag:s17] =	ssyncadd.s32 $0xFFFFCE00  }
0x5b: {  	_ =	swait.ge [sflag:s17], $0x3200  }
0x5c: {  	[sflag:s17] =	ssyncset.done $0x0  }
0x5d: {  	[sflag:s17] =	ssyncadd.s32 $0xFFFFCE00  }
0x5e: {  	_ =	swait.ge [sflag:s17], $0x3200  }
0x5f: {  	[sflag:s17] =	ssyncset.done $0x0  }
0x60: {  	[sflag:s17] =	ssyncadd.s32 $0xFFFFCE00  }
0x61: {  	_ =	swait.ge [sflag:s17], $0x3200  }
.Ltmp0:
0x62: {  	[sflag:s17] =	ssyncset.done $0x0;
	(pc) =	sbr.rel @p0 .LBB2_2-.Ltmp0, $4  }
0x63: {  	[sflag:s17] =	ssyncadd.s32 $0xFFFFCE00  }
0x64: {  	[hbm4b:s19+s2] =	stream.linear.scatter [tilespmem:s9], [sflag:$0x2], $0x19000, $0x38;
	[tilespmem:$0x1C400] =	vst v63  }
0x65: {  	_ =	swait.ge [sflag:s7], $0x19000  }
0x66: {  	s22 =	smov.u32 s21;
	s19 =	sadd.s32 $0x3200, s19;
	[sflag:s7] =	ssyncset.done $0x0  }
0x67: {  	s20 =	sshra.s32 s20, $0x2;
	[sflag:s7] =	ssyncadd.s32 $0xFFFE7000  }
0x68: {  	[tilespmem:s9], [sflag:$0x1] =	stream.indirect.gather [hbm4b:s3+s8], $0x80, s20, s8, $0xb8;
	[tilespmem:$0x1C400] =	vst v63  }
0x69: {  	s21 =	sadd.s32 $0x80, s20  }
0x6a: {  	[tilespmem:s10], [sflag:$0x1] =	stream.indirect.gather [hbm4b:s3+s8], $0x80, s21, s8, $0xb8;
	[tilespmem:$0x1C400] =	vst v63  }
0x6b: {  	s26 =	sadd.s32 $0x100, s20  }
0x6c: {  	[tilespmem:s11], [sflag:$0x1] =	stream.indirect.gather [hbm4b:s3+s8], $0x80, s26, s8, $0xb8;
	[tilespmem:$0x1C400] =	vst v63  }
0x6d: {  	s28 =	sadd.s32 $0x180, s20  }
0x6e: {  	[tilespmem:s12], [sflag:$0x1] =	stream.indirect.gather [hbm4b:s3+s8], $0x80, s28, s8, $0xb8;
	[tilespmem:$0x1C400] =	vst v63  }
0x6f: {  	s29 =	sadd.s32 $0x200, s20  }
0x70: {  	[tilespmem:s13], [sflag:$0x1] =	stream.indirect.gather [hbm4b:s3+s8], $0x80, s29, s8, $0xb8;
	[tilespmem:$0x1C400] =	vst v63  }
0x71: {  	s30 =	sadd.s32 $0x280, s20  }
0x72: {  	[tilespmem:s14], [sflag:$0x1] =	stream.indirect.gather [hbm4b:s3+s8], $0x80, s30, s8, $0xb8;
	[tilespmem:$0x1C400] =	vst v63  }
0x73: {  	s31 =	sadd.s32 $0x300, s20  }
0x74: {  	[tilespmem:s15], [sflag:$0x1] =	stream.indirect.gather [hbm4b:s3+s8], $0x80, s31, s8, $0xb8;
	[tilespmem:$0x1C400] =	vst v63  }
0x75: {  	s20 =	sadd.s32 $0x380, s20  }
0x76: {  	[tilespmem:s16], [sflag:$0x1] =	stream.indirect.gather [hbm4b:s3+s8], $0x80, s20, s8, $0xb8;
	[tilespmem:$0x1C400] =	vst v63  }
0x77: {  	_ =	swait.ge [sflag:s17], $0x3200  }
0x78: {  	[sflag:s17] =	ssyncset.done $0x0  }
0x79: {  	[sflag:s17] =	ssyncadd.s32 $0xFFFFCE00  }
0x7a: {  	_ =	swait.ge [sflag:s17], $0x3200  }
0x7b: {  	[sflag:s17] =	ssyncset.done $0x0  }
0x7c: {  	[sflag:s17] =	ssyncadd.s32 $0xFFFFCE00  }
0x7d: {  	_ =	swait.ge [sflag:s17], $0x3200  }
0x7e: {  	[sflag:s17] =	ssyncset.done $0x0  }
0x7f: {  	[sflag:s17] =	ssyncadd.s32 $0xFFFFCE00  }
0x80: {  	_ =	swait.ge [sflag:s17], $0x3200  }
0x81: {  	[sflag:s17] =	ssyncset.done $0x0  }
0x82: {  	[sflag:s17] =	ssyncadd.s32 $0xFFFFCE00  }
0x83: {  	_ =	swait.ge [sflag:s17], $0x3200  }
0x84: {  	[sflag:s17] =	ssyncset.done $0x0  }
0x85: {  	[sflag:s17] =	ssyncadd.s32 $0xFFFFCE00  }
0x86: {  	_ =	swait.ge [sflag:s17], $0x3200  }
0x87: {  	[sflag:s17] =	ssyncset.done $0x0  }
0x88: {  	[sflag:s17] =	ssyncadd.s32 $0xFFFFCE00  }
0x89: {  	_ =	swait.ge [sflag:s17], $0x3200  }
0x8a: {  	[sflag:s17] =	ssyncset.done $0x0  }
0x8b: {  	[sflag:s17] =	ssyncadd.s32 $0xFFFFCE00  }
0x8c: {  	s18 =	sadd.s32 $0x1, s18;
	_ =	swait.ge [sflag:s17], $0x3200  }
0x8d: {  	p0 =	sne.s32 s18, s5;
	[sflag:s17] =	ssyncset.done $0x0  }
.Ltmp1:
0x8e: {  	[sflag:s17] =	ssyncadd.s32 $0xFFFFCE00;
	(pc) =	sbr.rel @p0 .LBB2_1-.Ltmp1, $4  }
0x8f: {  	[hbm4b:s19+s2] =	stream.linear.scatter [tilespmem:s9], [sflag:$0x2], $0x19000, $0x38;
	[tilespmem:$0x1C400] =	vst v63  }
0x90: {  	_ =	swait.ge [sflag:s7], $0x19000  }
0x91: {  	[sflag:s7] =	ssyncset.done $0x0  }
0x92: {  	[sflag:s7] =	ssyncadd.s32 $0xFFFE7000  }
0x93: {  	_ =	sfence.sel $0x180000  }
0x94: {  	[bflag:$0x0] =	sbarrier.arrive $0xFFFF  }
0x95: {  	p0 =	sne.s32 s0, $0x0;
	_ =	strace $0x90000047  }
0x96: {  	s0 =	sadd.s32 @!p0 $0x100000, s1;
	[bflag:$0x2] =	sbarrier.arrive $0xFFFF  }
0x97: {  	[sflag:s0] =	ssyncadd.tile.s32 @!p0 $0x1;
	_ =	shalt  }
.Lfunc_end2:
_tile_overlayer_lowered:
.L_overlay_start_2:
0x98: {  	(tag) =	ssettag $0x2  }
0x99: {  	s0 =	rddreg [dreg:$0x0];
	s2 =	stileid.u32  }
0x9a: {  	s1 =	rddreg [dreg:$0x1];
	p0 =	sne.s32 s2, $0x0  }
0x9b: {  	s3 =	rddreg [dreg:$0x2];
	[bflag:$0x3] =	sbarrier.arrive $0xFFFF;
	s2 =	simm.s32 @!p0 $0x1C02  }
0x9c: {  	[timem:s3], [sflag:s2] =	dma.local @!p0 [hbm:s0], s1  }
0x9d: {  	s0 =	simm.s32 @!p0 $0x2  }
0x9e: {  	_ =	swait.ge @!p0 [sflag:s0], s1  }
0x9f: {  	s1 =	ssub.s32 @!p0 $0x0, s1;
	[sflag:s0] =	ssyncset.done @!p0 $0x0  }
0xa0: {  	[sflag:s0] =	ssyncadd.s32 @!p0 s1  }
0xa1: {  	[bflag:$0x3] =	sbarrier.arrive $0xFFFF  }
0xa2: {  	_ =	shalt  }

// kernel: kernel.17.cloned.1.call-start
scs
__scs_entry_jumppad:
0x0: {  	(pc) =	sbr.rel $0x88, $3  }
0x1: {  	(tag) =	ssettag $0x0;
	lr =	simm.s32 $0x1  }
0x2: {  	[smem:$0x3F73] =	sst lr;
	_ =	strace $0xD0000000  }
0x3: {  	_ = 	snop  }
0x4: {  	_ = 	snop  }
0x5: {  	_ = 	snop  }
0x6: {  	_ = 	snop  }
0x7: {  	_ = 	snop  }
__scs_overlays_trampoline_lowered:
0x8: {  	[smem:$0x3F82] =	sst s0  }
0x9: {  	[smem:$0x3F83] =	sst s1  }
0xa: {  	[smem:$0x3F84] =	sst s2  }
0xb: {  	[smem:$0x3F85] =	sst s3  }
0xc: {  	[smem:$0x3F86] =	sst s4  }
0xd: {  	[smem:$0x3F87] =	sst s5  }
0xe: {  	[smem:$0x3F88] =	sst s6  }
0xf: {  	[smem:$0x3F89] =	sst s7  }
0x10: {  	[smem:$0x3F8A] =	sst s8  }
0x11: {  	[smem:$0x3F8B] =	sst s9;
	s0 =	simm.s32 @!p0 $0x0  }
0x12: {  	s1 =	sld [smem:$0x3F71];
	s0 =	simm.s32 @p0 $0x1  }
0x13: {  	[smem:$0x3F8C] =	sst s0;
	s0 =	simm.s32 @!p1 $0x0  }
0x14: {  	s2 =	sld [smem:$0x3F70];
	s0 =	simm.s32 @p1 $0x1  }
0x15: {  	[smem:$0x3F8D] =	sst s0;
	s0 =	simm.s32 @!p2 $0x0  }
0x16: {  	s3 =	sld [smem:$0x3FDB];
	s0 =	simm.s32 @p2 $0x1  }
0x17: {  	s4 =	simm.s32 $0x1BF5;
	[smem:$0x3F8F] =	sst s0  }
0x18: {  	s0 =	sld [smem:$0x3F72];
	_ =	swait.ge [sflag:s4], $0x0  }
0x19: {  	s7 =	sld [smem:$0x3F73]  }
0x1a: {  	s8 =	sadd.s32 $0xFFFFE003, lr  }
0x1b: {  	s9 =	sadd.s32 $0xFFFFFEF7, lr;
	s5 =	simm.s32 $0xFFFFFFFF;
	p2 =	slt.u32 s8, $0xFFFFF086  }
0x1c: {  	p1 =	slt.u32 s9, $0xF7A;
	s5 =	simm.s32 @!p2 $0x0  }
0x1d: {  	s5 =	simm.s32 @p1 $0x1;
	p0 =	seq.s32 s7, s2  }
0x1e: {  	s7 =	smul.u32 @!p0 $0xF7A, s2;
	p2 =	seq.s32 @!p0 s5, $0x0  }
0x1f: {  	s9 =	smul.u32 $0xF7A, s1;
	s8 =	simm.s32 @!p0 $0x1BF5;
	p2 =	por !p2, p0  }
0x20: {  	[sflag:s8] =	ssyncset.s32 @!p0 $0xFFFFF086;
	s6 =	sadd.s32 @!p0 s3, s7;
	s7 =	simm.s32 @!p0 $0x108  }
0x21: {  	s3 =	sadd.s32 s3, s9;
	s6 =	sadd.s32 @!p0 $0x88, s6;
	s7 =	simm.s32 @p2 $0x1082  }
0x22: {  	[simem:s7], [sflag:s8] =	dma.local @!p0 [hbm:s6], $0xF7A  }
0x23: {  	s9 =	sor.u32 $0xD0000000, s2;
	s6 =	simm.s32 $0x108;
	_ =	swait.ge @!p0 [sflag:s8], $0x0  }
0x24: {  	s3 =	sadd.s32 $0x88, s3;
	s6 =	simm.s32 @!p1 $0x1082;
	[sflag:s4] =	ssyncset.s32 $0xFFFFF086  }
0x25: {  	[simem:s6], [sflag:s4] =	dma.local [hbm:s3], $0xF7A  }
0x26: {  	[smem:$0x3F73] =	sst s1;
	(tag) =	ssettag s2;
	_ =	strace s9  }
0x27: {  	s1 =	sld [smem:$0x3F83]  }
0x28: {  	s2 =	sld [smem:$0x3F84]  }
0x29: {  	s4 =	sld [smem:$0x3F86]  }
0x2a: {  	p0 =	seq.s32 s5, $0x0;
	s5 =	sld [smem:$0x3F87]  }
0x2b: {  	s6 =	sld [smem:$0x3F88]  }
0x2c: {  	s7 =	sld [smem:$0x3F89]  }
0x2d: {  	s3 =	simm.s32 $0x108;
	s8 =	sld [smem:$0x3F8A]  }
0x2e: {  	s3 =	simm.s32 @!p0 $0x1082;
	s9 =	sld [smem:$0x3F8B]  }
0x2f: {  	lr =	sadd.s32 s0, s3;
	s0 =	sld [smem:$0x3F82]  }
0x30: {  	s3 =	sld [smem:$0x3F85]  }
0x31: {  	[smem:$0x3F8E] =	sst s10  }
0x32: {  	s10 =	sld [smem:$0x3F8C];
	_ =	sdelay $0x3  }
0x33: {  	p0 =	seq.s32 s10, $0x1;
	s10 =	sld [smem:$0x3F8E];
	_ =	sdelay $0x3  }
0x34: {  	[smem:$0x3F8E] =	sst s10  }
0x35: {  	s10 =	sld [smem:$0x3F8D];
	_ =	sdelay $0x3  }
0x36: {  	p1 =	seq.s32 s10, $0x1;
	s10 =	sld [smem:$0x3F8E];
	_ =	sdelay $0x3  }
0x37: {  	[smem:$0x3F8E] =	sst s10  }
0x38: {  	s10 =	sld [smem:$0x3F8F]  }
0x39: {  	_ = 	snop;
	(pc) =	sbr.ind lr, $3  }
0x3a: {  	_ = 	snop  }
0x3b: {  	_ = 	snop  }
0x3c: {  	p2 =	seq.s32 s10, $0x1;
	s10 =	sld [smem:$0x3F8E]  }
0x3d: {  	_ =	shalt  }
0x3e: {  	_ =	shalt  }
0x3f: {  	_ =	shalt  }
0x40: {  	_ =	shalt  }
0x41: {  	_ =	shalt  }
0x42: {  	_ =	shalt  }
0x43: {  	_ =	shalt  }
0x44: {  	_ =	shalt  }
0x45: {  	_ =	shalt  }
0x46: {  	_ =	shalt  }
0x47: {  	_ =	shalt  }
0x48: {  	_ =	shalt  }
0x49: {  	_ =	shalt  }
0x4a: {  	_ =	shalt  }
0x4b: {  	_ =	shalt  }
0x4c: {  	_ =	shalt  }
0x4d: {  	_ =	shalt  }
0x4e: {  	_ =	shalt  }
0x4f: {  	_ =	shalt  }
0x50: {  	_ =	shalt  }
0x51: {  	_ =	shalt  }
0x52: {  	_ =	shalt  }
0x53: {  	_ =	shalt  }
0x54: {  	_ =	shalt  }
0x55: {  	_ =	shalt  }
0x56: {  	_ =	shalt  }
0x57: {  	_ =	shalt  }
0x58: {  	_ =	shalt  }
0x59: {  	_ =	shalt  }
0x5a: {  	_ =	shalt  }
0x5b: {  	_ =	shalt  }
0x5c: {  	_ =	shalt  }
0x5d: {  	_ =	shalt  }
0x5e: {  	_ =	shalt  }
0x5f: {  	_ =	shalt  }
0x60: {  	_ =	shalt  }
0x61: {  	_ =	shalt  }
0x62: {  	_ =	shalt  }
0x63: {  	_ =	shalt  }
0x64: {  	_ =	shalt  }
0x65: {  	_ =	shalt  }
0x66: {  	_ =	shalt  }
0x67: {  	_ =	shalt  }
0x68: {  	_ =	shalt  }
0x69: {  	_ =	shalt  }
0x6a: {  	_ =	shalt  }
0x6b: {  	_ =	shalt  }
0x6c: {  	_ =	shalt  }
0x6d: {  	_ =	shalt  }
0x6e: {  	_ =	shalt  }
0x6f: {  	_ =	shalt  }
0x70: {  	_ =	shalt  }
0x71: {  	_ =	shalt  }
0x72: {  	_ =	shalt  }
0x73: {  	_ =	shalt  }
0x74: {  	_ =	shalt  }
0x75: {  	_ =	shalt  }
0x76: {  	_ =	shalt  }
0x77: {  	_ =	shalt  }
0x78: {  	_ =	shalt  }
0x79: {  	_ =	shalt  }
0x7a: {  	_ =	shalt  }
0x7b: {  	_ =	shalt  }
0x7c: {  	_ =	shalt  }
0x7d: {  	_ =	shalt  }
0x7e: {  	_ =	shalt  }
0x7f: {  	_ =	shalt  }
0x80: {  	_ =	shalt  }
0x81: {  	_ =	shalt  }
0x82: {  	_ =	shalt  }
0x83: {  	_ =	shalt  }
0x84: {  	_ =	shalt  }
0x85: {  	_ =	shalt  }
0x86: {  	_ =	shalt  }
0x87: {  	_ =	shalt  }
.Lfunc_end0:
.L_simem_size_0:
called_computation.1_lowered:
.L_overlay_start_0:
0x88: {  	s2 =	sld [smem:$0x3FD9]  }
0x89: {  	s3 =	sld [smem:$0x3FFE];
	_ =	sdelay $0x1  }
0x8a: {  	s1 =	srdreg.scid  }
0x8b: {  	s0 =	sand.u32 $0x1, s1  }
0x8c: {  	s16 =	sshll.u32 s0, $0xA;
	s2 =	sadd.s32 s3, s2  }
0x8d: {  	s2 =	sadd.s32 s2, s16  }
0x8e: {  	[smem:$0x3F9A] =	sst s2  }
0x8f: {  	_ = 	snop  }
0x90: {  	(tm) =	ssettm $0x1  }
0x91: {  	s17 =	sld [smem:$0x3FFB];
	_ =	sdelay $0x3  }
0x92: {  	_ =	strace s17  }
0x93: {  	s2 =	sld [smem:$0x3FFC];
	_ =	sdelay $0x3  }
0x94: {  	_ =	strace s2  }
0x95: {  	s2 =	sld [smem:$0x3FFD];
	_ =	sdelay $0x3  }
0x96: {  	_ =	strace s2  }
0x97: {  	_ =	strace $0x8FFFFFFF  }
0x98: {  	s18 =	sld [smem:$0x3FDB];
	_ =	sdelay $0x1  }
0x99: {  	s19 =	simm.s32 $_scs_section_size  }
0x9a: {  	s4 =	simm.s32 $_size__tile_overlayer_lowered;
	s5 =	simm.s32 $_tile_overlayer_lowered  }
0x9b: {  	s22 =	simm.s32 $0x1BFF;
	s21 =	sshll.u32 s5, $0x1;
	s2 =	sadd.s32 s19, s18  }
0x9c: {  	s6 =	simm.s32 $0x0;
	s20 =	sshll.u32 s4, $0x1;
	s4 =	sadd.s32 s21, s2  }
0x9d: {  	[timem:s6], [sflag:s22] =	dma.local [hbm:s4], s20  }
0x9e: {  	_ =	swait.ge [sflag:s22], s20  }
0x9f: {  	s3 =	ssub.s32 $0x0, s20;
	[sflag:s22] =	ssyncset.done $0x0  }
0xa0: {  	[sflag:s22] =	ssyncadd.s32 s3;
	_ =	sdelay $0x1  }
0xa1: {  	s23 =	simm.s32 $0x1B8B  }
0xa2: {  	_ =	swait.ge [sflag:s23], $0x1  }
0xa3: {  	[sflag:s23] =	ssyncset.done $0x0  }
0xa4: {  	s25 =	simm.s32 $0x1B8E;
	s24 =	sld [smem:$0x3FFE];
	[sflag:s23] =	ssyncadd.s32 $0xFFFFFFFF  }
0xa5: {  	s26 =	simm.s32 $execute0_lowered;
	[smem:$0x3FD2] =	sst s25  }
0xa6: {  	s4 =	sshll.u32 s26, $0x1;
	_ =	strace $0x80000049;
	[dreg:$0x1] =	wrdreg $0xFFFFFFFF  }
0xa7: {  	s28 =	simm.s32 $_size_execute0_lowered;
	s2 =	sadd.s32 s2, s4;
	[dreg:$0x0] =	wrdreg $0x0  }
0xa8: {  	s4 =	sshll.u32 s28, $0x1;
	[dreg:$0x2] =	wrdreg s2  }
0xa9: {  	[dreg:$0x3] =	wrdreg s4  }
0xaa: {  	[dreg:$0x4] =	wrdreg $0xC0  }
0xab: {  	_ =	task [dreg:s6], $0x5FFFF  }
0xac: {  	[dreg:$0x1] =	wrdreg $0xFFFFFFFF  }
0xad: {  	[dreg:$0x0] =	wrdreg $0x60  }
0xae: {  	[dreg:$0x2] =	wrdreg s24  }
0xaf: {  	[dreg:$0x3] =	wrdreg $0x0  }
0xb0: {  	[dreg:$0x4] =	wrdreg $0x9  }
0xb1: {  	_ =	task.clear_ibuf [dreg:s6], $0x5FFFF;
	_ =	strace $0x90000049  }
0xb2: {  	s29 =	simm.s32 $0x9;
	_ =	strace $0x8000004B  }
0xb3: {  	_ =	swait.ge [sflag:s29], $0x1  }
0xb4: {  	[sflag:s29] =	ssyncadd.s32 $0xFFFFFFFF  }
0xb5: {  	_ =	strace $0x9000004B  }
0xb6: {  	_ =	sfence  }
0xb7: {  	s30 =	sld [smem:$0x0];
	_ =	sdelay $0x2  }
0xb8: {  	s31 =	sshll.u32 s1, $0xD;
	s1 =	sshrl.u32 s1, $0x2  }
0xb9: {  	s3 =	sand.u32 $0x4000, s31;
	s1 =	sadd.s32 s1, s30  }
0xba: {  	s0 =	sor.u32 s3, s0;
	s1 =	sshll.u32 s1, $0x11  }
0xbb: {  	s0 =	sor.u32 s1, s0  }
0xbc: {  	s0 =	sadd.s32 $0x8F2B, s0  }
0xbd: {  	[sflag:s0] =	ssyncadd.remote.s32 $0x1  }
0xbe: {  	_ =	sfence.sel $0xFFFF  }
0xbf: {  	[dreg:$0x0] =	wrdreg $0xFFFFFFFF;
	(pc) =	sbr.abs _section_cstart, $3  }
0xc0: {  	[dreg:$0x1] =	wrdreg $0xFFFFFFFF  }
0xc1: {  	_ =	task.clear_ibuf [dreg:s6], $0x2FFFF;
	_ =	strace $0x9FFFFFFF  }
0xc2: {  	(tm) =	ssettm $0x7FFFFFFF  }
0xc3: {  	_ =	shalt  }
tec
execute0_lowered:
.L_overlay_start_1:
0x0: {  	(tag) =	ssettag $0x1  }
0x1: {  	s8 =	rddreg [dreg:$0x0]  }
0x2: {  	s2 =	rddreg [dreg:$0x1];
	s1 =	stileid.u32  }
0x3: {  	s3 =	srdreg.scid;
	s0 =	rddreg [dreg:$0x2];
	s15 =	simm.s32 $0x1A600  }
0x4: {  	s16 =	simm.s32 $0x0;
	s6 =	sand.u32 $0x1, s3;
	s5 =	smul.u32 $0x4E200, s1  }
0x5: {  	s4 =	sshll.u32 s1, $0x1;
	s3 =	simm.s32 $0x0;
	s30 =	smul.u32 $0x50000, s1  }
0x6: {  	s12 =	sshll.u32 s1, $0x6;
	s14 =	smul.u32 $0x2800, s1;
	s4 =	sor.u32 s6, s4  }
0x7: {  	[smem:$0x7FF] =	sst s3;
	s10 =	ssub.s32 $0x2, s6;
	s13 =	smul.u32 $0x27100, s6  }
0x8: {  	p0 =	seq.s32 s6, $0x1;
	s4 =	smul.u32 $0x680, s4;
	_ =	strace $0x8000004A  }
0x9: {  	s9 =	sadd.s32 s5, s8;
	s11 =	sshrl.u32 s10, $0x1;
	s5 =	sshrl.u32 s30, $0x2  }
0xa: {  	s10 =	ssub.s32 s10, s11;
	s31 =	sadd.s32 s5, s2;
	s5 =	sor.u32 $0x1C01, s12  }
0xb: {  	s12 =	simm.s32 $0x95400;
	s9 =	sadd.s32 s13, s9;
	s11 =	simm.s32 $0x1  }
0xc: {  	s13 =	simm.s32 $0x17400;
	s7 =	sadd.s32 s4, s8;
	s4 =	sadd.s32 $0x6AC00, s8  }
0xd: {  	s12 =	simm.s32 @!p0 $0x6D400;
	s9 =	sadd.s32 $0xA57800, s9;
	s6 =	sadd.s32 $0xF800, s7  }
0xe: {  	s7 =	smax.u32 s10, $0x1;
	s8 =	sadd.s32 s12, s8;
	s10 =	sshrl.u32 s31, $0x3  }
0xf: {  	s12 =	simm.s32 $0x14000;
	s8 =	sadd.s32 s8, s14;
	s14 =	simm.s32 $0x64  }
.LBB2_1:
0x10: {  	[spmem:s10], [sflag:s5] =	dma.local [hbm:s4], $0x2800  }
0x11: {  	_ =	swait.ge [sflag:s11], $0x2800  }
0x12: {  	[sflag:s11] =	ssyncset.done $0x0  }
0x13: {  	[sflag:s11] =	ssyncadd.s32 $0xFFFFD800  }
0x14: {  	[tilespmem:s12], [sflag:$0x1] =	stream.linear.gather [hbm4b:s6+s3], $0x3200, $0x38;
	[tilespmem:$0x1D800] =	vst v63  }
0x15: {  	_ =	swait.ge [sflag:s11], $0x3200  }
0x16: {  	[sflag:s11] =	ssyncset.done $0x0  }
0x17: {  	[sflag:s11] =	ssyncadd.s32 $0xFFFFCE00  }
0x18: {  	s17 =	sadd.s32 $0x0, s9;
	[bflag:$0x0] =	sbarrier.arrive $0xFFFF  }
0x19: {  	[tilespmem:s13], [sflag:$0x1] =	stream.linear.gather [hbm4b:s17+s3], $0x6400, $0x38;
	[tilespmem:$0x1D800] =	vst v63  }
0x1a: {  	_ =	swait.ge [sflag:s11], $0x6400  }
0x1b: {  	[sflag:s11] =	ssyncset.done $0x0  }
0x1c: {  	s30 =	simm.s32 $0x14000;
	[sflag:s11] =	ssyncadd.s32 $0xFFFF9C00  }
0x1d: {  	[spmem:s2] =	stream.indirect.scatter.add.f32 [tilespmem:s13], [sflag:$0x1], $0x80, s30, s14, $0xb8;
	[tilespmem:$0x1D800] =	vst v63  }
0x1e: {  	_ =	swait.ge [sflag:s11], $0x3200  }
0x1f: {  	[sflag:s11] =	ssyncset.done $0x0  }
0x20: {  	s31 =	simm.s32 $0x14080;
	[sflag:s11] =	ssyncadd.s32 $0xFFFFCE00  }
0x21: {  	[spmem:s2] =	stream.indirect.scatter.add.f32 [tilespmem:s15], [sflag:$0x1], $0x80, s31, s14, $0xb8;
	[tilespmem:$0x1D800] =	vst v63  }
0x22: {  	s18 =	simm.s32 $0xC80;
	_ =	swait.ge [sflag:s11], $0x3200  }
0x23: {  	s19 =	simm.s32 $0x1900;
	s17 =	simm.s32 $0x14180;
	[sflag:s11] =	ssyncset.done $0x0  }
.LBB2_2:
0x24: {  	s20 =	sadd.s32 s18, s9  }
0x25: {  	[sflag:s11] =	ssyncadd.s32 $0xFFFFCE00;
	s18 =	smov.u32 s19;
	s21 =	sadd.s32 $0xC80, s19  }
0x26: {  	[tilespmem:s13], [sflag:$0x1] =	stream.linear.gather [hbm4b:s20+s3], $0x6400, $0x38;
	[tilespmem:$0x1D800] =	vst v63  }
0x27: {  	p0 =	sne.s32 s19, $0x26480;
	_ =	swait.ge [sflag:s11], $0x6400  }
0x28: {  	[sflag:s11] =	ssyncset.done $0x0  }
0x29: {  	s19 =	sadd.s32 $0xFFFFFF80, s17;
	[sflag:s11] =	ssyncadd.s32 $0xFFFF9C00  }
0x2a: {  	[spmem:s2] =	stream.indirect.scatter.add.f32 [tilespmem:s13], [sflag:$0x1], $0x80, s19, s14, $0xb8;
	[tilespmem:$0x1D800] =	vst v63  }
0x2b: {  	_ =	swait.ge [sflag:s11], $0x3200  }
.Ltmp0:
0x2c: {  	[sflag:s11] =	ssyncset.done $0x0;
	(pc) =	sbr.rel @p0 .LBB2_2-.Ltmp0, $4  }
0x2d: {  	[sflag:s11] =	ssyncadd.s32 $0xFFFFCE00  }
0x2e: {  	[spmem:s2] =	stream.indirect.scatter.add.f32 [tilespmem:s15], [sflag:$0x1], $0x80, s17, s14, $0xb8;
	[tilespmem:$0x1D800] =	vst v63  }
0x2f: {  	_ =	swait.ge [sflag:s11], $0x3200  }
0x30: {  	s19 =	smov.u32 s21;
	s17 =	sadd.s32 $0x100, s17;
	[sflag:s11] =	ssyncset.done $0x0  }
0x31: {  	s18 =	sadd.s32 s18, s9;
	[sflag:s11] =	ssyncadd.s32 $0xFFFFCE00  }
0x32: {  	[tilespmem:s13], [sflag:$0x1] =	stream.linear.gather [hbm4b:s18+s3], $0x6400, $0x38;
	[tilespmem:$0x1D800] =	vst v63  }
0x33: {  	_ =	swait.ge [sflag:s11], $0x6400  }
0x34: {  	[sflag:s11] =	ssyncset.done $0x0  }
0x35: {  	s31 =	sadd.s32 $0xFFFFFF80, s17;
	[sflag:s11] =	ssyncadd.s32 $0xFFFF9C00  }
0x36: {  	[spmem:s2] =	stream.indirect.scatter.add.f32 [tilespmem:s13], [sflag:$0x1], $0x80, s31, s14, $0xb8;
	[tilespmem:$0x1D800] =	vst v63  }
0x37: {  	_ =	swait.ge [sflag:s11], $0x3200  }
0x38: {  	[sflag:s11] =	ssyncset.done $0x0  }
0x39: {  	[sflag:s11] =	ssyncadd.s32 $0xFFFFCE00  }
0x3a: {  	[spmem:s2] =	stream.indirect.scatter.add.f32 [tilespmem:s15], [sflag:$0x1], $0x80, s17, s14, $0xb8;
	[tilespmem:$0x1D800] =	vst v63  }
0x3b: {  	_ =	swait.ge [sflag:s11], $0x3200  }
0x3c: {  	s16 =	sadd.s32 $0x1, s16;
	[sflag:s11] =	ssyncset.done $0x0  }
0x3d: {  	p0 =	sne.s32 s16, s7;
	[sflag:s11] =	ssyncadd.s32 $0xFFFFCE00  }
.Ltmp1:
0x3e: {  	[bflag:$0x0] =	sbarrier.arrive $0xFFFF;
	(pc) =	sbr.rel @p0 .LBB2_1-.Ltmp1, $4  }
0x3f: {  	[hbm:s8], [sflag:s5] =	dma.local [spmem:s10], $0x2800  }
0x40: {  	_ =	swait.ge [sflag:s11], $0x2800  }
0x41: {  	[sflag:s11] =	ssyncset.done $0x0  }
0x42: {  	[sflag:s11] =	ssyncadd.s32 $0xFFFFD800  }
0x43: {  	_ =	sfence.sel $0x180000  }
0x44: {  	[bflag:$0x0] =	sbarrier.arrive $0xFFFF  }
0x45: {  	p0 =	sne.s32 s1, $0x0;
	_ =	strace $0x9000004A  }
0x46: {  	s0 =	sadd.s32 @!p0 $0x100000, s0;
	[bflag:$0x2] =	sbarrier.arrive $0xFFFF  }
0x47: {  	[sflag:s0] =	ssyncadd.tile.s32 @!p0 $0x1;
	_ =	shalt  }
.Lfunc_end2:
_tile_overlayer_lowered:
.L_overlay_start_2:
0x48: {  	(tag) =	ssettag $0x2  }
0x49: {  	s0 =	rddreg [dreg:$0x0];
	s2 =	stileid.u32  }
0x4a: {  	s1 =	rddreg [dreg:$0x1];
	p0 =	sne.s32 s2, $0x0  }
0x4b: {  	s3 =	rddreg [dreg:$0x2];
	[bflag:$0x3] =	sbarrier.arrive $0xFFFF;
	s2 =	simm.s32 @!p0 $0x1C01  }
0x4c: {  	[timem:s3], [sflag:s2] =	dma.local @!p0 [hbm:s0], s1  }
0x4d: {  	s0 =	simm.s32 @!p0 $0x1  }
0x4e: {  	_ =	swait.ge @!p0 [sflag:s0], s1  }
0x4f: {  	s1 =	ssub.s32 @!p0 $0x0, s1;
	[sflag:s0] =	ssyncset.done @!p0 $0x0  }
0x50: {  	[sflag:s0] =	ssyncadd.s32 @!p0 s1  }
0x51: {  	[bflag:$0x3] =	sbarrier.arrive $0xFFFF  }
0x52: {  	_ =	shalt  }

// kernel: kernel.20.cloned.1.call-start
scs
__scs_entry_jumppad:
0x0: {  	(pc) =	sbr.rel $0x88, $3  }
0x1: {  	(tag) =	ssettag $0x0;
	lr =	simm.s32 $0x1  }
0x2: {  	[smem:$0x3F73] =	sst lr;
	_ =	strace $0xD0000000  }
0x3: {  	_ = 	snop  }
0x4: {  	_ = 	snop  }
0x5: {  	_ = 	snop  }
0x6: {  	_ = 	snop  }
0x7: {  	_ = 	snop  }
__scs_overlays_trampoline_lowered:
0x8: {  	[smem:$0x3F82] =	sst s0  }
0x9: {  	[smem:$0x3F83] =	sst s1  }
0xa: {  	[smem:$0x3F84] =	sst s2  }
0xb: {  	[smem:$0x3F85] =	sst s3  }
0xc: {  	[smem:$0x3F86] =	sst s4  }
0xd: {  	[smem:$0x3F87] =	sst s5  }
0xe: {  	[smem:$0x3F88] =	sst s6  }
0xf: {  	[smem:$0x3F89] =	sst s7  }
0x10: {  	[smem:$0x3F8A] =	sst s8  }
0x11: {  	[smem:$0x3F8B] =	sst s9;
	s0 =	simm.s32 @!p0 $0x0  }
0x12: {  	s1 =	sld [smem:$0x3F71];
	s0 =	simm.s32 @p0 $0x1  }
0x13: {  	[smem:$0x3F8C] =	sst s0;
	s0 =	simm.s32 @!p1 $0x0  }
0x14: {  	s2 =	sld [smem:$0x3F70];
	s0 =	simm.s32 @p1 $0x1  }
0x15: {  	[smem:$0x3F8D] =	sst s0;
	s0 =	simm.s32 @!p2 $0x0  }
0x16: {  	s3 =	sld [smem:$0x3FDB];
	s0 =	simm.s32 @p2 $0x1  }
0x17: {  	s4 =	simm.s32 $0x1BF5;
	[smem:$0x3F8F] =	sst s0  }
0x18: {  	s0 =	sld [smem:$0x3F72];
	_ =	swait.ge [sflag:s4], $0x0  }
0x19: {  	s7 =	sld [smem:$0x3F73]  }
0x1a: {  	s8 =	sadd.s32 $0xFFFFE003, lr  }
0x1b: {  	s9 =	sadd.s32 $0xFFFFFEF7, lr;
	s5 =	simm.s32 $0xFFFFFFFF;
	p2 =	slt.u32 s8, $0xFFFFF086  }
0x1c: {  	p1 =	slt.u32 s9, $0xF7A;
	s5 =	simm.s32 @!p2 $0x0  }
0x1d: {  	s5 =	simm.s32 @p1 $0x1;
	p0 =	seq.s32 s7, s2  }
0x1e: {  	s7 =	smul.u32 @!p0 $0xF7A, s2;
	p2 =	seq.s32 @!p0 s5, $0x0  }
0x1f: {  	s9 =	smul.u32 $0xF7A, s1;
	s8 =	simm.s32 @!p0 $0x1BF5;
	p2 =	por !p2, p0  }
0x20: {  	[sflag:s8] =	ssyncset.s32 @!p0 $0xFFFFF086;
	s6 =	sadd.s32 @!p0 s3, s7;
	s7 =	simm.s32 @!p0 $0x108  }
0x21: {  	s3 =	sadd.s32 s3, s9;
	s6 =	sadd.s32 @!p0 $0x88, s6;
	s7 =	simm.s32 @p2 $0x1082  }
0x22: {  	[simem:s7], [sflag:s8] =	dma.local @!p0 [hbm:s6], $0xF7A  }
0x23: {  	s9 =	sor.u32 $0xD0000000, s2;
	s6 =	simm.s32 $0x108;
	_ =	swait.ge @!p0 [sflag:s8], $0x0  }
0x24: {  	s3 =	sadd.s32 $0x88, s3;
	s6 =	simm.s32 @!p1 $0x1082;
	[sflag:s4] =	ssyncset.s32 $0xFFFFF086  }
0x25: {  	[simem:s6], [sflag:s4] =	dma.local [hbm:s3], $0xF7A  }
0x26: {  	[smem:$0x3F73] =	sst s1;
	(tag) =	ssettag s2;
	_ =	strace s9  }
0x27: {  	s1 =	sld [smem:$0x3F83]  }
0x28: {  	s2 =	sld [smem:$0x3F84]  }
0x29: {  	s4 =	sld [smem:$0x3F86]  }
0x2a: {  	p0 =	seq.s32 s5, $0x0;
	s5 =	sld [smem:$0x3F87]  }
0x2b: {  	s6 =	sld [smem:$0x3F88]  }
0x2c: {  	s7 =	sld [smem:$0x3F89]  }
0x2d: {  	s3 =	simm.s32 $0x108;
	s8 =	sld [smem:$0x3F8A]  }
0x2e: {  	s3 =	simm.s32 @!p0 $0x1082;
	s9 =	sld [smem:$0x3F8B]  }
0x2f: {  	lr =	sadd.s32 s0, s3;
	s0 =	sld [smem:$0x3F82]  }
0x30: {  	s3 =	sld [smem:$0x3F85]  }
0x31: {  	[smem:$0x3F8E] =	sst s10  }
0x32: {  	s10 =	sld [smem:$0x3F8C];
	_ =	sdelay $0x3  }
0x33: {  	p0 =	seq.s32 s10, $0x1;
	s10 =	sld [smem:$0x3F8E];
	_ =	sdelay $0x3  }
0x34: {  	[smem:$0x3F8E] =	sst s10  }
0x35: {  	s10 =	sld [smem:$0x3F8D];
	_ =	sdelay $0x3  }
0x36: {  	p1 =	seq.s32 s10, $0x1;
	s10 =	sld [smem:$0x3F8E];
	_ =	sdelay $0x3  }
0x37: {  	[smem:$0x3F8E] =	sst s10  }
0x38: {  	s10 =	sld [smem:$0x3F8F]  }
0x39: {  	_ = 	snop;
	(pc) =	sbr.ind lr, $3  }
0x3a: {  	_ = 	snop  }
0x3b: {  	_ = 	snop  }
0x3c: {  	p2 =	seq.s32 s10, $0x1;
	s10 =	sld [smem:$0x3F8E]  }
0x3d: {  	_ =	shalt  }
0x3e: {  	_ =	shalt  }
0x3f: {  	_ =	shalt  }
0x40: {  	_ =	shalt  }
0x41: {  	_ =	shalt  }
0x42: {  	_ =	shalt  }
0x43: {  	_ =	shalt  }
0x44: {  	_ =	shalt  }
0x45: {  	_ =	shalt  }
0x46: {  	_ =	shalt  }
0x47: {  	_ =	shalt  }
0x48: {  	_ =	shalt  }
0x49: {  	_ =	shalt  }
0x4a: {  	_ =	shalt  }
0x4b: {  	_ =	shalt  }
0x4c: {  	_ =	shalt  }
0x4d: {  	_ =	shalt  }
0x4e: {  	_ =	shalt  }
0x4f: {  	_ =	shalt  }
0x50: {  	_ =	shalt  }
0x51: {  	_ =	shalt  }
0x52: {  	_ =	shalt  }
0x53: {  	_ =	shalt  }
0x54: {  	_ =	shalt  }
0x55: {  	_ =	shalt  }
0x56: {  	_ =	shalt  }
0x57: {  	_ =	shalt  }
0x58: {  	_ =	shalt  }
0x59: {  	_ =	shalt  }
0x5a: {  	_ =	shalt  }
0x5b: {  	_ =	shalt  }
0x5c: {  	_ =	shalt  }
0x5d: {  	_ =	shalt  }
0x5e: {  	_ =	shalt  }
0x5f: {  	_ =	shalt  }
0x60: {  	_ =	shalt  }
0x61: {  	_ =	shalt  }
0x62: {  	_ =	shalt  }
0x63: {  	_ =	shalt  }
0x64: {  	_ =	shalt  }
0x65: {  	_ =	shalt  }
0x66: {  	_ =	shalt  }
0x67: {  	_ =	shalt  }
0x68: {  	_ =	shalt  }
0x69: {  	_ =	shalt  }
0x6a: {  	_ =	shalt  }
0x6b: {  	_ =	shalt  }
0x6c: {  	_ =	shalt  }
0x6d: {  	_ =	shalt  }
0x6e: {  	_ =	shalt  }
0x6f: {  	_ =	shalt  }
0x70: {  	_ =	shalt  }
0x71: {  	_ =	shalt  }
0x72: {  	_ =	shalt  }
0x73: {  	_ =	shalt  }
0x74: {  	_ =	shalt  }
0x75: {  	_ =	shalt  }
0x76: {  	_ =	shalt  }
0x77: {  	_ =	shalt  }
0x78: {  	_ =	shalt  }
0x79: {  	_ =	shalt  }
0x7a: {  	_ =	shalt  }
0x7b: {  	_ =	shalt  }
0x7c: {  	_ =	shalt  }
0x7d: {  	_ =	shalt  }
0x7e: {  	_ =	shalt  }
0x7f: {  	_ =	shalt  }
0x80: {  	_ =	shalt  }
0x81: {  	_ =	shalt  }
0x82: {  	_ =	shalt  }
0x83: {  	_ =	shalt  }
0x84: {  	_ =	shalt  }
0x85: {  	_ =	shalt  }
0x86: {  	_ =	shalt  }
0x87: {  	_ =	shalt  }
.Lfunc_end0:
.L_simem_size_0:
called_computation.2_lowered:
.L_overlay_start_0:
0x88: {  	s2 =	sld [smem:$0x3FD9]  }
0x89: {  	s3 =	sld [smem:$0x3FFE];
	_ =	sdelay $0x1  }
0x8a: {  	s1 =	srdreg.scid  }
0x8b: {  	s0 =	sand.u32 $0x1, s1  }
0x8c: {  	s16 =	sshll.u32 s0, $0xA;
	s2 =	sadd.s32 s3, s2  }
0x8d: {  	s2 =	sadd.s32 s2, s16  }
0x8e: {  	[smem:$0x3F9A] =	sst s2  }
0x8f: {  	_ = 	snop  }
0x90: {  	(tm) =	ssettm $0x1  }
0x91: {  	s17 =	sld [smem:$0x3FFB];
	_ =	sdelay $0x3  }
0x92: {  	_ =	strace s17  }
0x93: {  	s2 =	sld [smem:$0x3FFC];
	_ =	sdelay $0x3  }
0x94: {  	_ =	strace s2  }
0x95: {  	s2 =	sld [smem:$0x3FFD];
	_ =	sdelay $0x3  }
0x96: {  	_ =	strace s2  }
0x97: {  	_ =	strace $0x8FFFFFFF  }
0x98: {  	s18 =	sld [smem:$0x3FDB];
	_ =	sdelay $0x1  }
0x99: {  	s19 =	simm.s32 $_scs_section_size  }
0x9a: {  	s4 =	simm.s32 $_size__tile_overlayer_lowered;
	s5 =	simm.s32 $_tile_overlayer_lowered  }
0x9b: {  	s22 =	simm.s32 $0x1BFF;
	s21 =	sshll.u32 s5, $0x1;
	s2 =	sadd.s32 s19, s18  }
0x9c: {  	s6 =	simm.s32 $0x0;
	s20 =	sshll.u32 s4, $0x1;
	s4 =	sadd.s32 s21, s2  }
0x9d: {  	[timem:s6], [sflag:s22] =	dma.local [hbm:s4], s20  }
0x9e: {  	_ =	swait.ge [sflag:s22], s20  }
0x9f: {  	s3 =	ssub.s32 $0x0, s20;
	[sflag:s22] =	ssyncset.done $0x0  }
0xa0: {  	[sflag:s22] =	ssyncadd.s32 s3;
	_ =	sdelay $0x1  }
0xa1: {  	s23 =	simm.s32 $0x1B8B  }
0xa2: {  	_ =	swait.ge [sflag:s23], $0x1  }
0xa3: {  	[sflag:s23] =	ssyncset.done $0x0  }
0xa4: {  	s25 =	simm.s32 $0x1B8E;
	s24 =	sld [smem:$0x3FFE];
	[sflag:s23] =	ssyncadd.s32 $0xFFFFFFFF  }
0xa5: {  	s26 =	simm.s32 $execute0_lowered;
	[smem:$0x3FD2] =	sst s25  }
0xa6: {  	s4 =	sshll.u32 s26, $0x1;
	_ =	strace $0x8000004C;
	[dreg:$0x1] =	wrdreg $0xFFFFFFFF  }
0xa7: {  	s28 =	simm.s32 $_size_execute0_lowered;
	s2 =	sadd.s32 s2, s4;
	[dreg:$0x0] =	wrdreg $0x0  }
0xa8: {  	s4 =	sshll.u32 s28, $0x1;
	[dreg:$0x2] =	wrdreg s2  }
0xa9: {  	[dreg:$0x3] =	wrdreg s4  }
0xaa: {  	[dreg:$0x4] =	wrdreg $0xC0  }
0xab: {  	_ =	task [dreg:s6], $0x5FFFF  }
0xac: {  	[dreg:$0x1] =	wrdreg $0xFFFFFFFF  }
0xad: {  	[dreg:$0x0] =	wrdreg $0x60  }
0xae: {  	[dreg:$0x2] =	wrdreg s24  }
0xaf: {  	[dreg:$0x3] =	wrdreg $0x9  }
0xb0: {  	_ =	task.clear_ibuf [dreg:s6], $0x4FFFF;
	_ =	strace $0x9000004C  }
0xb1: {  	s29 =	simm.s32 $0x9;
	_ =	strace $0x8000004E  }
0xb2: {  	_ =	swait.ge [sflag:s29], $0x1  }
0xb3: {  	[sflag:s29] =	ssyncadd.s32 $0xFFFFFFFF  }
0xb4: {  	_ =	strace $0x9000004E  }
0xb5: {  	_ =	sfence  }
0xb6: {  	s30 =	sld [smem:$0x0];
	_ =	sdelay $0x2  }
0xb7: {  	s31 =	sshll.u32 s1, $0xD;
	s1 =	sshrl.u32 s1, $0x2  }
0xb8: {  	s3 =	sand.u32 $0x4000, s31;
	s1 =	sadd.s32 s1, s30  }
0xb9: {  	s0 =	sor.u32 s3, s0;
	s1 =	sshll.u32 s1, $0x11  }
0xba: {  	s0 =	sor.u32 s1, s0  }
0xbb: {  	s0 =	sadd.s32 $0x8F2B, s0  }
0xbc: {  	[sflag:s0] =	ssyncadd.remote.s32 $0x1  }
0xbd: {  	_ =	sfence.sel $0xFFFF  }
0xbe: {  	[dreg:$0x0] =	wrdreg $0xFFFFFFFF;
	(pc) =	sbr.abs _section_cstart, $3  }
0xbf: {  	[dreg:$0x1] =	wrdreg $0xFFFFFFFF  }
0xc0: {  	_ =	task.clear_ibuf [dreg:s6], $0x2FFFF;
	_ =	strace $0x9FFFFFFF  }
0xc1: {  	(tm) =	ssettm $0x7FFFFFFF  }
tec
execute0_lowered:
.L_overlay_start_1:
0x0: {  	(tag) =	ssettag $0x1  }
0x1: {  	s1 =	srdreg.scid;
	s0 =	stileid.u32  }
0x2: {  	s4 =	rddreg [dreg:$0x0];
	s2 =	simm.s32 $0x0;
	s10 =	simm.s32 $0x6600  }
0x3: {  	s11 =	simm.s32 $0x9800;
	s12 =	simm.s32 $0xCA00;
	s13 =	simm.s32 $0xFC00  }
0x4: {  	s14 =	simm.s32 $0x12E00;
	s15 =	simm.s32 $0x16000;
	s16 =	simm.s32 $0x19200  }
0x5: {  	s17 =	simm.s32 $0x1;
	s3 =	sand.u32 $0x1, s1;
	s1 =	rddreg [dreg:$0x1]  }
0x6: {  	s18 =	simm.s32 $0x0;
	s30 =	sshll.u32 s0, $0x1;
	[smem:$0x7FF] =	sst s2  }
0x7: {  	s6 =	smul.u32 $0x4E200, s0;
	s5 =	sor.u32 s3, s30;
	_ =	strace $0x8000004D  }
0x8: {  	s7 =	ssub.s32 $0x2, s3;
	s8 =	smul.u32 $0x27100, s3;
	s3 =	sadd.s32 $0x1C800, s4  }
0x9: {  	s5 =	smul.u32 $0x680, s5;
	s6 =	sadd.s32 s6, s4;
	s9 =	sshrl.u32 s7, $0x1  }
0xa: {  	s31 =	ssub.s32 s7, s9;
	s6 =	sadd.s32 s8, s6;
	s7 =	simm.s32 $0x2  }
0xb: {  	s8 =	simm.s32 $0x64;
	s9 =	simm.s32 $0x3400;
	s4 =	sadd.s32 s5, s4  }
0xc: {  	s5 =	smax.u32 s31, $0x1;
	s6 =	sadd.s32 $0x6D400, s6;
	s4 =	sadd.s32 $0xF800, s4  }
.LBB2_1:
0xd: {  	[tilespmem:s2], [sflag:$0x2] =	stream.linear.gather [hbm4b:s4+s2], $0x3200, $0x38;
	[tilespmem:$0x1C400] =	vst v63  }
0xe: {  	_ =	swait.ge [sflag:s7], $0x3200  }
0xf: {  	[sflag:s7] =	ssyncset.done $0x0  }
0x10: {  	s19 =	simm.s32 $0x0;
	[sflag:s7] =	ssyncadd.s32 $0xFFFFCE00  }
0x11: {  	[tilespmem:s9], [sflag:$0x1] =	stream.indirect.gather [hbm4b:s3+s8], $0x80, s19, s8, $0xb8;
	[tilespmem:$0x1C400] =	vst v63  }
0x12: {  	s24 =	simm.s32 $0x80  }
0x13: {  	[tilespmem:s10], [sflag:$0x1] =	stream.indirect.gather [hbm4b:s3+s8], $0x80, s24, s8, $0xb8;
	[tilespmem:$0x1C400] =	vst v63  }
0x14: {  	s25 =	simm.s32 $0x100  }
0x15: {  	[tilespmem:s11], [sflag:$0x1] =	stream.indirect.gather [hbm4b:s3+s8], $0x80, s25, s8, $0xb8;
	[tilespmem:$0x1C400] =	vst v63  }
0x16: {  	s26 =	simm.s32 $0x180  }
0x17: {  	[tilespmem:s12], [sflag:$0x1] =	stream.indirect.gather [hbm4b:s3+s8], $0x80, s26, s8, $0xb8;
	[tilespmem:$0x1C400] =	vst v63  }
0x18: {  	s28 =	simm.s32 $0x200  }
0x19: {  	[tilespmem:s13], [sflag:$0x1] =	stream.indirect.gather [hbm4b:s3+s8], $0x80, s28, s8, $0xb8;
	[tilespmem:$0x1C400] =	vst v63  }
0x1a: {  	s29 =	simm.s32 $0x280  }
0x1b: {  	[tilespmem:s14], [sflag:$0x1] =	stream.indirect.gather [hbm4b:s3+s8], $0x80, s29, s8, $0xb8;
	[tilespmem:$0x1C400] =	vst v63  }
0x1c: {  	s30 =	simm.s32 $0x300  }
0x1d: {  	[tilespmem:s15], [sflag:$0x1] =	stream.indirect.gather [hbm4b:s3+s8], $0x80, s30, s8, $0xb8;
	[tilespmem:$0x1C400] =	vst v63  }
0x1e: {  	s31 =	simm.s32 $0x380  }
0x1f: {  	[tilespmem:s16], [sflag:$0x1] =	stream.indirect.gather [hbm4b:s3+s8], $0x80, s31, s8, $0xb8;
	[tilespmem:$0x1C400] =	vst v63  }
0x20: {  	_ =	swait.ge [sflag:s17], $0x3200  }
0x21: {  	[sflag:s17] =	ssyncset.done $0x0  }
0x22: {  	[sflag:s17] =	ssyncadd.s32 $0xFFFFCE00  }
0x23: {  	_ =	swait.ge [sflag:s17], $0x3200  }
0x24: {  	[sflag:s17] =	ssyncset.done $0x0  }
0x25: {  	[sflag:s17] =	ssyncadd.s32 $0xFFFFCE00  }
0x26: {  	_ =	swait.ge [sflag:s17], $0x3200  }
0x27: {  	[sflag:s17] =	ssyncset.done $0x0  }
0x28: {  	[sflag:s17] =	ssyncadd.s32 $0xFFFFCE00  }
0x29: {  	_ =	swait.ge [sflag:s17], $0x3200  }
0x2a: {  	[sflag:s17] =	ssyncset.done $0x0  }
0x2b: {  	[sflag:s17] =	ssyncadd.s32 $0xFFFFCE00  }
0x2c: {  	_ =	swait.ge [sflag:s17], $0x3200  }
0x2d: {  	[sflag:s17] =	ssyncset.done $0x0  }
0x2e: {  	[sflag:s17] =	ssyncadd.s32 $0xFFFFCE00  }
0x2f: {  	_ =	swait.ge [sflag:s17], $0x3200  }
0x30: {  	[sflag:s17] =	ssyncset.done $0x0  }
0x31: {  	[sflag:s17] =	ssyncadd.s32 $0xFFFFCE00  }
0x32: {  	_ =	swait.ge [sflag:s17], $0x3200  }
0x33: {  	[sflag:s17] =	ssyncset.done $0x0  }
0x34: {  	[sflag:s17] =	ssyncadd.s32 $0xFFFFCE00  }
0x35: {  	_ =	swait.ge [sflag:s17], $0x3200  }
0x36: {  	[sflag:s17] =	ssyncset.done $0x0  }
0x37: {  	[sflag:s17] =	ssyncadd.s32 $0xFFFFCE00  }
0x38: {  	[hbm4b:s6+s2] =	stream.linear.scatter [tilespmem:s9], [sflag:$0x2], $0x19000, $0x38;
	[tilespmem:$0x1C400] =	vst v63  }
0x39: {  	s20 =	simm.s32 $0x1000;
	_ =	swait.ge [sflag:s7], $0x19000  }
0x3a: {  	s22 =	simm.s32 $0x2000;
	s19 =	sadd.s32 $0x3200, s6;
	[sflag:s7] =	ssyncset.done $0x0  }
.LBB2_2:
0x3b: {  	s23 =	sshra.s32 s20, $0x2  }
0x3c: {  	[sflag:s7] =	ssyncadd.s32 $0xFFFE7000;
	s20 =	smov.u32 s22;
	s21 =	sadd.s32 $0x1000, s22  }
0x3d: {  	[tilespmem:s9], [sflag:$0x1] =	stream.indirect.gather [hbm4b:s3+s8], $0x80, s23, s8, $0xb8;
	[tilespmem:$0x1C400] =	vst v63  }
0x3e: {  	p0 =	sne.s32 s22, $0xB000;
	s22 =	sadd.s32 $0x80, s23  }
0x3f: {  	[tilespmem:s10], [sflag:$0x1] =	stream.indirect.gather [hbm4b:s3+s8], $0x80, s22, s8, $0xb8;
	[tilespmem:$0x1C400] =	vst v63  }
0x40: {  	s22 =	sadd.s32 $0x100, s23  }
0x41: {  	[tilespmem:s11], [sflag:$0x1] =	stream.indirect.gather [hbm4b:s3+s8], $0x80, s22, s8, $0xb8;
	[tilespmem:$0x1C400] =	vst v63  }
0x42: {  	s22 =	sadd.s32 $0x180, s23  }
0x43: {  	[tilespmem:s12], [sflag:$0x1] =	stream.indirect.gather [hbm4b:s3+s8], $0x80, s22, s8, $0xb8;
	[tilespmem:$0x1C400] =	vst v63  }
0x44: {  	s22 =	sadd.s32 $0x200, s23  }
0x45: {  	[tilespmem:s13], [sflag:$0x1] =	stream.indirect.gather [hbm4b:s3+s8], $0x80, s22, s8, $0xb8;
	[tilespmem:$0x1C400] =	vst v63  }
0x46: {  	s22 =	sadd.s32 $0x280, s23  }
0x47: {  	[tilespmem:s14], [sflag:$0x1] =	stream.indirect.gather [hbm4b:s3+s8], $0x80, s22, s8, $0xb8;
	[tilespmem:$0x1C400] =	vst v63  }
0x48: {  	s22 =	sadd.s32 $0x300, s23  }
0x49: {  	[tilespmem:s15], [sflag:$0x1] =	stream.indirect.gather [hbm4b:s3+s8], $0x80, s22, s8, $0xb8;
	[tilespmem:$0x1C400] =	vst v63  }
0x4a: {  	s22 =	sadd.s32 $0x380, s23  }
0x4b: {  	[tilespmem:s16], [sflag:$0x1] =	stream.indirect.gather [hbm4b:s3+s8], $0x80, s22, s8, $0xb8;
	[tilespmem:$0x1C400] =	vst v63  }
0x4c: {  	_ =	swait.ge [sflag:s17], $0x3200  }
0x4d: {  	[sflag:s17] =	ssyncset.done $0x0  }
0x4e: {  	[sflag:s17] =	ssyncadd.s32 $0xFFFFCE00  }
0x4f: {  	_ =	swait.ge [sflag:s17], $0x3200  }
0x50: {  	[sflag:s17] =	ssyncset.done $0x0  }
0x51: {  	[sflag:s17] =	ssyncadd.s32 $0xFFFFCE00  }
0x52: {  	_ =	swait.ge [sflag:s17], $0x3200  }
0x53: {  	[sflag:s17] =	ssyncset.done $0x0  }
0x54: {  	[sflag:s17] =	ssyncadd.s32 $0xFFFFCE00  }
0x55: {  	_ =	swait.ge [sflag:s17], $0x3200  }
0x56: {  	[sflag:s17] =	ssyncset.done $0x0  }
0x57: {  	[sflag:s17] =	ssyncadd.s32 $0xFFFFCE00  }
0x58: {  	_ =	swait.ge [sflag:s17], $0x3200  }
0x59: {  	[sflag:s17] =	ssyncset.done $0x0  }
0x5a: {  	[sflag:s17] =	ssyncadd.s32 $0xFFFFCE00  }
0x5b: {  	_ =	swait.ge [sflag:s17], $0x3200  }
0x5c: {  	[sflag:s17] =	ssyncset.done $0x0  }
0x5d: {  	[sflag:s17] =	ssyncadd.s32 $0xFFFFCE00  }
0x5e: {  	_ =	swait.ge [sflag:s17], $0x3200  }
0x5f: {  	[sflag:s17] =	ssyncset.done $0x0  }
0x60: {  	[sflag:s17] =	ssyncadd.s32 $0xFFFFCE00  }
0x61: {  	_ =	swait.ge [sflag:s17], $0x3200  }
.Ltmp0:
0x62: {  	[sflag:s17] =	ssyncset.done $0x0;
	(pc) =	sbr.rel @p0 .LBB2_2-.Ltmp0, $4  }
0x63: {  	[sflag:s17] =	ssyncadd.s32 $0xFFFFCE00  }
0x64: {  	[hbm4b:s19+s2] =	stream.linear.scatter [tilespmem:s9], [sflag:$0x2], $0x19000, $0x38;
	[tilespmem:$0x1C400] =	vst v63  }
0x65: {  	_ =	swait.ge [sflag:s7], $0x19000  }
0x66: {  	s22 =	smov.u32 s21;
	s19 =	sadd.s32 $0x3200, s19;
	[sflag:s7] =	ssyncset.done $0x0  }
0x67: {  	s20 =	sshra.s32 s20, $0x2;
	[sflag:s7] =	ssyncadd.s32 $0xFFFE7000  }
0x68: {  	[tilespmem:s9], [sflag:$0x1] =	stream.indirect.gather [hbm4b:s3+s8], $0x80, s20, s8, $0xb8;
	[tilespmem:$0x1C400] =	vst v63  }
0x69: {  	s21 =	sadd.s32 $0x80, s20  }
0x6a: {  	[tilespmem:s10], [sflag:$0x1] =	stream.indirect.gather [hbm4b:s3+s8], $0x80, s21, s8, $0xb8;
	[tilespmem:$0x1C400] =	vst v63  }
0x6b: {  	s26 =	sadd.s32 $0x100, s20  }
0x6c: {  	[tilespmem:s11], [sflag:$0x1] =	stream.indirect.gather [hbm4b:s3+s8], $0x80, s26, s8, $0xb8;
	[tilespmem:$0x1C400] =	vst v63  }
0x6d: {  	s28 =	sadd.s32 $0x180, s20  }
0x6e: {  	[tilespmem:s12], [sflag:$0x1] =	stream.indirect.gather [hbm4b:s3+s8], $0x80, s28, s8, $0xb8;
	[tilespmem:$0x1C400] =	vst v63  }
0x6f: {  	s29 =	sadd.s32 $0x200, s20  }
0x70: {  	[tilespmem:s13], [sflag:$0x1] =	stream.indirect.gather [hbm4b:s3+s8], $0x80, s29, s8, $0xb8;
	[tilespmem:$0x1C400] =	vst v63  }
0x71: {  	s30 =	sadd.s32 $0x280, s20  }
0x72: {  	[tilespmem:s14], [sflag:$0x1] =	stream.indirect.gather [hbm4b:s3+s8], $0x80, s30, s8, $0xb8;
	[tilespmem:$0x1C400] =	vst v63  }
0x73: {  	s31 =	sadd.s32 $0x300, s20  }
0x74: {  	[tilespmem:s15], [sflag:$0x1] =	stream.indirect.gather [hbm4b:s3+s8], $0x80, s31, s8, $0xb8;
	[tilespmem:$0x1C400] =	vst v63  }
0x75: {  	s20 =	sadd.s32 $0x380, s20  }
0x76: {  	[tilespmem:s16], [sflag:$0x1] =	stream.indirect.gather [hbm4b:s3+s8], $0x80, s20, s8, $0xb8;
	[tilespmem:$0x1C400] =	vst v63  }
0x77: {  	_ =	swait.ge [sflag:s17], $0x3200  }
0x78: {  	[sflag:s17] =	ssyncset.done $0x0  }
0x79: {  	[sflag:s17] =	ssyncadd.s32 $0xFFFFCE00  }
0x7a: {  	_ =	swait.ge [sflag:s17], $0x3200  }
0x7b: {  	[sflag:s17] =	ssyncset.done $0x0  }
0x7c: {  	[sflag:s17] =	ssyncadd.s32 $0xFFFFCE00  }
0x7d: {  	_ =	swait.ge [sflag:s17], $0x3200  }
0x7e: {  	[sflag:s17] =	ssyncset.done $0x0  }
0x7f: {  	[sflag:s17] =	ssyncadd.s32 $0xFFFFCE00  }
0x80: {  	_ =	swait.ge [sflag:s17], $0x3200  }
0x81: {  	[sflag:s17] =	ssyncset.done $0x0  }
0x82: {  	[sflag:s17] =	ssyncadd.s32 $0xFFFFCE00  }
0x83: {  	_ =	swait.ge [sflag:s17], $0x3200  }
0x84: {  	[sflag:s17] =	ssyncset.done $0x0  }
0x85: {  	[sflag:s17] =	ssyncadd.s32 $0xFFFFCE00  }
0x86: {  	_ =	swait.ge [sflag:s17], $0x3200  }
0x87: {  	[sflag:s17] =	ssyncset.done $0x0  }
0x88: {  	[sflag:s17] =	ssyncadd.s32 $0xFFFFCE00  }
0x89: {  	_ =	swait.ge [sflag:s17], $0x3200  }
0x8a: {  	[sflag:s17] =	ssyncset.done $0x0  }
0x8b: {  	[sflag:s17] =	ssyncadd.s32 $0xFFFFCE00  }
0x8c: {  	s18 =	sadd.s32 $0x1, s18;
	_ =	swait.ge [sflag:s17], $0x3200  }
0x8d: {  	p0 =	sne.s32 s18, s5;
	[sflag:s17] =	ssyncset.done $0x0  }
.Ltmp1:
0x8e: {  	[sflag:s17] =	ssyncadd.s32 $0xFFFFCE00;
	(pc) =	sbr.rel @p0 .LBB2_1-.Ltmp1, $4  }
0x8f: {  	[hbm4b:s19+s2] =	stream.linear.scatter [tilespmem:s9], [sflag:$0x2], $0x19000, $0x38;
	[tilespmem:$0x1C400] =	vst v63  }
0x90: {  	_ =	swait.ge [sflag:s7], $0x19000  }
0x91: {  	[sflag:s7] =	ssyncset.done $0x0  }
0x92: {  	[sflag:s7] =	ssyncadd.s32 $0xFFFE7000  }
0x93: {  	_ =	sfence.sel $0x180000  }
0x94: {  	[bflag:$0x0] =	sbarrier.arrive $0xFFFF  }
0x95: {  	p0 =	sne.s32 s0, $0x0;
	_ =	strace $0x9000004D  }
0x96: {  	s0 =	sadd.s32 @!p0 $0x100000, s1;
	[bflag:$0x2] =	sbarrier.arrive $0xFFFF  }
0x97: {  	[sflag:s0] =	ssyncadd.tile.s32 @!p0 $0x1;
	_ =	shalt  }
.Lfunc_end2:
_tile_overlayer_lowered:
.L_overlay_start_2:
0x98: {  	(tag) =	ssettag $0x2  }
0x99: {  	s0 =	rddreg [dreg:$0x0];
	s2 =	stileid.u32  }
0x9a: {  	s1 =	rddreg [dreg:$0x1];
	p0 =	sne.s32 s2, $0x0  }
0x9b: {  	s3 =	rddreg [dreg:$0x2];
	[bflag:$0x3] =	sbarrier.arrive $0xFFFF;
	s2 =	simm.s32 @!p0 $0x1C02  }
0x9c: {  	[timem:s3], [sflag:s2] =	dma.local @!p0 [hbm:s0], s1  }
0x9d: {  	s0 =	simm.s32 @!p0 $0x2  }
0x9e: {  	_ =	swait.ge @!p0 [sflag:s0], s1  }
0x9f: {  	s1 =	ssub.s32 @!p0 $0x0, s1;
	[sflag:s0] =	ssyncset.done @!p0 $0x0  }
0xa0: {  	[sflag:s0] =	ssyncadd.s32 @!p0 s1  }
0xa1: {  	[bflag:$0x3] =	sbarrier.arrive $0xFFFF  }
0xa2: {  	_ =	shalt  }

// kernel: kernel.23.cloned.1.call-start
scs
__scs_entry_jumppad:
0x0: {  	(pc) =	sbr.rel $0x88, $3  }
0x1: {  	(tag) =	ssettag $0x0;
	lr =	simm.s32 $0x1  }
0x2: {  	[smem:$0x3F73] =	sst lr;
	_ =	strace $0xD0000000  }
0x3: {  	_ = 	snop  }
0x4: {  	_ = 	snop  }
0x5: {  	_ = 	snop  }
0x6: {  	_ = 	snop  }
0x7: {  	_ = 	snop  }
__scs_overlays_trampoline_lowered:
0x8: {  	[smem:$0x3F82] =	sst s0  }
0x9: {  	[smem:$0x3F83] =	sst s1  }
0xa: {  	[smem:$0x3F84] =	sst s2  }
0xb: {  	[smem:$0x3F85] =	sst s3  }
0xc: {  	[smem:$0x3F86] =	sst s4  }
0xd: {  	[smem:$0x3F87] =	sst s5  }
0xe: {  	[smem:$0x3F88] =	sst s6  }
0xf: {  	[smem:$0x3F89] =	sst s7  }
0x10: {  	[smem:$0x3F8A] =	sst s8  }
0x11: {  	[smem:$0x3F8B] =	sst s9;
	s0 =	simm.s32 @!p0 $0x0  }
0x12: {  	s1 =	sld [smem:$0x3F71];
	s0 =	simm.s32 @p0 $0x1  }
0x13: {  	[smem:$0x3F8C] =	sst s0;
	s0 =	simm.s32 @!p1 $0x0  }
0x14: {  	s2 =	sld [smem:$0x3F70];
	s0 =	simm.s32 @p1 $0x1  }
0x15: {  	[smem:$0x3F8D] =	sst s0;
	s0 =	simm.s32 @!p2 $0x0  }
0x16: {  	s3 =	sld [smem:$0x3FDB];
	s0 =	simm.s32 @p2 $0x1  }
0x17: {  	s4 =	simm.s32 $0x1BF5;
	[smem:$0x3F8F] =	sst s0  }
0x18: {  	s0 =	sld [smem:$0x3F72];
	_ =	swait.ge [sflag:s4], $0x0  }
0x19: {  	s7 =	sld [smem:$0x3F73]  }
0x1a: {  	s8 =	sadd.s32 $0xFFFFE003, lr  }
0x1b: {  	s9 =	sadd.s32 $0xFFFFFEF7, lr;
	s5 =	simm.s32 $0xFFFFFFFF;
	p2 =	slt.u32 s8, $0xFFFFF086  }
0x1c: {  	p1 =	slt.u32 s9, $0xF7A;
	s5 =	simm.s32 @!p2 $0x0  }
0x1d: {  	s5 =	simm.s32 @p1 $0x1;
	p0 =	seq.s32 s7, s2  }
0x1e: {  	s7 =	smul.u32 @!p0 $0xF7A, s2;
	p2 =	seq.s32 @!p0 s5, $0x0  }
0x1f: {  	s9 =	smul.u32 $0xF7A, s1;
	s8 =	simm.s32 @!p0 $0x1BF5;
	p2 =	por !p2, p0  }
0x20: {  	[sflag:s8] =	ssyncset.s32 @!p0 $0xFFFFF086;
	s6 =	sadd.s32 @!p0 s3, s7;
	s7 =	simm.s32 @!p0 $0x108  }
0x21: {  	s3 =	sadd.s32 s3, s9;
	s6 =	sadd.s32 @!p0 $0x88, s6;
	s7 =	simm.s32 @p2 $0x1082  }
0x22: {  	[simem:s7], [sflag:s8] =	dma.local @!p0 [hbm:s6], $0xF7A  }
0x23: {  	s9 =	sor.u32 $0xD0000000, s2;
	s6 =	simm.s32 $0x108;
	_ =	swait.ge @!p0 [sflag:s8], $0x0  }
0x24: {  	s3 =	sadd.s32 $0x88, s3;
	s6 =	simm.s32 @!p1 $0x1082;
	[sflag:s4] =	ssyncset.s32 $0xFFFFF086  }
0x25: {  	[simem:s6], [sflag:s4] =	dma.local [hbm:s3], $0xF7A  }
0x26: {  	[smem:$0x3F73] =	sst s1;
	(tag) =	ssettag s2;
	_ =	strace s9  }
0x27: {  	s1 =	sld [smem:$0x3F83]  }
0x28: {  	s2 =	sld [smem:$0x3F84]  }
0x29: {  	s4 =	sld [smem:$0x3F86]  }
0x2a: {  	p0 =	seq.s32 s5, $0x0;
	s5 =	sld [smem:$0x3F87]  }
0x2b: {  	s6 =	sld [smem:$0x3F88]  }
0x2c: {  	s7 =	sld [smem:$0x3F89]  }
0x2d: {  	s3 =	simm.s32 $0x108;
	s8 =	sld [smem:$0x3F8A]  }
0x2e: {  	s3 =	simm.s32 @!p0 $0x1082;
	s9 =	sld [smem:$0x3F8B]  }
0x2f: {  	lr =	sadd.s32 s0, s3;
	s0 =	sld [smem:$0x3F82]  }
0x30: {  	s3 =	sld [smem:$0x3F85]  }
0x31: {  	[smem:$0x3F8E] =	sst s10  }
0x32: {  	s10 =	sld [smem:$0x3F8C];
	_ =	sdelay $0x3  }
0x33: {  	p0 =	seq.s32 s10, $0x1;
	s10 =	sld [smem:$0x3F8E];
	_ =	sdelay $0x3  }
0x34: {  	[smem:$0x3F8E] =	sst s10  }
0x35: {  	s10 =	sld [smem:$0x3F8D];
	_ =	sdelay $0x3  }
0x36: {  	p1 =	seq.s32 s10, $0x1;
	s10 =	sld [smem:$0x3F8E];
	_ =	sdelay $0x3  }
0x37: {  	[smem:$0x3F8E] =	sst s10  }
0x38: {  	s10 =	sld [smem:$0x3F8F]  }
0x39: {  	_ = 	snop;
	(pc) =	sbr.ind lr, $3  }
0x3a: {  	_ = 	snop  }
0x3b: {  	_ = 	snop  }
0x3c: {  	p2 =	seq.s32 s10, $0x1;
	s10 =	sld [smem:$0x3F8E]  }
0x3d: {  	_ =	shalt  }
0x3e: {  	_ =	shalt  }
0x3f: {  	_ =	shalt  }
0x40: {  	_ =	shalt  }
0x41: {  	_ =	shalt  }
0x42: {  	_ =	shalt  }
0x43: {  	_ =	shalt  }
0x44: {  	_ =	shalt  }
0x45: {  	_ =	shalt  }
0x46: {  	_ =	shalt  }
0x47: {  	_ =	shalt  }
0x48: {  	_ =	shalt  }
0x49: {  	_ =	shalt  }
0x4a: {  	_ =	shalt  }
0x4b: {  	_ =	shalt  }
0x4c: {  	_ =	shalt  }
0x4d: {  	_ =	shalt  }
0x4e: {  	_ =	shalt  }
0x4f: {  	_ =	shalt  }
0x50: {  	_ =	shalt  }
0x51: {  	_ =	shalt  }
0x52: {  	_ =	shalt  }
0x53: {  	_ =	shalt  }
0x54: {  	_ =	shalt  }
0x55: {  	_ =	shalt  }
0x56: {  	_ =	shalt  }
0x57: {  	_ =	shalt  }
0x58: {  	_ =	shalt  }
0x59: {  	_ =	shalt  }
0x5a: {  	_ =	shalt  }
0x5b: {  	_ =	shalt  }
0x5c: {  	_ =	shalt  }
0x5d: {  	_ =	shalt  }
0x5e: {  	_ =	shalt  }
0x5f: {  	_ =	shalt  }
0x60: {  	_ =	shalt  }
0x61: {  	_ =	shalt  }
0x62: {  	_ =	shalt  }
0x63: {  	_ =	shalt  }
0x64: {  	_ =	shalt  }
0x65: {  	_ =	shalt  }
0x66: {  	_ =	shalt  }
0x67: {  	_ =	shalt  }
0x68: {  	_ =	shalt  }
0x69: {  	_ =	shalt  }
0x6a: {  	_ =	shalt  }
0x6b: {  	_ =	shalt  }
0x6c: {  	_ =	shalt  }
0x6d: {  	_ =	shalt  }
0x6e: {  	_ =	shalt  }
0x6f: {  	_ =	shalt  }
0x70: {  	_ =	shalt  }
0x71: {  	_ =	shalt  }
0x72: {  	_ =	shalt  }
0x73: {  	_ =	shalt  }
0x74: {  	_ =	shalt  }
0x75: {  	_ =	shalt  }
0x76: {  	_ =	shalt  }
0x77: {  	_ =	shalt  }
0x78: {  	_ =	shalt  }
0x79: {  	_ =	shalt  }
0x7a: {  	_ =	shalt  }
0x7b: {  	_ =	shalt  }
0x7c: {  	_ =	shalt  }
0x7d: {  	_ =	shalt  }
0x7e: {  	_ =	shalt  }
0x7f: {  	_ =	shalt  }
0x80: {  	_ =	shalt  }
0x81: {  	_ =	shalt  }
0x82: {  	_ =	shalt  }
0x83: {  	_ =	shalt  }
0x84: {  	_ =	shalt  }
0x85: {  	_ =	shalt  }
0x86: {  	_ =	shalt  }
0x87: {  	_ =	shalt  }
.Lfunc_end0:
.L_simem_size_0:
called_computation.3_lowered:
.L_overlay_start_0:
0x88: {  	s2 =	sld [smem:$0x3FD9]  }
0x89: {  	s3 =	sld [smem:$0x3FFE];
	_ =	sdelay $0x1  }
0x8a: {  	s1 =	srdreg.scid  }
0x8b: {  	s0 =	sand.u32 $0x1, s1  }
0x8c: {  	s16 =	sshll.u32 s0, $0xA;
	s2 =	sadd.s32 s3, s2  }
0x8d: {  	s2 =	sadd.s32 s2, s16  }
0x8e: {  	[smem:$0x3F9A] =	sst s2  }
0x8f: {  	_ = 	snop  }
0x90: {  	(tm) =	ssettm $0x1  }
0x91: {  	s17 =	sld [smem:$0x3FFB];
	_ =	sdelay $0x3  }
0x92: {  	_ =	strace s17  }
0x93: {  	s2 =	sld [smem:$0x3FFC];
	_ =	sdelay $0x3  }
0x94: {  	_ =	strace s2  }
0x95: {  	s2 =	sld [smem:$0x3FFD];
	_ =	sdelay $0x3  }
0x96: {  	_ =	strace s2  }
0x97: {  	_ =	strace $0x8FFFFFFF  }
0x98: {  	s18 =	sld [smem:$0x3FDB];
	_ =	sdelay $0x1  }
0x99: {  	s19 =	simm.s32 $_scs_section_size  }
0x9a: {  	s4 =	simm.s32 $_size__tile_overlayer_lowered;
	s5 =	simm.s32 $_tile_overlayer_lowered  }
0x9b: {  	s22 =	simm.s32 $0x1BFF;
	s21 =	sshll.u32 s5, $0x1;
	s2 =	sadd.s32 s19, s18  }
0x9c: {  	s6 =	simm.s32 $0x0;
	s20 =	sshll.u32 s4, $0x1;
	s4 =	sadd.s32 s21, s2  }
0x9d: {  	[timem:s6], [sflag:s22] =	dma.local [hbm:s4], s20  }
0x9e: {  	_ =	swait.ge [sflag:s22], s20  }
0x9f: {  	s3 =	ssub.s32 $0x0, s20;
	[sflag:s22] =	ssyncset.done $0x0  }
0xa0: {  	[sflag:s22] =	ssyncadd.s32 s3;
	_ =	sdelay $0x1  }
0xa1: {  	s23 =	simm.s32 $0x1B8B  }
0xa2: {  	_ =	swait.ge [sflag:s23], $0x1  }
0xa3: {  	[sflag:s23] =	ssyncset.done $0x0  }
0xa4: {  	s25 =	simm.s32 $0x1B8E;
	s24 =	sld [smem:$0x3FFE];
	[sflag:s23] =	ssyncadd.s32 $0xFFFFFFFF  }
0xa5: {  	s26 =	simm.s32 $execute0_lowered;
	[smem:$0x3FD2] =	sst s25  }
0xa6: {  	s4 =	sshll.u32 s26, $0x1;
	_ =	strace $0x8000004F;
	[dreg:$0x1] =	wrdreg $0xFFFFFFFF  }
0xa7: {  	s28 =	simm.s32 $_size_execute0_lowered;
	s2 =	sadd.s32 s2, s4;
	[dreg:$0x0] =	wrdreg $0x0  }
0xa8: {  	s4 =	sshll.u32 s28, $0x1;
	[dreg:$0x2] =	wrdreg s2  }
0xa9: {  	[dreg:$0x3] =	wrdreg s4  }
0xaa: {  	[dreg:$0x4] =	wrdreg $0xC0  }
0xab: {  	_ =	task [dreg:s6], $0x5FFFF  }
0xac: {  	[dreg:$0x1] =	wrdreg $0xFFFFFFFF  }
0xad: {  	[dreg:$0x0] =	wrdreg $0x60  }
0xae: {  	[dreg:$0x2] =	wrdreg s24  }
0xaf: {  	[dreg:$0x3] =	wrdreg $0x0  }
0xb0: {  	[dreg:$0x4] =	wrdreg $0x9  }
0xb1: {  	_ =	task.clear_ibuf [dreg:s6], $0x5FFFF;
	_ =	strace $0x9000004F  }
0xb2: {  	s29 =	simm.s32 $0x9;
	_ =	strace $0x80000051  }
0xb3: {  	_ =	swait.ge [sflag:s29], $0x1  }
0xb4: {  	[sflag:s29] =	ssyncadd.s32 $0xFFFFFFFF  }
0xb5: {  	_ =	strace $0x90000051  }
0xb6: {  	_ =	sfence  }
0xb7: {  	s30 =	sld [smem:$0x0];
	_ =	sdelay $0x2  }
0xb8: {  	s31 =	sshll.u32 s1, $0xD;
	s1 =	sshrl.u32 s1, $0x2  }
0xb9: {  	s3 =	sand.u32 $0x4000, s31;
	s1 =	sadd.s32 s1, s30  }
0xba: {  	s0 =	sor.u32 s3, s0;
	s1 =	sshll.u32 s1, $0x11  }
0xbb: {  	s0 =	sor.u32 s1, s0  }
0xbc: {  	s0 =	sadd.s32 $0x8F2B, s0  }
0xbd: {  	[sflag:s0] =	ssyncadd.remote.s32 $0x1  }
0xbe: {  	_ =	sfence.sel $0xFFFF  }
0xbf: {  	[dreg:$0x0] =	wrdreg $0xFFFFFFFF;
	(pc) =	sbr.abs _section_cstart, $3  }
0xc0: {  	[dreg:$0x1] =	wrdreg $0xFFFFFFFF  }
0xc1: {  	_ =	task.clear_ibuf [dreg:s6], $0x2FFFF;
	_ =	strace $0x9FFFFFFF  }
0xc2: {  	(tm) =	ssettm $0x7FFFFFFF  }
0xc3: {  	_ =	shalt  }
tec
execute0_lowered:
.L_overlay_start_1:
0x0: {  	(tag) =	ssettag $0x1  }
0x1: {  	s8 =	rddreg [dreg:$0x0]  }
0x2: {  	s2 =	rddreg [dreg:$0x1];
	s1 =	stileid.u32  }
0x3: {  	s3 =	srdreg.scid;
	s0 =	rddreg [dreg:$0x2];
	s15 =	simm.s32 $0x1A600  }
0x4: {  	s16 =	simm.s32 $0x0;
	s6 =	sand.u32 $0x1, s3;
	s5 =	smul.u32 $0x4E200, s1  }
0x5: {  	s4 =	sshll.u32 s1, $0x1;
	s3 =	simm.s32 $0x0;
	s30 =	smul.u32 $0x50000, s1  }
0x6: {  	s12 =	sshll.u32 s1, $0x6;
	s14 =	smul.u32 $0x2800, s1;
	s4 =	sor.u32 s6, s4  }
0x7: {  	[smem:$0x7FF] =	sst s3;
	s10 =	ssub.s32 $0x2, s6;
	s13 =	smul.u32 $0x27100, s6  }
0x8: {  	p0 =	seq.s32 s6, $0x1;
	s4 =	smul.u32 $0x680, s4;
	_ =	strace $0x80000050  }
0x9: {  	s9 =	sadd.s32 s5, s8;
	s11 =	sshrl.u32 s10, $0x1;
	s5 =	sshrl.u32 s30, $0x2  }
0xa: {  	s10 =	ssub.s32 s10, s11;
	s31 =	sadd.s32 s5, s2;
	s5 =	sor.u32 $0x1C01, s12  }
0xb: {  	s12 =	simm.s32 $0x95400;
	s9 =	sadd.s32 s13, s9;
	s11 =	simm.s32 $0x1  }
0xc: {  	s13 =	simm.s32 $0x17400;
	s7 =	sadd.s32 s4, s8;
	s4 =	sadd.s32 $0x6AC00, s8  }
0xd: {  	s12 =	simm.s32 @!p0 $0x6D400;
	s9 =	sadd.s32 $0x54F400, s9;
	s6 =	sadd.s32 $0xF800, s7  }
0xe: {  	s7 =	smax.u32 s10, $0x1;
	s8 =	sadd.s32 s12, s8;
	s10 =	sshrl.u32 s31, $0x3  }
0xf: {  	s12 =	simm.s32 $0x14000;
	s8 =	sadd.s32 s8, s14;
	s14 =	simm.s32 $0x64  }
.LBB2_1:
0x10: {  	[spmem:s10], [sflag:s5] =	dma.local [hbm:s4], $0x2800  }
0x11: {  	_ =	swait.ge [sflag:s11], $0x2800  }
0x12: {  	[sflag:s11] =	ssyncset.done $0x0  }
0x13: {  	[sflag:s11] =	ssyncadd.s32 $0xFFFFD800  }
0x14: {  	[tilespmem:s12], [sflag:$0x1] =	stream.linear.gather [hbm4b:s6+s3], $0x3200, $0x38;
	[tilespmem:$0x1D800] =	vst v63  }
0x15: {  	_ =	swait.ge [sflag:s11], $0x3200  }
0x16: {  	[sflag:s11] =	ssyncset.done $0x0  }
0x17: {  	[sflag:s11] =	ssyncadd.s32 $0xFFFFCE00  }
0x18: {  	s17 =	sadd.s32 $0x0, s9;
	[bflag:$0x0] =	sbarrier.arrive $0xFFFF  }
0x19: {  	[tilespmem:s13], [sflag:$0x1] =	stream.linear.gather [hbm4b:s17+s3], $0x6400, $0x38;
	[tilespmem:$0x1D800] =	vst v63  }
0x1a: {  	_ =	swait.ge [sflag:s11], $0x6400  }
0x1b: {  	[sflag:s11] =	ssyncset.done $0x0  }
0x1c: {  	s30 =	simm.s32 $0x14000;
	[sflag:s11] =	ssyncadd.s32 $0xFFFF9C00  }
0x1d: {  	[spmem:s2] =	stream.indirect.scatter.add.f32 [tilespmem:s13], [sflag:$0x1], $0x80, s30, s14, $0xb8;
	[tilespmem:$0x1D800] =	vst v63  }
0x1e: {  	_ =	swait.ge [sflag:s11], $0x3200  }
0x1f: {  	[sflag:s11] =	ssyncset.done $0x0  }
0x20: {  	s31 =	simm.s32 $0x14080;
	[sflag:s11] =	ssyncadd.s32 $0xFFFFCE00  }
0x21: {  	[spmem:s2] =	stream.indirect.scatter.add.f32 [tilespmem:s15], [sflag:$0x1], $0x80, s31, s14, $0xb8;
	[tilespmem:$0x1D800] =	vst v63  }
0x22: {  	s18 =	simm.s32 $0xC80;
	_ =	swait.ge [sflag:s11], $0x3200  }
0x23: {  	s19 =	simm.s32 $0x1900;
	s17 =	simm.s32 $0x14180;
	[sflag:s11] =	ssyncset.done $0x0  }
.LBB2_2:
0x24: {  	s20 =	sadd.s32 s18, s9  }
0x25: {  	[sflag:s11] =	ssyncadd.s32 $0xFFFFCE00;
	s18 =	smov.u32 s19;
	s21 =	sadd.s32 $0xC80, s19  }
0x26: {  	[tilespmem:s13], [sflag:$0x1] =	stream.linear.gather [hbm4b:s20+s3], $0x6400, $0x38;
	[tilespmem:$0x1D800] =	vst v63  }
0x27: {  	p0 =	sne.s32 s19, $0x26480;
	_ =	swait.ge [sflag:s11], $0x6400  }
0x28: {  	[sflag:s11] =	ssyncset.done $0x0  }
0x29: {  	s19 =	sadd.s32 $0xFFFFFF80, s17;
	[sflag:s11] =	ssyncadd.s32 $0xFFFF9C00  }
0x2a: {  	[spmem:s2] =	stream.indirect.scatter.add.f32 [tilespmem:s13], [sflag:$0x1], $0x80, s19, s14, $0xb8;
	[tilespmem:$0x1D800] =	vst v63  }
0x2b: {  	_ =	swait.ge [sflag:s11], $0x3200  }
.Ltmp0:
0x2c: {  	[sflag:s11] =	ssyncset.done $0x0;
	(pc) =	sbr.rel @p0 .LBB2_2-.Ltmp0, $4  }
0x2d: {  	[sflag:s11] =	ssyncadd.s32 $0xFFFFCE00  }
0x2e: {  	[spmem:s2] =	stream.indirect.scatter.add.f32 [tilespmem:s15], [sflag:$0x1], $0x80, s17, s14, $0xb8;
	[tilespmem:$0x1D800] =	vst v63  }
0x2f: {  	_ =	swait.ge [sflag:s11], $0x3200  }
0x30: {  	s19 =	smov.u32 s21;
	s17 =	sadd.s32 $0x100, s17;
	[sflag:s11] =	ssyncset.done $0x0  }
0x31: {  	s18 =	sadd.s32 s18, s9;
	[sflag:s11] =	ssyncadd.s32 $0xFFFFCE00  }
0x32: {  	[tilespmem:s13], [sflag:$0x1] =	stream.linear.gather [hbm4b:s18+s3], $0x6400, $0x38;
	[tilespmem:$0x1D800] =	vst v63  }
0x33: {  	_ =	swait.ge [sflag:s11], $0x6400  }
0x34: {  	[sflag:s11] =	ssyncset.done $0x0  }
0x35: {  	s31 =	sadd.s32 $0xFFFFFF80, s17;
	[sflag:s11] =	ssyncadd.s32 $0xFFFF9C00  }
0x36: {  	[spmem:s2] =	stream.indirect.scatter.add.f32 [tilespmem:s13], [sflag:$0x1], $0x80, s31, s14, $0xb8;
	[tilespmem:$0x1D800] =	vst v63  }
0x37: {  	_ =	swait.ge [sflag:s11], $0x3200  }
0x38: {  	[sflag:s11] =	ssyncset.done $0x0  }
0x39: {  	[sflag:s11] =	ssyncadd.s32 $0xFFFFCE00  }
0x3a: {  	[spmem:s2] =	stream.indirect.scatter.add.f32 [tilespmem:s15], [sflag:$0x1], $0x80, s17, s14, $0xb8;
	[tilespmem:$0x1D800] =	vst v63  }
0x3b: {  	_ =	swait.ge [sflag:s11], $0x3200  }
0x3c: {  	s16 =	sadd.s32 $0x1, s16;
	[sflag:s11] =	ssyncset.done $0x0  }
0x3d: {  	p0 =	sne.s32 s16, s7;
	[sflag:s11] =	ssyncadd.s32 $0xFFFFCE00  }
.Ltmp1:
0x3e: {  	[bflag:$0x0] =	sbarrier.arrive $0xFFFF;
	(pc) =	sbr.rel @p0 .LBB2_1-.Ltmp1, $4  }
0x3f: {  	[hbm:s8], [sflag:s5] =	dma.local [spmem:s10], $0x2800  }
0x40: {  	_ =	swait.ge [sflag:s11], $0x2800  }
0x41: {  	[sflag:s11] =	ssyncset.done $0x0  }
0x42: {  	[sflag:s11] =	ssyncadd.s32 $0xFFFFD800  }
0x43: {  	_ =	sfence.sel $0x180000  }
0x44: {  	[bflag:$0x0] =	sbarrier.arrive $0xFFFF  }
0x45: {  	p0 =	sne.s32 s1, $0x0;
	_ =	strace $0x90000050  }
0x46: {  	s0 =	sadd.s32 @!p0 $0x100000, s0;
	[bflag:$0x2] =	sbarrier.arrive $0xFFFF  }
0x47: {  	[sflag:s0] =	ssyncadd.tile.s32 @!p0 $0x1;
	_ =	shalt  }
.Lfunc_end2:
_tile_overlayer_lowered:
.L_overlay_start_2:
0x48: {  	(tag) =	ssettag $0x2  }
0x49: {  	s0 =	rddreg [dreg:$0x0];
	s2 =	stileid.u32  }
0x4a: {  	s1 =	rddreg [dreg:$0x1];
	p0 =	sne.s32 s2, $0x0  }
0x4b: {  	s3 =	rddreg [dreg:$0x2];
	[bflag:$0x3] =	sbarrier.arrive $0xFFFF;
	s2 =	simm.s32 @!p0 $0x1C01  }
0x4c: {  	[timem:s3], [sflag:s2] =	dma.local @!p0 [hbm:s0], s1  }
0x4d: {  	s0 =	simm.s32 @!p0 $0x1  }
0x4e: {  	_ =	swait.ge @!p0 [sflag:s0], s1  }
0x4f: {  	s1 =	ssub.s32 @!p0 $0x0, s1;
	[sflag:s0] =	ssyncset.done @!p0 $0x0  }
0x50: {  	[sflag:s0] =	ssyncadd.s32 @!p0 s1  }
0x51: {  	[bflag:$0x3] =	sbarrier.arrive $0xFFFF  }
0x52: {  	_ =	shalt  }

</sc_bundles>
